<compile_context>
chip_gen: v7x
topology: tpu7x:2x2x1
jax: 0.10.2.dev20260603
libtpu: 0.0.44.dev20260713+nightly
codegen_flags: <defaults>
</compile_context>

<pallas_src>
import functools

import jax
import jax.numpy as jnp
from jax import lax
from jax.experimental import pallas as pl
from jax.experimental.pallas import tpu as pltpu
from jax.experimental.pallas import tpu_sc as plsc

NC = 2
NS = 16
NW = NC * NS
R = 64
D = 128
NSLOT = 10
K = 8


@functools.cache
def _gather_kernel(total_rows: int):
  rows_per_w = total_rows // NW
  steps = rows_per_w // R
  nouter = steps // NSLOT
  assert steps % NSLOT == 0 and K < NSLOT and nouter >= 2
  mesh = plsc.VectorSubcoreMesh(core_axis_name="c", subcore_axis_name="s")

  @functools.partial(
      pl.kernel,
      out_type=jax.ShapeDtypeStruct((total_rows, D), jnp.float32),
      mesh=mesh,
      scratch_types=[
          pltpu.VMEM((rows_per_w,), jnp.int32),
          pltpu.VMEM((NSLOT, R, D), jnp.float32),
          pltpu.SemaphoreType.DMA((NSLOT,)),
          pltpu.SemaphoreType.DMA((NSLOT,)),
      ],
  )
  def k(idx_hbm, table_hbm, out_hbm, idx_v, bufs, gsem, wsem):
    wid = lax.axis_index("s") * NC + lax.axis_index("c")
    base = wid * rows_per_w
    pltpu.sync_copy(idx_hbm.at[pl.ds(base, rows_per_w)], idx_v)

    def gstart(j, b):
      pltpu.async_copy(
          table_hbm.at[idx_v.at[pl.ds(j * R, R)]], bufs.at[b], gsem.at[b]
      )

    def gwait(j, b):
      pltpu.make_async_copy(
          table_hbm.at[idx_v.at[pl.ds(j * R, R)]], bufs.at[b], gsem.at[b]
      ).wait()

    def wstart(j, b):
      pltpu.async_copy(
          bufs.at[b], out_hbm.at[pl.ds(base + j * R, R)], wsem.at[b]
      )

    def wwait(b):
      pltpu.make_async_copy(
          bufs.at[b], out_hbm.at[pl.ds(base, R)], wsem.at[b]
      ).wait()

    for m in range(K):
      gstart(m, m)

    for b in range(NSLOT):
      sb = (b + K) % NSLOT
      if b + K >= NSLOT:
        wwait(sb)
      gstart(b + K, sb)
      gwait(b, b)
      wstart(b, b)

    def outer(g, carry):
      j0 = g * NSLOT
      for b in range(NSLOT):
        j = j0 + b
        sb = (b + K) % NSLOT
        wwait(sb)
        gstart(j + K, sb)
        gwait(j, b)
        wstart(j, b)
      return carry

    lax.fori_loop(1, nouter - 1, outer, 0)

    j0 = (nouter - 1) * NSLOT
    for b in range(NSLOT):
      j = j0 + b
      sb = (b + K) % NSLOT
      if j + K < steps:
        wwait(sb)
        gstart(j + K, sb)
      gwait(j, b)
      wstart(j, b)

    for b in range(NSLOT):
      wwait(b)

  return k


def kernel(xs, table):
  b, s = xs.shape
  total = b * s
  idx = xs.astype(jnp.int32).T.reshape(total)
  out = _gather_kernel(total)(idx, table)
  return out.reshape(s, b, D).transpose(1, 0, 2)

# --- scband reference (transcript-rebuilt; emitter-appended) ---
"""Pipeline reference for scband-embed-layer-10866267258941 (READ-ONLY COPY).

The authoritative reference and input builder live on the scoring server;
editing this copy changes nothing except your own understanding.
"""

import jax, jax.numpy as jnp
import numpy as np

NUM_EMBEDDINGS = 100000
EMBEDDING_DIM = 128
BATCH = 4096
SEQ = 50

def setup_inputs(seed: int = 0) -> dict:
    key = jax.random.key(seed)
    k_idx, k_tab = jax.random.split(key)
    xs = jax.random.randint(k_idx, (BATCH, SEQ), 0, NUM_EMBEDDINGS, dtype=jnp.int64) if jax.config.jax_enable_x64 else jax.random.randint(k_idx, (BATCH, SEQ), 0, NUM_EMBEDDINGS, dtype=jnp.int32)
    table = jax.random.normal(k_tab, (NUM_EMBEDDINGS, EMBEDDING_DIM), dtype=jnp.float32)
    return {"xs": xs, "table": table}

def reference(xs, table):
    # nn.Embedding forward: gather rows of the embedding table
    embeds = jnp.take(table, xs, axis=0)  # [batch, seq, dim]
    return embeds

if __name__ == "__main__":
    import jax
    _d = setup_inputs()
    print(jax.jit(kernel)(*tuple(_d.values())))

</pallas_src>

<mosaic_0001>
#map = affine_map<(d0, d1) -> (0)>
#map1 = affine_map<(d0, d1) -> (0, 0)>
module attributes {stable_mosaic.version = 14 : i64} {
  func.func @k(%arg0: i32, %arg1: i32, %arg2: memref<204800xi32, #tpu.memory_space<hbm>>, %arg3: memref<100000x128xf32, #tpu.memory_space<hbm>>, %arg4: memref<204800x128xf32, #tpu.memory_space<hbm>>, %arg5: memref<6400xi32, #tpu.memory_space<vmem>>, %arg6: memref<10x64x128xf32, #tpu.memory_space<vmem>>, %arg7: memref<10x!tpu.dma_semaphore, #tpu.memory_space<semaphore_mem>>, %arg8: memref<10x!tpu.dma_semaphore, #tpu.memory_space<semaphore_mem>>) attributes {dimension_semantics = [#tpu.dimension_semantics<core_parallel>, #tpu.dimension_semantics<subcore_parallel>], iteration_bounds = array<i64: 2, 16>, scalar_prefetch = 0 : i64, scratch_operands = 4 : i64, tpu.core_type = #tpu.core_type<sc_vector_subcore>, window_params = [{transform_indices = #map}, {transform_indices = #map1}, {transform_indices = #map1}]} {
    %mul3A = arith.constant 2 : i32
    %mul3A_0 = arith.muli %arg1, %mul3A : i32
    %add3A = arith.addi %mul3A_0, %arg0 : i32
    %mul3A_1 = arith.constant 6400 : i32
    %mul3A_2 = arith.muli %add3A, %mul3A_1 : i32
    "tpu.region"() ({
      %run_scoped3A = tpu.sem_alloc : memref<!tpu.dma_semaphore, #tpu.memory_space<semaphore_mem>>
      %dma_start3A_1206 = tpu.memref_slice %arg2[%mul3A_2] : memref<204800xi32, #tpu.memory_space<hbm>> -> memref<6400xi32, #tpu.memory_space<hbm>>
      %dma_start3A_1207 = tpu.memref_slice %arg2[%mul3A_2] : memref<204800xi32, #tpu.memory_space<hbm>> -> memref<6400xi32, #tpu.memory_space<hbm>>
      tpu.enqueue_dma source(%dma_start3A_1207 : memref<6400xi32, #tpu.memory_space<hbm>>) target(%arg5 : memref<6400xi32, #tpu.memory_space<vmem>>) target_semaphore(%run_scoped3A : memref<!tpu.dma_semaphore, #tpu.memory_space<semaphore_mem>>)
      %dma_wait3A_1208 = tpu.memref_slice %arg2[%mul3A_2] : memref<204800xi32, #tpu.memory_space<hbm>> -> memref<6400xi32, #tpu.memory_space<hbm>>
      %dma_wait3A_1209 = tpu.memref_slice %arg2[%mul3A_2] : memref<204800xi32, #tpu.memory_space<hbm>> -> memref<6400xi32, #tpu.memory_space<hbm>>
      tpu.wait_dma2 semaphore(%run_scoped3A : memref<!tpu.dma_semaphore, #tpu.memory_space<semaphore_mem>>) src(%dma_wait3A_1209 : memref<6400xi32, #tpu.memory_space<hbm>>) dst(%arg5 : memref<6400xi32, #tpu.memory_space<vmem>>)
      tpu.yield
    }) : () -> ()
    %dma_start3A = arith.constant 0 : i32
    %dma_start3A_3 = arith.constant 0 : i32
    %dma_start3A_4 = arith.constant 0 : i32
    %dma_start3A_5 = arith.constant 0 : i32
    %dma_start3A_6 = tpu.memref_slice %arg6[%dma_start3A, %dma_start3A_4, %dma_start3A_5] : memref<10x64x128xf32, #tpu.memory_space<vmem>> -> memref<1x64x128xf32, #tpu.memory_space<vmem>>
    %dma_start3A_7 = tpu.memref_squeeze %dma_start3A_6 : memref<1x64x128xf32, #tpu.memory_space<vmem>> -> memref<64x128xf32, #tpu.memory_space<vmem>>
    %dma_start3A_8 = arith.constant 0 : i32
    %dma_start3A_9 = tpu.memref_slice %arg5[%dma_start3A_8] : memref<6400xi32, #tpu.memory_space<vmem>> -> memref<64xi32, #tpu.memory_space<vmem>>
    %dma_start3A_10 = arith.constant 0 : i32
    %dma_start3A_11 = arith.constant 0 : i32
    %dma_start3A_12 = tpu.memref_slice %arg3[%dma_start3A_10, %dma_start3A_11] : memref<100000x128xf32, #tpu.memory_space<hbm>> -> memref<100000x128xf32, #tpu.memory_space<hbm>>
    %dma_start3A_13 = tpu.memref_slice %arg7[%dma_start3A_3] : memref<10x!tpu.dma_semaphore, #tpu.memory_space<semaphore_mem>> -> memref<1x!tpu.dma_semaphore, #tpu.memory_space<semaphore_mem>>
    %dma_start3A_14 = tpu.memref_squeeze %dma_start3A_13 : memref<1x!tpu.dma_semaphore, #tpu.memory_space<semaphore_mem>> -> memref<!tpu.dma_semaphore, #tpu.memory_space<semaphore_mem>>
    tpu.enqueue_indirect_dma source(%dma_start3A_12 : memref<100000x128xf32, #tpu.memory_space<hbm>>) target(%dma_start3A_7 : memref<64x128xf32, #tpu.memory_space<vmem>>) offsets(%dma_start3A_9 : memref<64xi32, #tpu.memory_space<vmem>>) semaphore(%dma_start3A_14 : memref<!tpu.dma_semaphore, #tpu.memory_space<semaphore_mem>>)
    %dma_start3A_15 = arith.constant 1 : i32
    %dma_start3A_16 = arith.constant 1 : i32
    %dma_start3A_17 = arith.constant 0 : i32
    %dma_start3A_18 = arith.constant 0 : i32
    %dma_start3A_19 = tpu.memref_slice %arg6[%dma_start3A_15, %dma_start3A_17, %dma_start3A_18] : memref<10x64x128xf32, #tpu.memory_space<vmem>> -> memref<1x64x128xf32, #tpu.memory_space<vmem>>
    %dma_start3A_20 = tpu.memref_squeeze %dma_start3A_19 : memref<1x64x128xf32, #tpu.memory_space<vmem>> -> memref<64x128xf32, #tpu.memory_space<vmem>>
    %dma_start3A_21 = arith.constant 64 : i32
    %dma_start3A_22 = tpu.memref_slice %arg5[%dma_start3A_21] : memref<6400xi32, #tpu.memory_space<vmem>> -> memref<64xi32, #tpu.memory_space<vmem>>
    %dma_start3A_23 = arith.constant 0 : i32
    %dma_start3A_24 = arith.constant 0 : i32
    %dma_start3A_25 = tpu.memref_slice %arg3[%dma_start3A_23, %dma_start3A_24] : memref<100000x128xf32, #tpu.memory_space<hbm>> -> memref<100000x128xf32, #tpu.memory_space<hbm>>
    %dma_start3A_26 = tpu.memref_slice %arg7[%dma_start3A_16] : memref<10x!tpu.dma_semaphore, #tpu.memory_space<semaphore_mem>> -> memref<1x!tpu.dma_semaphore, #tpu.memory_space<semaphore_mem>>
    %dma_start3A_27 = tpu.memref_squeeze %dma_start3A_26 : memref<1x!tpu.dma_semaphore, #tpu.memory_space<semaphore_mem>> -> memref<!tpu.dma_semaphore, #tpu.memory_space<semaphore_mem>>
    tpu.enqueue_indirect_dma source(%dma_start3A_25 : memref<100000x128xf32, #tpu.memory_space<hbm>>) target(%dma_start3A_20 : memref<64x128xf32, #tpu.memory_space<vmem>>) offsets(%dma_start3A_22 : memref<64xi32, #tpu.memory_space<vmem>>) semaphore(%dma_start3A_27 : memref<!tpu.dma_semaphore, #tpu.memory_space<semaphore_mem>>)
    %dma_start3A_28 = arith.constant 2 : i32
    %dma_start3A_29 = arith.constant 2 : i32
    %dma_start3A_30 = arith.constant 0 : i32
    %dma_start3A_31 = arith.constant 0 : i32
    %dma_start3A_32 = tpu.memref_slice %arg6[%dma_start3A_28, %dma_start3A_30, %dma_start3A_31] : memref<10x64x128xf32, #tpu.memory_space<vmem>> -> memref<1x64x128xf32, #tpu.memory_space<vmem>>
    %dma_start3A_33 = tpu.memref_squeeze %dma_start3A_32 : memref<1x64x128xf32, #tpu.memory_space<vmem>> -> memref<64x128xf32, #tpu.memory_space<vmem>>
    %dma_start3A_34 = arith.constant 128 : i32
    %dma_start3A_35 = tpu.memref_slice %arg5[%dma_start3A_34] : memref<6400xi32, #tpu.memory_space<vmem>> -> memref<64xi32, #tpu.memory_space<vmem>>
    %dma_start3A_36 = arith.constant 0 : i32
    %dma_start3A_37 = arith.constant 0 : i32
    %dma_start3A_38 = tpu.memref_slice %arg3[%dma_start3A_36, %dma_start3A_37] : memref<100000x128xf32, #tpu.memory_space<hbm>> -> memref<100000x128xf32, #tpu.memory_space<hbm>>
    %dma_start3A_39 = tpu.memref_slice %arg7[%dma_start3A_29] : memref<10x!tpu.dma_semaphore, #tpu.memory_space<semaphore_mem>> -> memref<1x!tpu.dma_semaphore, #tpu.memory_space<semaphore_mem>>
    %dma_start3A_40 = tpu.memref_squeeze %dma_start3A_39 : memref<1x!tpu.dma_semaphore, #tpu.memory_space<semaphore_mem>> -> memref<!tpu.dma_semaphore, #tpu.memory_space<semaphore_mem>>
    tpu.enqueue_indirect_dma source(%dma_start3A_38 : memref<100000x128xf32, #tpu.memory_space<hbm>>) target(%dma_start3A_33 : memref<64x128xf32, #tpu.memory_space<vmem>>) offsets(%dma_start3A_35 : memref<64xi32, #tpu.memory_space<vmem>>) semaphore(%dma_start3A_40 : memref<!tpu.dma_semaphore, #tpu.memory_space<semaphore_mem>>)
    %dma_start3A_41 = arith.constant 3 : i32
    %dma_start3A_42 = arith.constant 3 : i32
    %dma_start3A_43 = arith.constant 0 : i32
    %dma_start3A_44 = arith.constant 0 : i32
    %dma_start3A_45 = tpu.memref_slice %arg6[%dma_start3A_41, %dma_start3A_43, %dma_start3A_44] : memref<10x64x128xf32, #tpu.memory_space<vmem>> -> memref<1x64x128xf32, #tpu.memory_space<vmem>>
    %dma_start3A_46 = tpu.memref_squeeze %dma_start3A_45 : memref<1x64x128xf32, #tpu.memory_space<vmem>> -> memref<64x128xf32, #tpu.memory_space<vmem>>
    %dma_start3A_47 = arith.constant 192 : i32
    %dma_start3A_48 = tpu.memref_slice %arg5[%dma_start3A_47] : memref<6400xi32, #tpu.memory_space<vmem>> -> memref<64xi32, #tpu.memory_space<vmem>>
    %dma_start3A_49 = arith.constant 0 : i32
    %dma_start3A_50 = arith.constant 0 : i32
    %dma_start3A_51 = tpu.memref_slice %arg3[%dma_start3A_49, %dma_start3A_50] : memref<100000x128xf32, #tpu.memory_space<hbm>> -> memref<100000x128xf32, #tpu.memory_space<hbm>>
    %dma_start3A_52 = tpu.memref_slice %arg7[%dma_start3A_42] : memref<10x!tpu.dma_semaphore, #tpu.memory_space<semaphore_mem>> -> memref<1x!tpu.dma_semaphore, #tpu.memory_space<semaphore_mem>>
    %dma_start3A_53 = tpu.memref_squeeze %dma_start3A_52 : memref<1x!tpu.dma_semaphore, #tpu.memory_space<semaphore_mem>> -> memref<!tpu.dma_semaphore, #tpu.memory_space<semaphore_mem>>
    tpu.enqueue_indirect_dma source(%dma_start3A_51 : memref<100000x128xf32, #tpu.memory_space<hbm>>) target(%dma_start3A_46 : memref<64x128xf32, #tpu.memory_space<vmem>>) offsets(%dma_start3A_48 : memref<64xi32, #tpu.memory_space<vmem>>) semaphore(%dma_start3A_53 : memref<!tpu.dma_semaphore, #tpu.memory_space<semaphore_mem>>)
    %dma_start3A_54 = arith.constant 4 : i32
    %dma_start3A_55 = arith.constant 4 : i32
    %dma_start3A_56 = arith.constant 0 : i32
    %dma_start3A_57 = arith.constant 0 : i32
    %dma_start3A_58 = tpu.memref_slice %arg6[%dma_start3A_54, %dma_start3A_56, %dma_start3A_57] : memref<10x64x128xf32, #tpu.memory_space<vmem>> -> memref<1x64x128xf32, #tpu.memory_space<vmem>>
    %dma_start3A_59 = tpu.memref_squeeze %dma_start3A_58 : memref<1x64x128xf32, #tpu.memory_space<vmem>> -> memref<64x128xf32, #tpu.memory_space<vmem>>
    %dma_start3A_60 = arith.constant 256 : i32
    %dma_start3A_61 = tpu.memref_slice %arg5[%dma_start3A_60] : memref<6400xi32, #tpu.memory_space<vmem>> -> memref<64xi32, #tpu.memory_space<vmem>>
    %dma_start3A_62 = arith.constant 0 : i32
    %dma_start3A_63 = arith.constant 0 : i32
    %dma_start3A_64 = tpu.memref_slice %arg3[%dma_start3A_62, %dma_start3A_63] : memref<100000x128xf32, #tpu.memory_space<hbm>> -> memref<100000x128xf32, #tpu.memory_space<hbm>>
    %dma_start3A_65 = tpu.memref_slice %arg7[%dma_start3A_55] : memref<10x!tpu.dma_semaphore, #tpu.memory_space<semaphore_mem>> -> memref<1x!tpu.dma_semaphore, #tpu.memory_space<semaphore_mem>>
    %dma_start3A_66 = tpu.memref_squeeze %dma_start3A_65 : memref<1x!tpu.dma_semaphore, #tpu.memory_space<semaphore_mem>> -> memref<!tpu.dma_semaphore, #tpu.memory_space<semaphore_mem>>
    tpu.enqueue_indirect_dma source(%dma_start3A_64 : memref<100000x128xf32, #tpu.memory_space<hbm>>) target(%dma_start3A_59 : memref<64x128xf32, #tpu.memory_space<vmem>>) offsets(%dma_start3A_61 : memref<64xi32, #tpu.memory_space<vmem>>) semaphore(%dma_start3A_66 : memref<!tpu.dma_semaphore, #tpu.memory_space<semaphore_mem>>)
    %dma_start3A_67 = arith.constant 5 : i32
    %dma_start3A_68 = arith.constant 5 : i32
    %dma_start3A_69 = arith.constant 0 : i32
    %dma_start3A_70 = arith.constant 0 : i32
    %dma_start3A_71 = tpu.memref_slice %arg6[%dma_start3A_67, %dma_start3A_69, %dma_start3A_70] : memref<10x64x128xf32, #tpu.memory_space<vmem>> -> memref<1x64x128xf32, #tpu.memory_space<vmem>>
    %dma_start3A_72 = tpu.memref_squeeze %dma_start3A_71 : memref<1x64x128xf32, #tpu.memory_space<vmem>> -> memref<64x128xf32, #tpu.memory_space<vmem>>
    %dma_start3A_73 = arith.constant 320 : i32
    %dma_start3A_74 = tpu.memref_slice %arg5[%dma_start3A_73] : memref<6400xi32, #tpu.memory_space<vmem>> -> memref<64xi32, #tpu.memory_space<vmem>>
    %dma_start3A_75 = arith.constant 0 : i32
    %dma_start3A_76 = arith.constant 0 : i32
    %dma_start3A_77 = tpu.memref_slice %arg3[%dma_start3A_75, %dma_start3A_76] : memref<100000x128xf32, #tpu.memory_space<hbm>> -> memref<100000x128xf32, #tpu.memory_space<hbm>>
    %dma_start3A_78 = tpu.memref_slice %arg7[%dma_start3A_68] : memref<10x!tpu.dma_semaphore, #tpu.memory_space<semaphore_mem>> -> memref<1x!tpu.dma_semaphore, #tpu.memory_space<semaphore_mem>>
    %dma_start3A_79 = tpu.memref_squeeze %dma_start3A_78 : memref<1x!tpu.dma_semaphore, #tpu.memory_space<semaphore_mem>> -> memref<!tpu.dma_semaphore, #tpu.memory_space<semaphore_mem>>
    tpu.enqueue_indirect_dma source(%dma_start3A_77 : memref<100000x128xf32, #tpu.memory_space<hbm>>) target(%dma_start3A_72 : memref<64x128xf32, #tpu.memory_space<vmem>>) offsets(%dma_start3A_74 : memref<64xi32, #tpu.memory_space<vmem>>) semaphore(%dma_start3A_79 : memref<!tpu.dma_semaphore, #tpu.memory_space<semaphore_mem>>)
    %dma_start3A_80 = arith.constant 6 : i32
    %dma_start3A_81 = arith.constant 6 : i32
    %dma_start3A_82 = arith.constant 0 : i32
    %dma_start3A_83 = arith.constant 0 : i32
    %dma_start3A_84 = tpu.memref_slice %arg6[%dma_start3A_80, %dma_start3A_82, %dma_start3A_83] : memref<10x64x128xf32, #tpu.memory_space<vmem>> -> memref<1x64x128xf32, #tpu.memory_space<vmem>>
    %dma_start3A_85 = tpu.memref_squeeze %dma_start3A_84 : memref<1x64x128xf32, #tpu.memory_space<vmem>> -> memref<64x128xf32, #tpu.memory_space<vmem>>
    %dma_start3A_86 = arith.constant 384 : i32
    %dma_start3A_87 = tpu.memref_slice %arg5[%dma_start3A_86] : memref<6400xi32, #tpu.memory_space<vmem>> -> memref<64xi32, #tpu.memory_space<vmem>>
    %dma_start3A_88 = arith.constant 0 : i32
    %dma_start3A_89 = arith.constant 0 : i32
    %dma_start3A_90 = tpu.memref_slice %arg3[%dma_start3A_88, %dma_start3A_89] : memref<100000x128xf32, #tpu.memory_space<hbm>> -> memref<100000x128xf32, #tpu.memory_space<hbm>>
    %dma_start3A_91 = tpu.memref_slice %arg7[%dma_start3A_81] : memref<10x!tpu.dma_semaphore, #tpu.memory_space<semaphore_mem>> -> memref<1x!tpu.dma_semaphore, #tpu.memory_space<semaphore_mem>>
    %dma_start3A_92 = tpu.memref_squeeze %dma_start3A_91 : memref<1x!tpu.dma_semaphore, #tpu.memory_space<semaphore_mem>> -> memref<!tpu.dma_semaphore, #tpu.memory_space<semaphore_mem>>
    tpu.enqueue_indirect_dma source(%dma_start3A_90 : memref<100000x128xf32, #tpu.memory_space<hbm>>) target(%dma_start3A_85 : memref<64x128xf32, #tpu.memory_space<vmem>>) offsets(%dma_start3A_87 : memref<64xi32, #tpu.memory_space<vmem>>) semaphore(%dma_start3A_92 : memref<!tpu.dma_semaphore, #tpu.memory_space<semaphore_mem>>)
    %dma_start3A_93 = arith.constant 7 : i32
    %dma_start3A_94 = arith.constant 7 : i32
    %dma_start3A_95 = arith.constant 0 : i32
    %dma_start3A_96 = arith.constant 0 : i32
    %dma_start3A_97 = tpu.memref_slice %arg6[%dma_start3A_93, %dma_start3A_95, %dma_start3A_96] : memref<10x64x128xf32, #tpu.memory_space<vmem>> -> memref<1x64x128xf32, #tpu.memory_space<vmem>>
    %dma_start3A_98 = tpu.memref_squeeze %dma_start3A_97 : memref<1x64x128xf32, #tpu.memory_space<vmem>> -> memref<64x128xf32, #tpu.memory_space<vmem>>
    %dma_start3A_99 = arith.constant 448 : i32
    %dma_start3A_100 = tpu.memref_slice %arg5[%dma_start3A_99] : memref<6400xi32, #tpu.memory_space<vmem>> -> memref<64xi32, #tpu.memory_space<vmem>>
    %dma_start3A_101 = arith.constant 0 : i32
    %dma_start3A_102 = arith.constant 0 : i32
    %dma_start3A_103 = tpu.memref_slice %arg3[%dma_start3A_101, %dma_start3A_102] : memref<100000x128xf32, #tpu.memory_space<hbm>> -> memref<100000x128xf32, #tpu.memory_space<hbm>>
    %dma_start3A_104 = tpu.memref_slice %arg7[%dma_start3A_94] : memref<10x!tpu.dma_semaphore, #tpu.memory_space<semaphore_mem>> -> memref<1x!tpu.dma_semaphore, #tpu.memory_space<semaphore_mem>>
    %dma_start3A_105 = tpu.memref_squeeze %dma_start3A_104 : memref<1x!tpu.dma_semaphore, #tpu.memory_space<semaphore_mem>> -> memref<!tpu.dma_semaphore, #tpu.memory_space<semaphore_mem>>
    tpu.enqueue_indirect_dma source(%dma_start3A_103 : memref<100000x128xf32, #tpu.memory_space<hbm>>) target(%dma_start3A_98 : memref<64x128xf32, #tpu.memory_space<vmem>>) offsets(%dma_start3A_100 : memref<64xi32, #tpu.memory_space<vmem>>) semaphore(%dma_start3A_105 : memref<!tpu.dma_semaphore, #tpu.memory_space<semaphore_mem>>)
    %dma_start3A_106 = arith.constant 8 : i32
    %dma_start3A_107 = arith.constant 8 : i32
    %dma_start3A_108 = arith.constant 0 : i32
    %dma_start3A_109 = arith.constant 0 : i32
    %dma_start3A_110 = tpu.memref_slice %arg6[%dma_start3A_106, %dma_start3A_108, %dma_start3A_109] : memref<10x64x128xf32, #tpu.memory_space<vmem>> -> memref<1x64x128xf32, #tpu.memory_space<vmem>>
    %dma_start3A_111 = tpu.memref_squeeze %dma_start3A_110 : memref<1x64x128xf32, #tpu.memory_space<vmem>> -> memref<64x128xf32, #tpu.memory_space<vmem>>
    %dma_start3A_112 = arith.constant 512 : i32
    %dma_start3A_113 = tpu.memref_slice %arg5[%dma_start3A_112] : memref<6400xi32, #tpu.memory_space<vmem>> -> memref<64xi32, #tpu.memory_space<vmem>>
    %dma_start3A_114 = arith.constant 0 : i32
    %dma_start3A_115 = arith.constant 0 : i32
    %dma_start3A_116 = tpu.memref_slice %arg3[%dma_start3A_114, %dma_start3A_115] : memref<100000x128xf32, #tpu.memory_space<hbm>> -> memref<100000x128xf32, #tpu.memory_space<hbm>>
    %dma_start3A_117 = tpu.memref_slice %arg7[%dma_start3A_107] : memref<10x!tpu.dma_semaphore, #tpu.memory_space<semaphore_mem>> -> memref<1x!tpu.dma_semaphore, #tpu.memory_space<semaphore_mem>>
    %dma_start3A_118 = tpu.memref_squeeze %dma_start3A_117 : memref<1x!tpu.dma_semaphore, #tpu.memory_space<semaphore_mem>> -> memref<!tpu.dma_semaphore, #tpu.memory_space<semaphore_mem>>
    tpu.enqueue_indirect_dma source(%dma_start3A_116 : memref<100000x128xf32, #tpu.memory_space<hbm>>) target(%dma_start3A_111 : memref<64x128xf32, #tpu.memory_space<vmem>>) offsets(%dma_start3A_113 : memref<64xi32, #tpu.memory_space<vmem>>) semaphore(%dma_start3A_118 : memref<!tpu.dma_semaphore, #tpu.memory_space<semaphore_mem>>)
    %dma_wait3A = arith.constant 0 : i32
    %dma_wait3A_119 = arith.constant 0 : i32
    %dma_wait3A_120 = arith.constant 0 : i32
    %dma_wait3A_121 = arith.constant 0 : i32
    %dma_wait3A_122 = tpu.memref_slice %arg6[%dma_wait3A, %dma_wait3A_120, %dma_wait3A_121] : memref<10x64x128xf32, #tpu.memory_space<vmem>> -> memref<1x64x128xf32, #tpu.memory_space<vmem>>
    %dma_wait3A_123 = tpu.memref_squeeze %dma_wait3A_122 : memref<1x64x128xf32, #tpu.memory_space<vmem>> -> memref<64x128xf32, #tpu.memory_space<vmem>>
    %dma_wait3A_124 = arith.constant 0 : i32
    %dma_wait3A_125 = tpu.memref_slice %arg5[%dma_wait3A_124] : memref<6400xi32, #tpu.memory_space<vmem>> -> memref<64xi32, #tpu.memory_space<vmem>>
    %dma_wait3A_126 = arith.constant 0 : i32
    %dma_wait3A_127 = arith.constant 0 : i32
    %dma_wait3A_128 = tpu.memref_slice %arg3[%dma_wait3A_126, %dma_wait3A_127] : memref<100000x128xf32, #tpu.memory_space<hbm>> -> memref<100000x128xf32, #tpu.memory_space<hbm>>
    %dma_wait3A_129 = tpu.memref_slice %arg7[%dma_wait3A_119] : memref<10x!tpu.dma_semaphore, #tpu.memory_space<semaphore_mem>> -> memref<1x!tpu.dma_semaphore, #tpu.memory_space<semaphore_mem>>
    %dma_wait3A_130 = tpu.memref_squeeze %dma_wait3A_129 : memref<1x!tpu.dma_semaphore, #tpu.memory_space<semaphore_mem>> -> memref<!tpu.dma_semaphore, #tpu.memory_space<semaphore_mem>>
    tpu.wait_indirect_dma semaphore(%dma_wait3A_130 : memref<!tpu.dma_semaphore, #tpu.memory_space<semaphore_mem>>) src(%dma_wait3A_128 : memref<100000x128xf32, #tpu.memory_space<hbm>>) dst(%dma_wait3A_123 : memref<64x128xf32, #tpu.memory_space<vmem>>)
    %add3A_131 = arith.constant 0 : i32
    %add3A_132 = arith.addi %mul3A_2, %add3A_131 : i32
    %dma_start3A_133 = arith.constant 0 : i32
    %dma_start3A_134 = arith.constant 0 : i32
    %dma_start3A_135 = arith.constant 0 : i32
    %dma_start3A_136 = arith.constant 0 : i32
    %dma_start3A_137 = tpu.memref_slice %arg6[%dma_start3A_133, %dma_start3A_135, %dma_start3A_136] : memref<10x64x128xf32, #tpu.memory_space<vmem>> -> memref<1x64x128xf32, #tpu.memory_space<vmem>>
    %dma_start3A_138 = tpu.memref_squeeze %dma_start3A_137 : memref<1x64x128xf32, #tpu.memory_space<vmem>> -> memref<64x128xf32, #tpu.memory_space<vmem>>
    %dma_start3A_139 = arith.constant 0 : i32
    %dma_start3A_140 = tpu.memref_slice %arg4[%add3A_132, %dma_start3A_139] : memref<204800x128xf32, #tpu.memory_space<hbm>> -> memref<64x128xf32, #tpu.memory_space<hbm>>
    %dma_start3A_141 = tpu.memref_slice %arg8[%dma_start3A_134] : memref<10x!tpu.dma_semaphore, #tpu.memory_space<semaphore_mem>> -> memref<1x!tpu.dma_semaphore, #tpu.memory_space<semaphore_mem>>
    %dma_start3A_142 = tpu.memref_squeeze %dma_start3A_141 : memref<1x!tpu.dma_semaphore, #tpu.memory_space<semaphore_mem>> -> memref<!tpu.dma_semaphore, #tpu.memory_space<semaphore_mem>>
    %dma_start3A_143 = arith.constant 0 : i32
    %dma_start3A_144 = tpu.memref_slice %arg4[%add3A_132, %dma_start3A_143] : memref<204800x128xf32, #tpu.memory_space<hbm>> -> memref<64x128xf32, #tpu.memory_space<hbm>>
    %dma_start3A_145 = arith.constant 0 : i32
    %dma_start3A_146 = arith.constant 0 : i32
    %dma_start3A_147 = tpu.memref_slice %arg6[%dma_start3A_133, %dma_start3A_145, %dma_start3A_146] : memref<10x64x128xf32, #tpu.memory_space<vmem>> -> memref<1x64x128xf32, #tpu.memory_space<vmem>>
    %dma_start3A_148 = tpu.memref_squeeze %dma_start3A_147 : memref<1x64x128xf32, #tpu.memory_space<vmem>> -> memref<64x128xf32, #tpu.memory_space<vmem>>
    tpu.enqueue_dma source(%dma_start3A_148 : memref<64x128xf32, #tpu.memory_space<vmem>>) target(%dma_start3A_144 : memref<64x128xf32, #tpu.memory_space<hbm>>) target_semaphore(%dma_start3A_142 : memref<!tpu.dma_semaphore, #tpu.memory_space<semaphore_mem>>)
    %dma_start3A_149 = arith.constant 9 : i32
    %dma_start3A_150 = arith.constant 9 : i32
    %dma_start3A_151 = arith.constant 0 : i32
    %dma_start3A_152 = arith.constant 0 : i32
    %dma_start3A_153 = tpu.memref_slice %arg6[%dma_start3A_149, %dma_start3A_151, %dma_start3A_152] : memref<10x64x128xf32, #tpu.memory_space<vmem>> -> memref<1x64x128xf32, #tpu.memory_space<vmem>>
    %dma_start3A_154 = tpu.memref_squeeze %dma_start3A_153 : memref<1x64x128xf32, #tpu.memory_space<vmem>> -> memref<64x128xf32, #tpu.memory_space<vmem>>
    %dma_start3A_155 = arith.constant 576 : i32
    %dma_start3A_156 = tpu.memref_slice %arg5[%dma_start3A_155] : memref<6400xi32, #tpu.memory_space<vmem>> -> memref<64xi32, #tpu.memory_space<vmem>>
    %dma_start3A_157 = arith.constant 0 : i32
    %dma_start3A_158 = arith.constant 0 : i32
    %dma_start3A_159 = tpu.memref_slice %arg3[%dma_start3A_157, %dma_start3A_158] : memref<100000x128xf32, #tpu.memory_space<hbm>> -> memref<100000x128xf32, #tpu.memory_space<hbm>>
    %dma_start3A_160 = tpu.memref_slice %arg7[%dma_start3A_150] : memref<10x!tpu.dma_semaphore, #tpu.memory_space<semaphore_mem>> -> memref<1x!tpu.dma_semaphore, #tpu.memory_space<semaphore_mem>>
    %dma_start3A_161 = tpu.memref_squeeze %dma_start3A_160 : memref<1x!tpu.dma_semaphore, #tpu.memory_space<semaphore_mem>> -> memref<!tpu.dma_semaphore, #tpu.memory_space<semaphore_mem>>
    tpu.enqueue_indirect_dma source(%dma_start3A_159 : memref<100000x128xf32, #tpu.memory_space<hbm>>) target(%dma_start3A_154 : memref<64x128xf32, #tpu.memory_space<vmem>>) offsets(%dma_start3A_156 : memref<64xi32, #tpu.memory_space<vmem>>) semaphore(%dma_start3A_161 : memref<!tpu.dma_semaphore, #tpu.memory_space<semaphore_mem>>)
    %dma_wait3A_162 = arith.constant 1 : i32
    %dma_wait3A_163 = arith.constant 1 : i32
    %dma_wait3A_164 = arith.constant 0 : i32
    %dma_wait3A_165 = arith.constant 0 : i32
    %dma_wait3A_166 = tpu.memref_slice %arg6[%dma_wait3A_162, %dma_wait3A_164, %dma_wait3A_165] : memref<10x64x128xf32, #tpu.memory_space<vmem>> -> memref<1x64x128xf32, #tpu.memory_space<vmem>>
    %dma_wait3A_167 = tpu.memref_squeeze %dma_wait3A_166 : memref<1x64x128xf32, #tpu.memory_space<vmem>> -> memref<64x128xf32, #tpu.memory_space<vmem>>
    %dma_wait3A_168 = arith.constant 64 : i32
    %dma_wait3A_169 = tpu.memref_slice %arg5[%dma_wait3A_168] : memref<6400xi32, #tpu.memory_space<vmem>> -> memref<64xi32, #tpu.memory_space<vmem>>
    %dma_wait3A_170 = arith.constant 0 : i32
    %dma_wait3A_171 = arith.constant 0 : i32
    %dma_wait3A_172 = tpu.memref_slice %arg3[%dma_wait3A_170, %dma_wait3A_171] : memref<100000x128xf32, #tpu.memory_space<hbm>> -> memref<100000x128xf32, #tpu.memory_space<hbm>>
    %dma_wait3A_173 = tpu.memref_slice %arg7[%dma_wait3A_163] : memref<10x!tpu.dma_semaphore, #tpu.memory_space<semaphore_mem>> -> memref<1x!tpu.dma_semaphore, #tpu.memory_space<semaphore_mem>>
    %dma_wait3A_174 = tpu.memref_squeeze %dma_wait3A_173 : memref<1x!tpu.dma_semaphore, #tpu.memory_space<semaphore_mem>> -> memref<!tpu.dma_semaphore, #tpu.memory_space<semaphore_mem>>
    tpu.wait_indirect_dma semaphore(%dma_wait3A_174 : memref<!tpu.dma_semaphore, #tpu.memory_space<semaphore_mem>>) src(%dma_wait3A_172 : memref<100000x128xf32, #tpu.memory_space<hbm>>) dst(%dma_wait3A_167 : memref<64x128xf32, #tpu.memory_space<vmem>>)
    %add3A_175 = arith.constant 64 : i32
    %add3A_176 = arith.addi %mul3A_2, %add3A_175 : i32
    %dma_start3A_177 = arith.constant 1 : i32
    %dma_start3A_178 = arith.constant 1 : i32
    %dma_start3A_179 = arith.constant 0 : i32
    %dma_start3A_180 = arith.constant 0 : i32
    %dma_start3A_181 = tpu.memref_slice %arg6[%dma_start3A_177, %dma_start3A_179, %dma_start3A_180] : memref<10x64x128xf32, #tpu.memory_space<vmem>> -> memref<1x64x128xf32, #tpu.memory_space<vmem>>
    %dma_start3A_182 = tpu.memref_squeeze %dma_start3A_181 : memref<1x64x128xf32, #tpu.memory_space<vmem>> -> memref<64x128xf32, #tpu.memory_space<vmem>>
    %dma_start3A_183 = arith.constant 0 : i32
    %dma_start3A_184 = tpu.memref_slice %arg4[%add3A_176, %dma_start3A_183] : memref<204800x128xf32, #tpu.memory_space<hbm>> -> memref<64x128xf32, #tpu.memory_space<hbm>>
    %dma_start3A_185 = tpu.memref_slice %arg8[%dma_start3A_178] : memref<10x!tpu.dma_semaphore, #tpu.memory_space<semaphore_mem>> -> memref<1x!tpu.dma_semaphore, #tpu.memory_space<semaphore_mem>>
    %dma_start3A_186 = tpu.memref_squeeze %dma_start3A_185 : memref<1x!tpu.dma_semaphore, #tpu.memory_space<semaphore_mem>> -> memref<!tpu.dma_semaphore, #tpu.memory_space<semaphore_mem>>
    %dma_start3A_187 = arith.constant 0 : i32
    %dma_start3A_188 = tpu.memref_slice %arg4[%add3A_176, %dma_start3A_187] : memref<204800x128xf32, #tpu.memory_space<hbm>> -> memref<64x128xf32, #tpu.memory_space<hbm>>
    %dma_start3A_189 = arith.constant 0 : i32
    %dma_start3A_190 = arith.constant 0 : i32
    %dma_start3A_191 = tpu.memref_slice %arg6[%dma_start3A_177, %dma_start3A_189, %dma_start3A_190] : memref<10x64x128xf32, #tpu.memory_space<vmem>> -> memref<1x64x128xf32, #tpu.memory_space<vmem>>
    %dma_start3A_192 = tpu.memref_squeeze %dma_start3A_191 : memref<1x64x128xf32, #tpu.memory_space<vmem>> -> memref<64x128xf32, #tpu.memory_space<vmem>>
    tpu.enqueue_dma source(%dma_start3A_192 : memref<64x128xf32, #tpu.memory_space<vmem>>) target(%dma_start3A_188 : memref<64x128xf32, #tpu.memory_space<hbm>>) target_semaphore(%dma_start3A_186 : memref<!tpu.dma_semaphore, #tpu.memory_space<semaphore_mem>>)
    %dma_wait3A_193 = arith.constant 0 : i32
    %dma_wait3A_194 = arith.constant 0 : i32
    %dma_wait3A_195 = arith.constant 0 : i32
    %dma_wait3A_196 = arith.constant 0 : i32
    %dma_wait3A_197 = tpu.memref_slice %arg6[%dma_wait3A_193, %dma_wait3A_195, %dma_wait3A_196] : memref<10x64x128xf32, #tpu.memory_space<vmem>> -> memref<1x64x128xf32, #tpu.memory_space<vmem>>
    %dma_wait3A_198 = tpu.memref_squeeze %dma_wait3A_197 : memref<1x64x128xf32, #tpu.memory_space<vmem>> -> memref<64x128xf32, #tpu.memory_space<vmem>>
    %dma_wait3A_199 = arith.constant 0 : i32
    %dma_wait3A_200 = tpu.memref_slice %arg4[%mul3A_2, %dma_wait3A_199] : memref<204800x128xf32, #tpu.memory_space<hbm>> -> memref<64x128xf32, #tpu.memory_space<hbm>>
    %dma_wait3A_201 = tpu.memref_slice %arg8[%dma_wait3A_194] : memref<10x!tpu.dma_semaphore, #tpu.memory_space<semaphore_mem>> -> memref<1x!tpu.dma_semaphore, #tpu.memory_space<semaphore_mem>>
    %dma_wait3A_202 = tpu.memref_squeeze %dma_wait3A_201 : memref<1x!tpu.dma_semaphore, #tpu.memory_space<semaphore_mem>> -> memref<!tpu.dma_semaphore, #tpu.memory_space<semaphore_mem>>
    %dma_wait3A_203 = arith.constant 0 : i32
    %dma_wait3A_204 = tpu.memref_slice %arg4[%mul3A_2, %dma_wait3A_203] : memref<204800x128xf32, #tpu.memory_space<hbm>> -> memref<64x128xf32, #tpu.memory_space<hbm>>
    %dma_wait3A_205 = arith.constant 0 : i32
    %dma_wait3A_206 = arith.constant 0 : i32
    %dma_wait3A_207 = tpu.memref_slice %arg6[%dma_wait3A_193, %dma_wait3A_205, %dma_wait3A_206] : memref<10x64x128xf32, #tpu.memory_space<vmem>> -> memref<1x64x128xf32, #tpu.memory_space<vmem>>
    %dma_wait3A_208 = tpu.memref_squeeze %dma_wait3A_207 : memref<1x64x128xf32, #tpu.memory_space<vmem>> -> memref<64x128xf32, #tpu.memory_space<vmem>>
    tpu.wait_dma2 semaphore(%dma_wait3A_202 : memref<!tpu.dma_semaphore, #tpu.memory_space<semaphore_mem>>) src(%dma_wait3A_208 : memref<64x128xf32, #tpu.memory_space<vmem>>) dst(%dma_wait3A_204 : memref<64x128xf32, #tpu.memory_space<hbm>>)
    %dma_start3A_209 = arith.constant 0 : i32
    %dma_start3A_210 = arith.constant 0 : i32
    %dma_start3A_211 = arith.constant 0 : i32
    %dma_start3A_212 = arith.constant 0 : i32
    %dma_start3A_213 = tpu.memref_slice %arg6[%dma_start3A_209, %dma_start3A_211, %dma_start3A_212] : memref<10x64x128xf32, #tpu.memory_space<vmem>> -> memref<1x64x128xf32, #tpu.memory_space<vmem>>
    %dma_start3A_214 = tpu.memref_squeeze %dma_start3A_213 : memref<1x64x128xf32, #tpu.memory_space<vmem>> -> memref<64x128xf32, #tpu.memory_space<vmem>>
    %dma_start3A_215 = arith.constant 640 : i32
    %dma_start3A_216 = tpu.memref_slice %arg5[%dma_start3A_215] : memref<6400xi32, #tpu.memory_space<vmem>> -> memref<64xi32, #tpu.memory_space<vmem>>
    %dma_start3A_217 = arith.constant 0 : i32
    %dma_start3A_218 = arith.constant 0 : i32
    %dma_start3A_219 = tpu.memref_slice %arg3[%dma_start3A_217, %dma_start3A_218] : memref<100000x128xf32, #tpu.memory_space<hbm>> -> memref<100000x128xf32, #tpu.memory_space<hbm>>
    %dma_start3A_220 = tpu.memref_slice %arg7[%dma_start3A_210] : memref<10x!tpu.dma_semaphore, #tpu.memory_space<semaphore_mem>> -> memref<1x!tpu.dma_semaphore, #tpu.memory_space<semaphore_mem>>
    %dma_start3A_221 = tpu.memref_squeeze %dma_start3A_220 : memref<1x!tpu.dma_semaphore, #tpu.memory_space<semaphore_mem>> -> memref<!tpu.dma_semaphore, #tpu.memory_space<semaphore_mem>>
    tpu.enqueue_indirect_dma source(%dma_start3A_219 : memref<100000x128xf32, #tpu.memory_space<hbm>>) target(%dma_start3A_214 : memref<64x128xf32, #tpu.memory_space<vmem>>) offsets(%dma_start3A_216 : memref<64xi32, #tpu.memory_space<vmem>>) semaphore(%dma_start3A_221 : memref<!tpu.dma_semaphore, #tpu.memory_space<semaphore_mem>>)
    %dma_wait3A_222 = arith.constant 2 : i32
    %dma_wait3A_223 = arith.constant 2 : i32
    %dma_wait3A_224 = arith.constant 0 : i32
    %dma_wait3A_225 = arith.constant 0 : i32
    %dma_wait3A_226 = tpu.memref_slice %arg6[%dma_wait3A_222, %dma_wait3A_224, %dma_wait3A_225] : memref<10x64x128xf32, #tpu.memory_space<vmem>> -> memref<1x64x128xf32, #tpu.memory_space<vmem>>
    %dma_wait3A_227 = tpu.memref_squeeze %dma_wait3A_226 : memref<1x64x128xf32, #tpu.memory_space<vmem>> -> memref<64x128xf32, #tpu.memory_space<vmem>>
    %dma_wait3A_228 = arith.constant 128 : i32
    %dma_wait3A_229 = tpu.memref_slice %arg5[%dma_wait3A_228] : memref<6400xi32, #tpu.memory_space<vmem>> -> memref<64xi32, #tpu.memory_space<vmem>>
    %dma_wait3A_230 = arith.constant 0 : i32
    %dma_wait3A_231 = arith.constant 0 : i32
    %dma_wait3A_232 = tpu.memref_slice %arg3[%dma_wait3A_230, %dma_wait3A_231] : memref<100000x128xf32, #tpu.memory_space<hbm>> -> memref<100000x128xf32, #tpu.memory_space<hbm>>
    %dma_wait3A_233 = tpu.memref_slice %arg7[%dma_wait3A_223] : memref<10x!tpu.dma_semaphore, #tpu.memory_space<semaphore_mem>> -> memref<1x!tpu.dma_semaphore, #tpu.memory_space<semaphore_mem>>
    %dma_wait3A_234 = tpu.memref_squeeze %dma_wait3A_233 : memref<1x!tpu.dma_semaphore, #tpu.memory_space<semaphore_mem>> -> memref<!tpu.dma_semaphore, #tpu.memory_space<semaphore_mem>>
    tpu.wait_indirect_dma semaphore(%dma_wait3A_234 : memref<!tpu.dma_semaphore, #tpu.memory_space<semaphore_mem>>) src(%dma_wait3A_232 : memref<100000x128xf32, #tpu.memory_space<hbm>>) dst(%dma_wait3A_227 : memref<64x128xf32, #tpu.memory_space<vmem>>)
    %add3A_235 = arith.constant 128 : i32
    %add3A_236 = arith.addi %mul3A_2, %add3A_235 : i32
    %dma_start3A_237 = arith.constant 2 : i32
    %dma_start3A_238 = arith.constant 2 : i32
    %dma_start3A_239 = arith.constant 0 : i32
    %dma_start3A_240 = arith.constant 0 : i32
    %dma_start3A_241 = tpu.memref_slice %arg6[%dma_start3A_237, %dma_start3A_239, %dma_start3A_240] : memref<10x64x128xf32, #tpu.memory_space<vmem>> -> memref<1x64x128xf32, #tpu.memory_space<vmem>>
    %dma_start3A_242 = tpu.memref_squeeze %dma_start3A_241 : memref<1x64x128xf32, #tpu.memory_space<vmem>> -> memref<64x128xf32, #tpu.memory_space<vmem>>
    %dma_start3A_243 = arith.constant 0 : i32
    %dma_start3A_244 = tpu.memref_slice %arg4[%add3A_236, %dma_start3A_243] : memref<204800x128xf32, #tpu.memory_space<hbm>> -> memref<64x128xf32, #tpu.memory_space<hbm>>
    %dma_start3A_245 = tpu.memref_slice %arg8[%dma_start3A_238] : memref<10x!tpu.dma_semaphore, #tpu.memory_space<semaphore_mem>> -> memref<1x!tpu.dma_semaphore, #tpu.memory_space<semaphore_mem>>
    %dma_start3A_246 = tpu.memref_squeeze %dma_start3A_245 : memref<1x!tpu.dma_semaphore, #tpu.memory_space<semaphore_mem>> -> memref<!tpu.dma_semaphore, #tpu.memory_space<semaphore_mem>>
    %dma_start3A_247 = arith.constant 0 : i32
    %dma_start3A_248 = tpu.memref_slice %arg4[%add3A_236, %dma_start3A_247] : memref<204800x128xf32, #tpu.memory_space<hbm>> -> memref<64x128xf32, #tpu.memory_space<hbm>>
    %dma_start3A_249 = arith.constant 0 : i32
    %dma_start3A_250 = arith.constant 0 : i32
    %dma_start3A_251 = tpu.memref_slice %arg6[%dma_start3A_237, %dma_start3A_249, %dma_start3A_250] : memref<10x64x128xf32, #tpu.memory_space<vmem>> -> memref<1x64x128xf32, #tpu.memory_space<vmem>>
    %dma_start3A_252 = tpu.memref_squeeze %dma_start3A_251 : memref<1x64x128xf32, #tpu.memory_space<vmem>> -> memref<64x128xf32, #tpu.memory_space<vmem>>
    tpu.enqueue_dma source(%dma_start3A_252 : memref<64x128xf32, #tpu.memory_space<vmem>>) target(%dma_start3A_248 : memref<64x128xf32, #tpu.memory_space<hbm>>) target_semaphore(%dma_start3A_246 : memref<!tpu.dma_semaphore, #tpu.memory_space<semaphore_mem>>)
    %dma_wait3A_253 = arith.constant 1 : i32
    %dma_wait3A_254 = arith.constant 1 : i32
    %dma_wait3A_255 = arith.constant 0 : i32
    %dma_wait3A_256 = arith.constant 0 : i32
    %dma_wait3A_257 = tpu.memref_slice %arg6[%dma_wait3A_253, %dma_wait3A_255, %dma_wait3A_256] : memref<10x64x128xf32, #tpu.memory_space<vmem>> -> memref<1x64x128xf32, #tpu.memory_space<vmem>>
    %dma_wait3A_258 = tpu.memref_squeeze %dma_wait3A_257 : memref<1x64x128xf32, #tpu.memory_space<vmem>> -> memref<64x128xf32, #tpu.memory_space<vmem>>
    %dma_wait3A_259 = arith.constant 0 : i32
    %dma_wait3A_260 = tpu.memref_slice %arg4[%mul3A_2, %dma_wait3A_259] : memref<204800x128xf32, #tpu.memory_space<hbm>> -> memref<64x128xf32, #tpu.memory_space<hbm>>
    %dma_wait3A_261 = tpu.memref_slice %arg8[%dma_wait3A_254] : memref<10x!tpu.dma_semaphore, #tpu.memory_space<semaphore_mem>> -> memref<1x!tpu.dma_semaphore, #tpu.memory_space<semaphore_mem>>
    %dma_wait3A_262 = tpu.memref_squeeze %dma_wait3A_261 : memref<1x!tpu.dma_semaphore, #tpu.memory_space<semaphore_mem>> -> memref<!tpu.dma_semaphore, #tpu.memory_space<semaphore_mem>>
    %dma_wait3A_263 = arith.constant 0 : i32
    %dma_wait3A_264 = tpu.memref_slice %arg4[%mul3A_2, %dma_wait3A_263] : memref<204800x128xf32, #tpu.memory_space<hbm>> -> memref<64x128xf32, #tpu.memory_space<hbm>>
    %dma_wait3A_265 = arith.constant 0 : i32
    %dma_wait3A_266 = arith.constant 0 : i32
    %dma_wait3A_267 = tpu.memref_slice %arg6[%dma_wait3A_253, %dma_wait3A_265, %dma_wait3A_266] : memref<10x64x128xf32, #tpu.memory_space<vmem>> -> memref<1x64x128xf32, #tpu.memory_space<vmem>>
    %dma_wait3A_268 = tpu.memref_squeeze %dma_wait3A_267 : memref<1x64x128xf32, #tpu.memory_space<vmem>> -> memref<64x128xf32, #tpu.memory_space<vmem>>
    tpu.wait_dma2 semaphore(%dma_wait3A_262 : memref<!tpu.dma_semaphore, #tpu.memory_space<semaphore_mem>>) src(%dma_wait3A_268 : memref<64x128xf32, #tpu.memory_space<vmem>>) dst(%dma_wait3A_264 : memref<64x128xf32, #tpu.memory_space<hbm>>)
    %dma_start3A_269 = arith.constant 1 : i32
    %dma_start3A_270 = arith.constant 1 : i32
    %dma_start3A_271 = arith.constant 0 : i32
    %dma_start3A_272 = arith.constant 0 : i32
    %dma_start3A_273 = tpu.memref_slice %arg6[%dma_start3A_269, %dma_start3A_271, %dma_start3A_272] : memref<10x64x128xf32, #tpu.memory_space<vmem>> -> memref<1x64x128xf32, #tpu.memory_space<vmem>>
    %dma_start3A_274 = tpu.memref_squeeze %dma_start3A_273 : memref<1x64x128xf32, #tpu.memory_space<vmem>> -> memref<64x128xf32, #tpu.memory_space<vmem>>
    %dma_start3A_275 = arith.constant 704 : i32
    %dma_start3A_276 = tpu.memref_slice %arg5[%dma_start3A_275] : memref<6400xi32, #tpu.memory_space<vmem>> -> memref<64xi32, #tpu.memory_space<vmem>>
    %dma_start3A_277 = arith.constant 0 : i32
    %dma_start3A_278 = arith.constant 0 : i32
    %dma_start3A_279 = tpu.memref_slice %arg3[%dma_start3A_277, %dma_start3A_278] : memref<100000x128xf32, #tpu.memory_space<hbm>> -> memref<100000x128xf32, #tpu.memory_space<hbm>>
    %dma_start3A_280 = tpu.memref_slice %arg7[%dma_start3A_270] : memref<10x!tpu.dma_semaphore, #tpu.memory_space<semaphore_mem>> -> memref<1x!tpu.dma_semaphore, #tpu.memory_space<semaphore_mem>>
    %dma_start3A_281 = tpu.memref_squeeze %dma_start3A_280 : memref<1x!tpu.dma_semaphore, #tpu.memory_space<semaphore_mem>> -> memref<!tpu.dma_semaphore, #tpu.memory_space<semaphore_mem>>
    tpu.enqueue_indirect_dma source(%dma_start3A_279 : memref<100000x128xf32, #tpu.memory_space<hbm>>) target(%dma_start3A_274 : memref<64x128xf32, #tpu.memory_space<vmem>>) offsets(%dma_start3A_276 : memref<64xi32, #tpu.memory_space<vmem>>) semaphore(%dma_start3A_281 : memref<!tpu.dma_semaphore, #tpu.memory_space<semaphore_mem>>)
    %dma_wait3A_282 = arith.constant 3 : i32
    %dma_wait3A_283 = arith.constant 3 : i32
    %dma_wait3A_284 = arith.constant 0 : i32
    %dma_wait3A_285 = arith.constant 0 : i32
    %dma_wait3A_286 = tpu.memref_slice %arg6[%dma_wait3A_282, %dma_wait3A_284, %dma_wait3A_285] : memref<10x64x128xf32, #tpu.memory_space<vmem>> -> memref<1x64x128xf32, #tpu.memory_space<vmem>>
    %dma_wait3A_287 = tpu.memref_squeeze %dma_wait3A_286 : memref<1x64x128xf32, #tpu.memory_space<vmem>> -> memref<64x128xf32, #tpu.memory_space<vmem>>
    %dma_wait3A_288 = arith.constant 192 : i32
    %dma_wait3A_289 = tpu.memref_slice %arg5[%dma_wait3A_288] : memref<6400xi32, #tpu.memory_space<vmem>> -> memref<64xi32, #tpu.memory_space<vmem>>
    %dma_wait3A_290 = arith.constant 0 : i32
    %dma_wait3A_291 = arith.constant 0 : i32
    %dma_wait3A_292 = tpu.memref_slice %arg3[%dma_wait3A_290, %dma_wait3A_291] : memref<100000x128xf32, #tpu.memory_space<hbm>> -> memref<100000x128xf32, #tpu.memory_space<hbm>>
    %dma_wait3A_293 = tpu.memref_slice %arg7[%dma_wait3A_283] : memref<10x!tpu.dma_semaphore, #tpu.memory_space<semaphore_mem>> -> memref<1x!tpu.dma_semaphore, #tpu.memory_space<semaphore_mem>>
    %dma_wait3A_294 = tpu.memref_squeeze %dma_wait3A_293 : memref<1x!tpu.dma_semaphore, #tpu.memory_space<semaphore_mem>> -> memref<!tpu.dma_semaphore, #tpu.memory_space<semaphore_mem>>
    tpu.wait_indirect_dma semaphore(%dma_wait3A_294 : memref<!tpu.dma_semaphore, #tpu.memory_space<semaphore_mem>>) src(%dma_wait3A_292 : memref<100000x128xf32, #tpu.memory_space<hbm>>) dst(%dma_wait3A_287 : memref<64x128xf32, #tpu.memory_space<vmem>>)
    %add3A_295 = arith.constant 192 : i32
    %add3A_296 = arith.addi %mul3A_2, %add3A_295 : i32
    %dma_start3A_297 = arith.constant 3 : i32
    %dma_start3A_298 = arith.constant 3 : i32
    %dma_start3A_299 = arith.constant 0 : i32
    %dma_start3A_300 = arith.constant 0 : i32
    %dma_start3A_301 = tpu.memref_slice %arg6[%dma_start3A_297, %dma_start3A_299, %dma_start3A_300] : memref<10x64x128xf32, #tpu.memory_space<vmem>> -> memref<1x64x128xf32, #tpu.memory_space<vmem>>
    %dma_start3A_302 = tpu.memref_squeeze %dma_start3A_301 : memref<1x64x128xf32, #tpu.memory_space<vmem>> -> memref<64x128xf32, #tpu.memory_space<vmem>>
    %dma_start3A_303 = arith.constant 0 : i32
    %dma_start3A_304 = tpu.memref_slice %arg4[%add3A_296, %dma_start3A_303] : memref<204800x128xf32, #tpu.memory_space<hbm>> -> memref<64x128xf32, #tpu.memory_space<hbm>>
    %dma_start3A_305 = tpu.memref_slice %arg8[%dma_start3A_298] : memref<10x!tpu.dma_semaphore, #tpu.memory_space<semaphore_mem>> -> memref<1x!tpu.dma_semaphore, #tpu.memory_space<semaphore_mem>>
    %dma_start3A_306 = tpu.memref_squeeze %dma_start3A_305 : memref<1x!tpu.dma_semaphore, #tpu.memory_space<semaphore_mem>> -> memref<!tpu.dma_semaphore, #tpu.memory_space<semaphore_mem>>
    %dma_start3A_307 = arith.constant 0 : i32
    %dma_start3A_308 = tpu.memref_slice %arg4[%add3A_296, %dma_start3A_307] : memref<204800x128xf32, #tpu.memory_space<hbm>> -> memref<64x128xf32, #tpu.memory_space<hbm>>
    %dma_start3A_309 = arith.constant 0 : i32
    %dma_start3A_310 = arith.constant 0 : i32
    %dma_start3A_311 = tpu.memref_slice %arg6[%dma_start3A_297, %dma_start3A_309, %dma_start3A_310] : memref<10x64x128xf32, #tpu.memory_space<vmem>> -> memref<1x64x128xf32, #tpu.memory_space<vmem>>
    %dma_start3A_312 = tpu.memref_squeeze %dma_start3A_311 : memref<1x64x128xf32, #tpu.memory_space<vmem>> -> memref<64x128xf32, #tpu.memory_space<vmem>>
    tpu.enqueue_dma source(%dma_start3A_312 : memref<64x128xf32, #tpu.memory_space<vmem>>) target(%dma_start3A_308 : memref<64x128xf32, #tpu.memory_space<hbm>>) target_semaphore(%dma_start3A_306 : memref<!tpu.dma_semaphore, #tpu.memory_space<semaphore_mem>>)
    %dma_wait3A_313 = arith.constant 2 : i32
    %dma_wait3A_314 = arith.constant 2 : i32
    %dma_wait3A_315 = arith.constant 0 : i32
    %dma_wait3A_316 = arith.constant 0 : i32
    %dma_wait3A_317 = tpu.memref_slice %arg6[%dma_wait3A_313, %dma_wait3A_315, %dma_wait3A_316] : memref<10x64x128xf32, #tpu.memory_space<vmem>> -> memref<1x64x128xf32, #tpu.memory_space<vmem>>
    %dma_wait3A_318 = tpu.memref_squeeze %dma_wait3A_317 : memref<1x64x128xf32, #tpu.memory_space<vmem>> -> memref<64x128xf32, #tpu.memory_space<vmem>>
    %dma_wait3A_319 = arith.constant 0 : i32
    %dma_wait3A_320 = tpu.memref_slice %arg4[%mul3A_2, %dma_wait3A_319] : memref<204800x128xf32, #tpu.memory_space<hbm>> -> memref<64x128xf32, #tpu.memory_space<hbm>>
    %dma_wait3A_321 = tpu.memref_slice %arg8[%dma_wait3A_314] : memref<10x!tpu.dma_semaphore, #tpu.memory_space<semaphore_mem>> -> memref<1x!tpu.dma_semaphore, #tpu.memory_space<semaphore_mem>>
    %dma_wait3A_322 = tpu.memref_squeeze %dma_wait3A_321 : memref<1x!tpu.dma_semaphore, #tpu.memory_space<semaphore_mem>> -> memref<!tpu.dma_semaphore, #tpu.memory_space<semaphore_mem>>
    %dma_wait3A_323 = arith.constant 0 : i32
    %dma_wait3A_324 = tpu.memref_slice %arg4[%mul3A_2, %dma_wait3A_323] : memref<204800x128xf32, #tpu.memory_space<hbm>> -> memref<64x128xf32, #tpu.memory_space<hbm>>
    %dma_wait3A_325 = arith.constant 0 : i32
    %dma_wait3A_326 = arith.constant 0 : i32
    %dma_wait3A_327 = tpu.memref_slice %arg6[%dma_wait3A_313, %dma_wait3A_325, %dma_wait3A_326] : memref<10x64x128xf32, #tpu.memory_space<vmem>> -> memref<1x64x128xf32, #tpu.memory_space<vmem>>
    %dma_wait3A_328 = tpu.memref_squeeze %dma_wait3A_327 : memref<1x64x128xf32, #tpu.memory_space<vmem>> -> memref<64x128xf32, #tpu.memory_space<vmem>>
    tpu.wait_dma2 semaphore(%dma_wait3A_322 : memref<!tpu.dma_semaphore, #tpu.memory_space<semaphore_mem>>) src(%dma_wait3A_328 : memref<64x128xf32, #tpu.memory_space<vmem>>) dst(%dma_wait3A_324 : memref<64x128xf32, #tpu.memory_space<hbm>>)
    %dma_start3A_329 = arith.constant 2 : i32
    %dma_start3A_330 = arith.constant 2 : i32
    %dma_start3A_331 = arith.constant 0 : i32
    %dma_start3A_332 = arith.constant 0 : i32
    %dma_start3A_333 = tpu.memref_slice %arg6[%dma_start3A_329, %dma_start3A_331, %dma_start3A_332] : memref<10x64x128xf32, #tpu.memory_space<vmem>> -> memref<1x64x128xf32, #tpu.memory_space<vmem>>
    %dma_start3A_334 = tpu.memref_squeeze %dma_start3A_333 : memref<1x64x128xf32, #tpu.memory_space<vmem>> -> memref<64x128xf32, #tpu.memory_space<vmem>>
    %dma_start3A_335 = arith.constant 768 : i32
    %dma_start3A_336 = tpu.memref_slice %arg5[%dma_start3A_335] : memref<6400xi32, #tpu.memory_space<vmem>> -> memref<64xi32, #tpu.memory_space<vmem>>
    %dma_start3A_337 = arith.constant 0 : i32
    %dma_start3A_338 = arith.constant 0 : i32
    %dma_start3A_339 = tpu.memref_slice %arg3[%dma_start3A_337, %dma_start3A_338] : memref<100000x128xf32, #tpu.memory_space<hbm>> -> memref<100000x128xf32, #tpu.memory_space<hbm>>
    %dma_start3A_340 = tpu.memref_slice %arg7[%dma_start3A_330] : memref<10x!tpu.dma_semaphore, #tpu.memory_space<semaphore_mem>> -> memref<1x!tpu.dma_semaphore, #tpu.memory_space<semaphore_mem>>
    %dma_start3A_341 = tpu.memref_squeeze %dma_start3A_340 : memref<1x!tpu.dma_semaphore, #tpu.memory_space<semaphore_mem>> -> memref<!tpu.dma_semaphore, #tpu.memory_space<semaphore_mem>>
    tpu.enqueue_indirect_dma source(%dma_start3A_339 : memref<100000x128xf32, #tpu.memory_space<hbm>>) target(%dma_start3A_334 : memref<64x128xf32, #tpu.memory_space<vmem>>) offsets(%dma_start3A_336 : memref<64xi32, #tpu.memory_space<vmem>>) semaphore(%dma_start3A_341 : memref<!tpu.dma_semaphore, #tpu.memory_space<semaphore_mem>>)
    %dma_wait3A_342 = arith.constant 4 : i32
    %dma_wait3A_343 = arith.constant 4 : i32
    %dma_wait3A_344 = arith.constant 0 : i32
    %dma_wait3A_345 = arith.constant 0 : i32
    %dma_wait3A_346 = tpu.memref_slice %arg6[%dma_wait3A_342, %dma_wait3A_344, %dma_wait3A_345] : memref<10x64x128xf32, #tpu.memory_space<vmem>> -> memref<1x64x128xf32, #tpu.memory_space<vmem>>
    %dma_wait3A_347 = tpu.memref_squeeze %dma_wait3A_346 : memref<1x64x128xf32, #tpu.memory_space<vmem>> -> memref<64x128xf32, #tpu.memory_space<vmem>>
    %dma_wait3A_348 = arith.constant 256 : i32
    %dma_wait3A_349 = tpu.memref_slice %arg5[%dma_wait3A_348] : memref<6400xi32, #tpu.memory_space<vmem>> -> memref<64xi32, #tpu.memory_space<vmem>>
    %dma_wait3A_350 = arith.constant 0 : i32
    %dma_wait3A_351 = arith.constant 0 : i32
    %dma_wait3A_352 = tpu.memref_slice %arg3[%dma_wait3A_350, %dma_wait3A_351] : memref<100000x128xf32, #tpu.memory_space<hbm>> -> memref<100000x128xf32, #tpu.memory_space<hbm>>
    %dma_wait3A_353 = tpu.memref_slice %arg7[%dma_wait3A_343] : memref<10x!tpu.dma_semaphore, #tpu.memory_space<semaphore_mem>> -> memref<1x!tpu.dma_semaphore, #tpu.memory_space<semaphore_mem>>
    %dma_wait3A_354 = tpu.memref_squeeze %dma_wait3A_353 : memref<1x!tpu.dma_semaphore, #tpu.memory_space<semaphore_mem>> -> memref<!tpu.dma_semaphore, #tpu.memory_space<semaphore_mem>>
    tpu.wait_indirect_dma semaphore(%dma_wait3A_354 : memref<!tpu.dma_semaphore, #tpu.memory_space<semaphore_mem>>) src(%dma_wait3A_352 : memref<100000x128xf32, #tpu.memory_space<hbm>>) dst(%dma_wait3A_347 : memref<64x128xf32, #tpu.memory_space<vmem>>)
    %add3A_355 = arith.constant 256 : i32
    %add3A_356 = arith.addi %mul3A_2, %add3A_355 : i32
    %dma_start3A_357 = arith.constant 4 : i32
    %dma_start3A_358 = arith.constant 4 : i32
    %dma_start3A_359 = arith.constant 0 : i32
    %dma_start3A_360 = arith.constant 0 : i32
    %dma_start3A_361 = tpu.memref_slice %arg6[%dma_start3A_357, %dma_start3A_359, %dma_start3A_360] : memref<10x64x128xf32, #tpu.memory_space<vmem>> -> memref<1x64x128xf32, #tpu.memory_space<vmem>>
    %dma_start3A_362 = tpu.memref_squeeze %dma_start3A_361 : memref<1x64x128xf32, #tpu.memory_space<vmem>> -> memref<64x128xf32, #tpu.memory_space<vmem>>
    %dma_start3A_363 = arith.constant 0 : i32
    %dma_start3A_364 = tpu.memref_slice %arg4[%add3A_356, %dma_start3A_363] : memref<204800x128xf32, #tpu.memory_space<hbm>> -> memref<64x128xf32, #tpu.memory_space<hbm>>
    %dma_start3A_365 = tpu.memref_slice %arg8[%dma_start3A_358] : memref<10x!tpu.dma_semaphore, #tpu.memory_space<semaphore_mem>> -> memref<1x!tpu.dma_semaphore, #tpu.memory_space<semaphore_mem>>
    %dma_start3A_366 = tpu.memref_squeeze %dma_start3A_365 : memref<1x!tpu.dma_semaphore, #tpu.memory_space<semaphore_mem>> -> memref<!tpu.dma_semaphore, #tpu.memory_space<semaphore_mem>>
    %dma_start3A_367 = arith.constant 0 : i32
    %dma_start3A_368 = tpu.memref_slice %arg4[%add3A_356, %dma_start3A_367] : memref<204800x128xf32, #tpu.memory_space<hbm>> -> memref<64x128xf32, #tpu.memory_space<hbm>>
    %dma_start3A_369 = arith.constant 0 : i32
    %dma_start3A_370 = arith.constant 0 : i32
    %dma_start3A_371 = tpu.memref_slice %arg6[%dma_start3A_357, %dma_start3A_369, %dma_start3A_370] : memref<10x64x128xf32, #tpu.memory_space<vmem>> -> memref<1x64x128xf32, #tpu.memory_space<vmem>>
    %dma_start3A_372 = tpu.memref_squeeze %dma_start3A_371 : memref<1x64x128xf32, #tpu.memory_space<vmem>> -> memref<64x128xf32, #tpu.memory_space<vmem>>
    tpu.enqueue_dma source(%dma_start3A_372 : memref<64x128xf32, #tpu.memory_space<vmem>>) target(%dma_start3A_368 : memref<64x128xf32, #tpu.memory_space<hbm>>) target_semaphore(%dma_start3A_366 : memref<!tpu.dma_semaphore, #tpu.memory_space<semaphore_mem>>)
    %dma_wait3A_373 = arith.constant 3 : i32
    %dma_wait3A_374 = arith.constant 3 : i32
    %dma_wait3A_375 = arith.constant 0 : i32
    %dma_wait3A_376 = arith.constant 0 : i32
    %dma_wait3A_377 = tpu.memref_slice %arg6[%dma_wait3A_373, %dma_wait3A_375, %dma_wait3A_376] : memref<10x64x128xf32, #tpu.memory_space<vmem>> -> memref<1x64x128xf32, #tpu.memory_space<vmem>>
    %dma_wait3A_378 = tpu.memref_squeeze %dma_wait3A_377 : memref<1x64x128xf32, #tpu.memory_space<vmem>> -> memref<64x128xf32, #tpu.memory_space<vmem>>
    %dma_wait3A_379 = arith.constant 0 : i32
    %dma_wait3A_380 = tpu.memref_slice %arg4[%mul3A_2, %dma_wait3A_379] : memref<204800x128xf32, #tpu.memory_space<hbm>> -> memref<64x128xf32, #tpu.memory_space<hbm>>
    %dma_wait3A_381 = tpu.memref_slice %arg8[%dma_wait3A_374] : memref<10x!tpu.dma_semaphore, #tpu.memory_space<semaphore_mem>> -> memref<1x!tpu.dma_semaphore, #tpu.memory_space<semaphore_mem>>
    %dma_wait3A_382 = tpu.memref_squeeze %dma_wait3A_381 : memref<1x!tpu.dma_semaphore, #tpu.memory_space<semaphore_mem>> -> memref<!tpu.dma_semaphore, #tpu.memory_space<semaphore_mem>>
    %dma_wait3A_383 = arith.constant 0 : i32
    %dma_wait3A_384 = tpu.memref_slice %arg4[%mul3A_2, %dma_wait3A_383] : memref<204800x128xf32, #tpu.memory_space<hbm>> -> memref<64x128xf32, #tpu.memory_space<hbm>>
    %dma_wait3A_385 = arith.constant 0 : i32
    %dma_wait3A_386 = arith.constant 0 : i32
    %dma_wait3A_387 = tpu.memref_slice %arg6[%dma_wait3A_373, %dma_wait3A_385, %dma_wait3A_386] : memref<10x64x128xf32, #tpu.memory_space<vmem>> -> memref<1x64x128xf32, #tpu.memory_space<vmem>>
    %dma_wait3A_388 = tpu.memref_squeeze %dma_wait3A_387 : memref<1x64x128xf32, #tpu.memory_space<vmem>> -> memref<64x128xf32, #tpu.memory_space<vmem>>
    tpu.wait_dma2 semaphore(%dma_wait3A_382 : memref<!tpu.dma_semaphore, #tpu.memory_space<semaphore_mem>>) src(%dma_wait3A_388 : memref<64x128xf32, #tpu.memory_space<vmem>>) dst(%dma_wait3A_384 : memref<64x128xf32, #tpu.memory_space<hbm>>)
    %dma_start3A_389 = arith.constant 3 : i32
    %dma_start3A_390 = arith.constant 3 : i32
    %dma_start3A_391 = arith.constant 0 : i32
    %dma_start3A_392 = arith.constant 0 : i32
    %dma_start3A_393 = tpu.memref_slice %arg6[%dma_start3A_389, %dma_start3A_391, %dma_start3A_392] : memref<10x64x128xf32, #tpu.memory_space<vmem>> -> memref<1x64x128xf32, #tpu.memory_space<vmem>>
    %dma_start3A_394 = tpu.memref_squeeze %dma_start3A_393 : memref<1x64x128xf32, #tpu.memory_space<vmem>> -> memref<64x128xf32, #tpu.memory_space<vmem>>
    %dma_start3A_395 = arith.constant 832 : i32
    %dma_start3A_396 = tpu.memref_slice %arg5[%dma_start3A_395] : memref<6400xi32, #tpu.memory_space<vmem>> -> memref<64xi32, #tpu.memory_space<vmem>>
    %dma_start3A_397 = arith.constant 0 : i32
    %dma_start3A_398 = arith.constant 0 : i32
    %dma_start3A_399 = tpu.memref_slice %arg3[%dma_start3A_397, %dma_start3A_398] : memref<100000x128xf32, #tpu.memory_space<hbm>> -> memref<100000x128xf32, #tpu.memory_space<hbm>>
    %dma_start3A_400 = tpu.memref_slice %arg7[%dma_start3A_390] : memref<10x!tpu.dma_semaphore, #tpu.memory_space<semaphore_mem>> -> memref<1x!tpu.dma_semaphore, #tpu.memory_space<semaphore_mem>>
    %dma_start3A_401 = tpu.memref_squeeze %dma_start3A_400 : memref<1x!tpu.dma_semaphore, #tpu.memory_space<semaphore_mem>> -> memref<!tpu.dma_semaphore, #tpu.memory_space<semaphore_mem>>
    tpu.enqueue_indirect_dma source(%dma_start3A_399 : memref<100000x128xf32, #tpu.memory_space<hbm>>) target(%dma_start3A_394 : memref<64x128xf32, #tpu.memory_space<vmem>>) offsets(%dma_start3A_396 : memref<64xi32, #tpu.memory_space<vmem>>) semaphore(%dma_start3A_401 : memref<!tpu.dma_semaphore, #tpu.memory_space<semaphore_mem>>)
    %dma_wait3A_402 = arith.constant 5 : i32
    %dma_wait3A_403 = arith.constant 5 : i32
    %dma_wait3A_404 = arith.constant 0 : i32
    %dma_wait3A_405 = arith.constant 0 : i32
    %dma_wait3A_406 = tpu.memref_slice %arg6[%dma_wait3A_402, %dma_wait3A_404, %dma_wait3A_405] : memref<10x64x128xf32, #tpu.memory_space<vmem>> -> memref<1x64x128xf32, #tpu.memory_space<vmem>>
    %dma_wait3A_407 = tpu.memref_squeeze %dma_wait3A_406 : memref<1x64x128xf32, #tpu.memory_space<vmem>> -> memref<64x128xf32, #tpu.memory_space<vmem>>
    %dma_wait3A_408 = arith.constant 320 : i32
    %dma_wait3A_409 = tpu.memref_slice %arg5[%dma_wait3A_408] : memref<6400xi32, #tpu.memory_space<vmem>> -> memref<64xi32, #tpu.memory_space<vmem>>
    %dma_wait3A_410 = arith.constant 0 : i32
    %dma_wait3A_411 = arith.constant 0 : i32
    %dma_wait3A_412 = tpu.memref_slice %arg3[%dma_wait3A_410, %dma_wait3A_411] : memref<100000x128xf32, #tpu.memory_space<hbm>> -> memref<100000x128xf32, #tpu.memory_space<hbm>>
    %dma_wait3A_413 = tpu.memref_slice %arg7[%dma_wait3A_403] : memref<10x!tpu.dma_semaphore, #tpu.memory_space<semaphore_mem>> -> memref<1x!tpu.dma_semaphore, #tpu.memory_space<semaphore_mem>>
    %dma_wait3A_414 = tpu.memref_squeeze %dma_wait3A_413 : memref<1x!tpu.dma_semaphore, #tpu.memory_space<semaphore_mem>> -> memref<!tpu.dma_semaphore, #tpu.memory_space<semaphore_mem>>
    tpu.wait_indirect_dma semaphore(%dma_wait3A_414 : memref<!tpu.dma_semaphore, #tpu.memory_space<semaphore_mem>>) src(%dma_wait3A_412 : memref<100000x128xf32, #tpu.memory_space<hbm>>) dst(%dma_wait3A_407 : memref<64x128xf32, #tpu.memory_space<vmem>>)
    %add3A_415 = arith.constant 320 : i32
    %add3A_416 = arith.addi %mul3A_2, %add3A_415 : i32
    %dma_start3A_417 = arith.constant 5 : i32
    %dma_start3A_418 = arith.constant 5 : i32
    %dma_start3A_419 = arith.constant 0 : i32
    %dma_start3A_420 = arith.constant 0 : i32
    %dma_start3A_421 = tpu.memref_slice %arg6[%dma_start3A_417, %dma_start3A_419, %dma_start3A_420] : memref<10x64x128xf32, #tpu.memory_space<vmem>> -> memref<1x64x128xf32, #tpu.memory_space<vmem>>
    %dma_start3A_422 = tpu.memref_squeeze %dma_start3A_421 : memref<1x64x128xf32, #tpu.memory_space<vmem>> -> memref<64x128xf32, #tpu.memory_space<vmem>>
    %dma_start3A_423 = arith.constant 0 : i32
    %dma_start3A_424 = tpu.memref_slice %arg4[%add3A_416, %dma_start3A_423] : memref<204800x128xf32, #tpu.memory_space<hbm>> -> memref<64x128xf32, #tpu.memory_space<hbm>>
    %dma_start3A_425 = tpu.memref_slice %arg8[%dma_start3A_418] : memref<10x!tpu.dma_semaphore, #tpu.memory_space<semaphore_mem>> -> memref<1x!tpu.dma_semaphore, #tpu.memory_space<semaphore_mem>>
    %dma_start3A_426 = tpu.memref_squeeze %dma_start3A_425 : memref<1x!tpu.dma_semaphore, #tpu.memory_space<semaphore_mem>> -> memref<!tpu.dma_semaphore, #tpu.memory_space<semaphore_mem>>
    %dma_start3A_427 = arith.constant 0 : i32
    %dma_start3A_428 = tpu.memref_slice %arg4[%add3A_416, %dma_start3A_427] : memref<204800x128xf32, #tpu.memory_space<hbm>> -> memref<64x128xf32, #tpu.memory_space<hbm>>
    %dma_start3A_429 = arith.constant 0 : i32
    %dma_start3A_430 = arith.constant 0 : i32
    %dma_start3A_431 = tpu.memref_slice %arg6[%dma_start3A_417, %dma_start3A_429, %dma_start3A_430] : memref<10x64x128xf32, #tpu.memory_space<vmem>> -> memref<1x64x128xf32, #tpu.memory_space<vmem>>
    %dma_start3A_432 = tpu.memref_squeeze %dma_start3A_431 : memref<1x64x128xf32, #tpu.memory_space<vmem>> -> memref<64x128xf32, #tpu.memory_space<vmem>>
    tpu.enqueue_dma source(%dma_start3A_432 : memref<64x128xf32, #tpu.memory_space<vmem>>) target(%dma_start3A_428 : memref<64x128xf32, #tpu.memory_space<hbm>>) target_semaphore(%dma_start3A_426 : memref<!tpu.dma_semaphore, #tpu.memory_space<semaphore_mem>>)
    %dma_wait3A_433 = arith.constant 4 : i32
    %dma_wait3A_434 = arith.constant 4 : i32
    %dma_wait3A_435 = arith.constant 0 : i32
    %dma_wait3A_436 = arith.constant 0 : i32
    %dma_wait3A_437 = tpu.memref_slice %arg6[%dma_wait3A_433, %dma_wait3A_435, %dma_wait3A_436] : memref<10x64x128xf32, #tpu.memory_space<vmem>> -> memref<1x64x128xf32, #tpu.memory_space<vmem>>
    %dma_wait3A_438 = tpu.memref_squeeze %dma_wait3A_437 : memref<1x64x128xf32, #tpu.memory_space<vmem>> -> memref<64x128xf32, #tpu.memory_space<vmem>>
    %dma_wait3A_439 = arith.constant 0 : i32
    %dma_wait3A_440 = tpu.memref_slice %arg4[%mul3A_2, %dma_wait3A_439] : memref<204800x128xf32, #tpu.memory_space<hbm>> -> memref<64x128xf32, #tpu.memory_space<hbm>>
    %dma_wait3A_441 = tpu.memref_slice %arg8[%dma_wait3A_434] : memref<10x!tpu.dma_semaphore, #tpu.memory_space<semaphore_mem>> -> memref<1x!tpu.dma_semaphore, #tpu.memory_space<semaphore_mem>>
    %dma_wait3A_442 = tpu.memref_squeeze %dma_wait3A_441 : memref<1x!tpu.dma_semaphore, #tpu.memory_space<semaphore_mem>> -> memref<!tpu.dma_semaphore, #tpu.memory_space<semaphore_mem>>
    %dma_wait3A_443 = arith.constant 0 : i32
    %dma_wait3A_444 = tpu.memref_slice %arg4[%mul3A_2, %dma_wait3A_443] : memref<204800x128xf32, #tpu.memory_space<hbm>> -> memref<64x128xf32, #tpu.memory_space<hbm>>
    %dma_wait3A_445 = arith.constant 0 : i32
    %dma_wait3A_446 = arith.constant 0 : i32
    %dma_wait3A_447 = tpu.memref_slice %arg6[%dma_wait3A_433, %dma_wait3A_445, %dma_wait3A_446] : memref<10x64x128xf32, #tpu.memory_space<vmem>> -> memref<1x64x128xf32, #tpu.memory_space<vmem>>
    %dma_wait3A_448 = tpu.memref_squeeze %dma_wait3A_447 : memref<1x64x128xf32, #tpu.memory_space<vmem>> -> memref<64x128xf32, #tpu.memory_space<vmem>>
    tpu.wait_dma2 semaphore(%dma_wait3A_442 : memref<!tpu.dma_semaphore, #tpu.memory_space<semaphore_mem>>) src(%dma_wait3A_448 : memref<64x128xf32, #tpu.memory_space<vmem>>) dst(%dma_wait3A_444 : memref<64x128xf32, #tpu.memory_space<hbm>>)
    %dma_start3A_449 = arith.constant 4 : i32
    %dma_start3A_450 = arith.constant 4 : i32
    %dma_start3A_451 = arith.constant 0 : i32
    %dma_start3A_452 = arith.constant 0 : i32
    %dma_start3A_453 = tpu.memref_slice %arg6[%dma_start3A_449, %dma_start3A_451, %dma_start3A_452] : memref<10x64x128xf32, #tpu.memory_space<vmem>> -> memref<1x64x128xf32, #tpu.memory_space<vmem>>
    %dma_start3A_454 = tpu.memref_squeeze %dma_start3A_453 : memref<1x64x128xf32, #tpu.memory_space<vmem>> -> memref<64x128xf32, #tpu.memory_space<vmem>>
    %dma_start3A_455 = arith.constant 896 : i32
    %dma_start3A_456 = tpu.memref_slice %arg5[%dma_start3A_455] : memref<6400xi32, #tpu.memory_space<vmem>> -> memref<64xi32, #tpu.memory_space<vmem>>
    %dma_start3A_457 = arith.constant 0 : i32
    %dma_start3A_458 = arith.constant 0 : i32
    %dma_start3A_459 = tpu.memref_slice %arg3[%dma_start3A_457, %dma_start3A_458] : memref<100000x128xf32, #tpu.memory_space<hbm>> -> memref<100000x128xf32, #tpu.memory_space<hbm>>
    %dma_start3A_460 = tpu.memref_slice %arg7[%dma_start3A_450] : memref<10x!tpu.dma_semaphore, #tpu.memory_space<semaphore_mem>> -> memref<1x!tpu.dma_semaphore, #tpu.memory_space<semaphore_mem>>
    %dma_start3A_461 = tpu.memref_squeeze %dma_start3A_460 : memref<1x!tpu.dma_semaphore, #tpu.memory_space<semaphore_mem>> -> memref<!tpu.dma_semaphore, #tpu.memory_space<semaphore_mem>>
    tpu.enqueue_indirect_dma source(%dma_start3A_459 : memref<100000x128xf32, #tpu.memory_space<hbm>>) target(%dma_start3A_454 : memref<64x128xf32, #tpu.memory_space<vmem>>) offsets(%dma_start3A_456 : memref<64xi32, #tpu.memory_space<vmem>>) semaphore(%dma_start3A_461 : memref<!tpu.dma_semaphore, #tpu.memory_space<semaphore_mem>>)
    %dma_wait3A_462 = arith.constant 6 : i32
    %dma_wait3A_463 = arith.constant 6 : i32
    %dma_wait3A_464 = arith.constant 0 : i32
    %dma_wait3A_465 = arith.constant 0 : i32
    %dma_wait3A_466 = tpu.memref_slice %arg6[%dma_wait3A_462, %dma_wait3A_464, %dma_wait3A_465] : memref<10x64x128xf32, #tpu.memory_space<vmem>> -> memref<1x64x128xf32, #tpu.memory_space<vmem>>
    %dma_wait3A_467 = tpu.memref_squeeze %dma_wait3A_466 : memref<1x64x128xf32, #tpu.memory_space<vmem>> -> memref<64x128xf32, #tpu.memory_space<vmem>>
    %dma_wait3A_468 = arith.constant 384 : i32
    %dma_wait3A_469 = tpu.memref_slice %arg5[%dma_wait3A_468] : memref<6400xi32, #tpu.memory_space<vmem>> -> memref<64xi32, #tpu.memory_space<vmem>>
    %dma_wait3A_470 = arith.constant 0 : i32
    %dma_wait3A_471 = arith.constant 0 : i32
    %dma_wait3A_472 = tpu.memref_slice %arg3[%dma_wait3A_470, %dma_wait3A_471] : memref<100000x128xf32, #tpu.memory_space<hbm>> -> memref<100000x128xf32, #tpu.memory_space<hbm>>
    %dma_wait3A_473 = tpu.memref_slice %arg7[%dma_wait3A_463] : memref<10x!tpu.dma_semaphore, #tpu.memory_space<semaphore_mem>> -> memref<1x!tpu.dma_semaphore, #tpu.memory_space<semaphore_mem>>
    %dma_wait3A_474 = tpu.memref_squeeze %dma_wait3A_473 : memref<1x!tpu.dma_semaphore, #tpu.memory_space<semaphore_mem>> -> memref<!tpu.dma_semaphore, #tpu.memory_space<semaphore_mem>>
    tpu.wait_indirect_dma semaphore(%dma_wait3A_474 : memref<!tpu.dma_semaphore, #tpu.memory_space<semaphore_mem>>) src(%dma_wait3A_472 : memref<100000x128xf32, #tpu.memory_space<hbm>>) dst(%dma_wait3A_467 : memref<64x128xf32, #tpu.memory_space<vmem>>)
    %add3A_475 = arith.constant 384 : i32
    %add3A_476 = arith.addi %mul3A_2, %add3A_475 : i32
    %dma_start3A_477 = arith.constant 6 : i32
    %dma_start3A_478 = arith.constant 6 : i32
    %dma_start3A_479 = arith.constant 0 : i32
    %dma_start3A_480 = arith.constant 0 : i32
    %dma_start3A_481 = tpu.memref_slice %arg6[%dma_start3A_477, %dma_start3A_479, %dma_start3A_480] : memref<10x64x128xf32, #tpu.memory_space<vmem>> -> memref<1x64x128xf32, #tpu.memory_space<vmem>>
    %dma_start3A_482 = tpu.memref_squeeze %dma_start3A_481 : memref<1x64x128xf32, #tpu.memory_space<vmem>> -> memref<64x128xf32, #tpu.memory_space<vmem>>
    %dma_start3A_483 = arith.constant 0 : i32
    %dma_start3A_484 = tpu.memref_slice %arg4[%add3A_476, %dma_start3A_483] : memref<204800x128xf32, #tpu.memory_space<hbm>> -> memref<64x128xf32, #tpu.memory_space<hbm>>
    %dma_start3A_485 = tpu.memref_slice %arg8[%dma_start3A_478] : memref<10x!tpu.dma_semaphore, #tpu.memory_space<semaphore_mem>> -> memref<1x!tpu.dma_semaphore, #tpu.memory_space<semaphore_mem>>
    %dma_start3A_486 = tpu.memref_squeeze %dma_start3A_485 : memref<1x!tpu.dma_semaphore, #tpu.memory_space<semaphore_mem>> -> memref<!tpu.dma_semaphore, #tpu.memory_space<semaphore_mem>>
    %dma_start3A_487 = arith.constant 0 : i32
    %dma_start3A_488 = tpu.memref_slice %arg4[%add3A_476, %dma_start3A_487] : memref<204800x128xf32, #tpu.memory_space<hbm>> -> memref<64x128xf32, #tpu.memory_space<hbm>>
    %dma_start3A_489 = arith.constant 0 : i32
    %dma_start3A_490 = arith.constant 0 : i32
    %dma_start3A_491 = tpu.memref_slice %arg6[%dma_start3A_477, %dma_start3A_489, %dma_start3A_490] : memref<10x64x128xf32, #tpu.memory_space<vmem>> -> memref<1x64x128xf32, #tpu.memory_space<vmem>>
    %dma_start3A_492 = tpu.memref_squeeze %dma_start3A_491 : memref<1x64x128xf32, #tpu.memory_space<vmem>> -> memref<64x128xf32, #tpu.memory_space<vmem>>
    tpu.enqueue_dma source(%dma_start3A_492 : memref<64x128xf32, #tpu.memory_space<vmem>>) target(%dma_start3A_488 : memref<64x128xf32, #tpu.memory_space<hbm>>) target_semaphore(%dma_start3A_486 : memref<!tpu.dma_semaphore, #tpu.memory_space<semaphore_mem>>)
    %dma_wait3A_493 = arith.constant 5 : i32
    %dma_wait3A_494 = arith.constant 5 : i32
    %dma_wait3A_495 = arith.constant 0 : i32
    %dma_wait3A_496 = arith.constant 0 : i32
    %dma_wait3A_497 = tpu.memref_slice %arg6[%dma_wait3A_493, %dma_wait3A_495, %dma_wait3A_496] : memref<10x64x128xf32, #tpu.memory_space<vmem>> -> memref<1x64x128xf32, #tpu.memory_space<vmem>>
    %dma_wait3A_498 = tpu.memref_squeeze %dma_wait3A_497 : memref<1x64x128xf32, #tpu.memory_space<vmem>> -> memref<64x128xf32, #tpu.memory_space<vmem>>
    %dma_wait3A_499 = arith.constant 0 : i32
    %dma_wait3A_500 = tpu.memref_slice %arg4[%mul3A_2, %dma_wait3A_499] : memref<204800x128xf32, #tpu.memory_space<hbm>> -> memref<64x128xf32, #tpu.memory_space<hbm>>
    %dma_wait3A_501 = tpu.memref_slice %arg8[%dma_wait3A_494] : memref<10x!tpu.dma_semaphore, #tpu.memory_space<semaphore_mem>> -> memref<1x!tpu.dma_semaphore, #tpu.memory_space<semaphore_mem>>
    %dma_wait3A_502 = tpu.memref_squeeze %dma_wait3A_501 : memref<1x!tpu.dma_semaphore, #tpu.memory_space<semaphore_mem>> -> memref<!tpu.dma_semaphore, #tpu.memory_space<semaphore_mem>>
    %dma_wait3A_503 = arith.constant 0 : i32
    %dma_wait3A_504 = tpu.memref_slice %arg4[%mul3A_2, %dma_wait3A_503] : memref<204800x128xf32, #tpu.memory_space<hbm>> -> memref<64x128xf32, #tpu.memory_space<hbm>>
    %dma_wait3A_505 = arith.constant 0 : i32
    %dma_wait3A_506 = arith.constant 0 : i32
    %dma_wait3A_507 = tpu.memref_slice %arg6[%dma_wait3A_493, %dma_wait3A_505, %dma_wait3A_506] : memref<10x64x128xf32, #tpu.memory_space<vmem>> -> memref<1x64x128xf32, #tpu.memory_space<vmem>>
    %dma_wait3A_508 = tpu.memref_squeeze %dma_wait3A_507 : memref<1x64x128xf32, #tpu.memory_space<vmem>> -> memref<64x128xf32, #tpu.memory_space<vmem>>
    tpu.wait_dma2 semaphore(%dma_wait3A_502 : memref<!tpu.dma_semaphore, #tpu.memory_space<semaphore_mem>>) src(%dma_wait3A_508 : memref<64x128xf32, #tpu.memory_space<vmem>>) dst(%dma_wait3A_504 : memref<64x128xf32, #tpu.memory_space<hbm>>)
    %dma_start3A_509 = arith.constant 5 : i32
    %dma_start3A_510 = arith.constant 5 : i32
    %dma_start3A_511 = arith.constant 0 : i32
    %dma_start3A_512 = arith.constant 0 : i32
    %dma_start3A_513 = tpu.memref_slice %arg6[%dma_start3A_509, %dma_start3A_511, %dma_start3A_512] : memref<10x64x128xf32, #tpu.memory_space<vmem>> -> memref<1x64x128xf32, #tpu.memory_space<vmem>>
    %dma_start3A_514 = tpu.memref_squeeze %dma_start3A_513 : memref<1x64x128xf32, #tpu.memory_space<vmem>> -> memref<64x128xf32, #tpu.memory_space<vmem>>
    %dma_start3A_515 = arith.constant 960 : i32
    %dma_start3A_516 = tpu.memref_slice %arg5[%dma_start3A_515] : memref<6400xi32, #tpu.memory_space<vmem>> -> memref<64xi32, #tpu.memory_space<vmem>>
    %dma_start3A_517 = arith.constant 0 : i32
    %dma_start3A_518 = arith.constant 0 : i32
    %dma_start3A_519 = tpu.memref_slice %arg3[%dma_start3A_517, %dma_start3A_518] : memref<100000x128xf32, #tpu.memory_space<hbm>> -> memref<100000x128xf32, #tpu.memory_space<hbm>>
    %dma_start3A_520 = tpu.memref_slice %arg7[%dma_start3A_510] : memref<10x!tpu.dma_semaphore, #tpu.memory_space<semaphore_mem>> -> memref<1x!tpu.dma_semaphore, #tpu.memory_space<semaphore_mem>>
    %dma_start3A_521 = tpu.memref_squeeze %dma_start3A_520 : memref<1x!tpu.dma_semaphore, #tpu.memory_space<semaphore_mem>> -> memref<!tpu.dma_semaphore, #tpu.memory_space<semaphore_mem>>
    tpu.enqueue_indirect_dma source(%dma_start3A_519 : memref<100000x128xf32, #tpu.memory_space<hbm>>) target(%dma_start3A_514 : memref<64x128xf32, #tpu.memory_space<vmem>>) offsets(%dma_start3A_516 : memref<64xi32, #tpu.memory_space<vmem>>) semaphore(%dma_start3A_521 : memref<!tpu.dma_semaphore, #tpu.memory_space<semaphore_mem>>)
    %dma_wait3A_522 = arith.constant 7 : i32
    %dma_wait3A_523 = arith.constant 7 : i32
    %dma_wait3A_524 = arith.constant 0 : i32
    %dma_wait3A_525 = arith.constant 0 : i32
    %dma_wait3A_526 = tpu.memref_slice %arg6[%dma_wait3A_522, %dma_wait3A_524, %dma_wait3A_525] : memref<10x64x128xf32, #tpu.memory_space<vmem>> -> memref<1x64x128xf32, #tpu.memory_space<vmem>>
    %dma_wait3A_527 = tpu.memref_squeeze %dma_wait3A_526 : memref<1x64x128xf32, #tpu.memory_space<vmem>> -> memref<64x128xf32, #tpu.memory_space<vmem>>
    %dma_wait3A_528 = arith.constant 448 : i32
    %dma_wait3A_529 = tpu.memref_slice %arg5[%dma_wait3A_528] : memref<6400xi32, #tpu.memory_space<vmem>> -> memref<64xi32, #tpu.memory_space<vmem>>
    %dma_wait3A_530 = arith.constant 0 : i32
    %dma_wait3A_531 = arith.constant 0 : i32
    %dma_wait3A_532 = tpu.memref_slice %arg3[%dma_wait3A_530, %dma_wait3A_531] : memref<100000x128xf32, #tpu.memory_space<hbm>> -> memref<100000x128xf32, #tpu.memory_space<hbm>>
    %dma_wait3A_533 = tpu.memref_slice %arg7[%dma_wait3A_523] : memref<10x!tpu.dma_semaphore, #tpu.memory_space<semaphore_mem>> -> memref<1x!tpu.dma_semaphore, #tpu.memory_space<semaphore_mem>>
    %dma_wait3A_534 = tpu.memref_squeeze %dma_wait3A_533 : memref<1x!tpu.dma_semaphore, #tpu.memory_space<semaphore_mem>> -> memref<!tpu.dma_semaphore, #tpu.memory_space<semaphore_mem>>
    tpu.wait_indirect_dma semaphore(%dma_wait3A_534 : memref<!tpu.dma_semaphore, #tpu.memory_space<semaphore_mem>>) src(%dma_wait3A_532 : memref<100000x128xf32, #tpu.memory_space<hbm>>) dst(%dma_wait3A_527 : memref<64x128xf32, #tpu.memory_space<vmem>>)
    %add3A_535 = arith.constant 448 : i32
    %add3A_536 = arith.addi %mul3A_2, %add3A_535 : i32
    %dma_start3A_537 = arith.constant 7 : i32
    %dma_start3A_538 = arith.constant 7 : i32
    %dma_start3A_539 = arith.constant 0 : i32
    %dma_start3A_540 = arith.constant 0 : i32
    %dma_start3A_541 = tpu.memref_slice %arg6[%dma_start3A_537, %dma_start3A_539, %dma_start3A_540] : memref<10x64x128xf32, #tpu.memory_space<vmem>> -> memref<1x64x128xf32, #tpu.memory_space<vmem>>
    %dma_start3A_542 = tpu.memref_squeeze %dma_start3A_541 : memref<1x64x128xf32, #tpu.memory_space<vmem>> -> memref<64x128xf32, #tpu.memory_space<vmem>>
    %dma_start3A_543 = arith.constant 0 : i32
    %dma_start3A_544 = tpu.memref_slice %arg4[%add3A_536, %dma_start3A_543] : memref<204800x128xf32, #tpu.memory_space<hbm>> -> memref<64x128xf32, #tpu.memory_space<hbm>>
    %dma_start3A_545 = tpu.memref_slice %arg8[%dma_start3A_538] : memref<10x!tpu.dma_semaphore, #tpu.memory_space<semaphore_mem>> -> memref<1x!tpu.dma_semaphore, #tpu.memory_space<semaphore_mem>>
    %dma_start3A_546 = tpu.memref_squeeze %dma_start3A_545 : memref<1x!tpu.dma_semaphore, #tpu.memory_space<semaphore_mem>> -> memref<!tpu.dma_semaphore, #tpu.memory_space<semaphore_mem>>
    %dma_start3A_547 = arith.constant 0 : i32
    %dma_start3A_548 = tpu.memref_slice %arg4[%add3A_536, %dma_start3A_547] : memref<204800x128xf32, #tpu.memory_space<hbm>> -> memref<64x128xf32, #tpu.memory_space<hbm>>
    %dma_start3A_549 = arith.constant 0 : i32
    %dma_start3A_550 = arith.constant 0 : i32
    %dma_start3A_551 = tpu.memref_slice %arg6[%dma_start3A_537, %dma_start3A_549, %dma_start3A_550] : memref<10x64x128xf32, #tpu.memory_space<vmem>> -> memref<1x64x128xf32, #tpu.memory_space<vmem>>
    %dma_start3A_552 = tpu.memref_squeeze %dma_start3A_551 : memref<1x64x128xf32, #tpu.memory_space<vmem>> -> memref<64x128xf32, #tpu.memory_space<vmem>>
    tpu.enqueue_dma source(%dma_start3A_552 : memref<64x128xf32, #tpu.memory_space<vmem>>) target(%dma_start3A_548 : memref<64x128xf32, #tpu.memory_space<hbm>>) target_semaphore(%dma_start3A_546 : memref<!tpu.dma_semaphore, #tpu.memory_space<semaphore_mem>>)
    %dma_wait3A_553 = arith.constant 6 : i32
    %dma_wait3A_554 = arith.constant 6 : i32
    %dma_wait3A_555 = arith.constant 0 : i32
    %dma_wait3A_556 = arith.constant 0 : i32
    %dma_wait3A_557 = tpu.memref_slice %arg6[%dma_wait3A_553, %dma_wait3A_555, %dma_wait3A_556] : memref<10x64x128xf32, #tpu.memory_space<vmem>> -> memref<1x64x128xf32, #tpu.memory_space<vmem>>
    %dma_wait3A_558 = tpu.memref_squeeze %dma_wait3A_557 : memref<1x64x128xf32, #tpu.memory_space<vmem>> -> memref<64x128xf32, #tpu.memory_space<vmem>>
    %dma_wait3A_559 = arith.constant 0 : i32
    %dma_wait3A_560 = tpu.memref_slice %arg4[%mul3A_2, %dma_wait3A_559] : memref<204800x128xf32, #tpu.memory_space<hbm>> -> memref<64x128xf32, #tpu.memory_space<hbm>>
    %dma_wait3A_561 = tpu.memref_slice %arg8[%dma_wait3A_554] : memref<10x!tpu.dma_semaphore, #tpu.memory_space<semaphore_mem>> -> memref<1x!tpu.dma_semaphore, #tpu.memory_space<semaphore_mem>>
    %dma_wait3A_562 = tpu.memref_squeeze %dma_wait3A_561 : memref<1x!tpu.dma_semaphore, #tpu.memory_space<semaphore_mem>> -> memref<!tpu.dma_semaphore, #tpu.memory_space<semaphore_mem>>
    %dma_wait3A_563 = arith.constant 0 : i32
    %dma_wait3A_564 = tpu.memref_slice %arg4[%mul3A_2, %dma_wait3A_563] : memref<204800x128xf32, #tpu.memory_space<hbm>> -> memref<64x128xf32, #tpu.memory_space<hbm>>
    %dma_wait3A_565 = arith.constant 0 : i32
    %dma_wait3A_566 = arith.constant 0 : i32
    %dma_wait3A_567 = tpu.memref_slice %arg6[%dma_wait3A_553, %dma_wait3A_565, %dma_wait3A_566] : memref<10x64x128xf32, #tpu.memory_space<vmem>> -> memref<1x64x128xf32, #tpu.memory_space<vmem>>
    %dma_wait3A_568 = tpu.memref_squeeze %dma_wait3A_567 : memref<1x64x128xf32, #tpu.memory_space<vmem>> -> memref<64x128xf32, #tpu.memory_space<vmem>>
    tpu.wait_dma2 semaphore(%dma_wait3A_562 : memref<!tpu.dma_semaphore, #tpu.memory_space<semaphore_mem>>) src(%dma_wait3A_568 : memref<64x128xf32, #tpu.memory_space<vmem>>) dst(%dma_wait3A_564 : memref<64x128xf32, #tpu.memory_space<hbm>>)
    %dma_start3A_569 = arith.constant 6 : i32
    %dma_start3A_570 = arith.constant 6 : i32
    %dma_start3A_571 = arith.constant 0 : i32
    %dma_start3A_572 = arith.constant 0 : i32
    %dma_start3A_573 = tpu.memref_slice %arg6[%dma_start3A_569, %dma_start3A_571, %dma_start3A_572] : memref<10x64x128xf32, #tpu.memory_space<vmem>> -> memref<1x64x128xf32, #tpu.memory_space<vmem>>
    %dma_start3A_574 = tpu.memref_squeeze %dma_start3A_573 : memref<1x64x128xf32, #tpu.memory_space<vmem>> -> memref<64x128xf32, #tpu.memory_space<vmem>>
    %dma_start3A_575 = arith.constant 1024 : i32
    %dma_start3A_576 = tpu.memref_slice %arg5[%dma_start3A_575] : memref<6400xi32, #tpu.memory_space<vmem>> -> memref<64xi32, #tpu.memory_space<vmem>>
    %dma_start3A_577 = arith.constant 0 : i32
    %dma_start3A_578 = arith.constant 0 : i32
    %dma_start3A_579 = tpu.memref_slice %arg3[%dma_start3A_577, %dma_start3A_578] : memref<100000x128xf32, #tpu.memory_space<hbm>> -> memref<100000x128xf32, #tpu.memory_space<hbm>>
    %dma_start3A_580 = tpu.memref_slice %arg7[%dma_start3A_570] : memref<10x!tpu.dma_semaphore, #tpu.memory_space<semaphore_mem>> -> memref<1x!tpu.dma_semaphore, #tpu.memory_space<semaphore_mem>>
    %dma_start3A_581 = tpu.memref_squeeze %dma_start3A_580 : memref<1x!tpu.dma_semaphore, #tpu.memory_space<semaphore_mem>> -> memref<!tpu.dma_semaphore, #tpu.memory_space<semaphore_mem>>
    tpu.enqueue_indirect_dma source(%dma_start3A_579 : memref<100000x128xf32, #tpu.memory_space<hbm>>) target(%dma_start3A_574 : memref<64x128xf32, #tpu.memory_space<vmem>>) offsets(%dma_start3A_576 : memref<64xi32, #tpu.memory_space<vmem>>) semaphore(%dma_start3A_581 : memref<!tpu.dma_semaphore, #tpu.memory_space<semaphore_mem>>)
    %dma_wait3A_582 = arith.constant 8 : i32
    %dma_wait3A_583 = arith.constant 8 : i32
    %dma_wait3A_584 = arith.constant 0 : i32
    %dma_wait3A_585 = arith.constant 0 : i32
    %dma_wait3A_586 = tpu.memref_slice %arg6[%dma_wait3A_582, %dma_wait3A_584, %dma_wait3A_585] : memref<10x64x128xf32, #tpu.memory_space<vmem>> -> memref<1x64x128xf32, #tpu.memory_space<vmem>>
    %dma_wait3A_587 = tpu.memref_squeeze %dma_wait3A_586 : memref<1x64x128xf32, #tpu.memory_space<vmem>> -> memref<64x128xf32, #tpu.memory_space<vmem>>
    %dma_wait3A_588 = arith.constant 512 : i32
    %dma_wait3A_589 = tpu.memref_slice %arg5[%dma_wait3A_588] : memref<6400xi32, #tpu.memory_space<vmem>> -> memref<64xi32, #tpu.memory_space<vmem>>
    %dma_wait3A_590 = arith.constant 0 : i32
    %dma_wait3A_591 = arith.constant 0 : i32
    %dma_wait3A_592 = tpu.memref_slice %arg3[%dma_wait3A_590, %dma_wait3A_591] : memref<100000x128xf32, #tpu.memory_space<hbm>> -> memref<100000x128xf32, #tpu.memory_space<hbm>>
    %dma_wait3A_593 = tpu.memref_slice %arg7[%dma_wait3A_583] : memref<10x!tpu.dma_semaphore, #tpu.memory_space<semaphore_mem>> -> memref<1x!tpu.dma_semaphore, #tpu.memory_space<semaphore_mem>>
    %dma_wait3A_594 = tpu.memref_squeeze %dma_wait3A_593 : memref<1x!tpu.dma_semaphore, #tpu.memory_space<semaphore_mem>> -> memref<!tpu.dma_semaphore, #tpu.memory_space<semaphore_mem>>
    tpu.wait_indirect_dma semaphore(%dma_wait3A_594 : memref<!tpu.dma_semaphore, #tpu.memory_space<semaphore_mem>>) src(%dma_wait3A_592 : memref<100000x128xf32, #tpu.memory_space<hbm>>) dst(%dma_wait3A_587 : memref<64x128xf32, #tpu.memory_space<vmem>>)
    %add3A_595 = arith.constant 512 : i32
    %add3A_596 = arith.addi %mul3A_2, %add3A_595 : i32
    %dma_start3A_597 = arith.constant 8 : i32
    %dma_start3A_598 = arith.constant 8 : i32
    %dma_start3A_599 = arith.constant 0 : i32
    %dma_start3A_600 = arith.constant 0 : i32
    %dma_start3A_601 = tpu.memref_slice %arg6[%dma_start3A_597, %dma_start3A_599, %dma_start3A_600] : memref<10x64x128xf32, #tpu.memory_space<vmem>> -> memref<1x64x128xf32, #tpu.memory_space<vmem>>
    %dma_start3A_602 = tpu.memref_squeeze %dma_start3A_601 : memref<1x64x128xf32, #tpu.memory_space<vmem>> -> memref<64x128xf32, #tpu.memory_space<vmem>>
    %dma_start3A_603 = arith.constant 0 : i32
    %dma_start3A_604 = tpu.memref_slice %arg4[%add3A_596, %dma_start3A_603] : memref<204800x128xf32, #tpu.memory_space<hbm>> -> memref<64x128xf32, #tpu.memory_space<hbm>>
    %dma_start3A_605 = tpu.memref_slice %arg8[%dma_start3A_598] : memref<10x!tpu.dma_semaphore, #tpu.memory_space<semaphore_mem>> -> memref<1x!tpu.dma_semaphore, #tpu.memory_space<semaphore_mem>>
    %dma_start3A_606 = tpu.memref_squeeze %dma_start3A_605 : memref<1x!tpu.dma_semaphore, #tpu.memory_space<semaphore_mem>> -> memref<!tpu.dma_semaphore, #tpu.memory_space<semaphore_mem>>
    %dma_start3A_607 = arith.constant 0 : i32
    %dma_start3A_608 = tpu.memref_slice %arg4[%add3A_596, %dma_start3A_607] : memref<204800x128xf32, #tpu.memory_space<hbm>> -> memref<64x128xf32, #tpu.memory_space<hbm>>
    %dma_start3A_609 = arith.constant 0 : i32
    %dma_start3A_610 = arith.constant 0 : i32
    %dma_start3A_611 = tpu.memref_slice %arg6[%dma_start3A_597, %dma_start3A_609, %dma_start3A_610] : memref<10x64x128xf32, #tpu.memory_space<vmem>> -> memref<1x64x128xf32, #tpu.memory_space<vmem>>
    %dma_start3A_612 = tpu.memref_squeeze %dma_start3A_611 : memref<1x64x128xf32, #tpu.memory_space<vmem>> -> memref<64x128xf32, #tpu.memory_space<vmem>>
    tpu.enqueue_dma source(%dma_start3A_612 : memref<64x128xf32, #tpu.memory_space<vmem>>) target(%dma_start3A_608 : memref<64x128xf32, #tpu.memory_space<hbm>>) target_semaphore(%dma_start3A_606 : memref<!tpu.dma_semaphore, #tpu.memory_space<semaphore_mem>>)
    %dma_wait3A_613 = arith.constant 7 : i32
    %dma_wait3A_614 = arith.constant 7 : i32
    %dma_wait3A_615 = arith.constant 0 : i32
    %dma_wait3A_616 = arith.constant 0 : i32
    %dma_wait3A_617 = tpu.memref_slice %arg6[%dma_wait3A_613, %dma_wait3A_615, %dma_wait3A_616] : memref<10x64x128xf32, #tpu.memory_space<vmem>> -> memref<1x64x128xf32, #tpu.memory_space<vmem>>
    %dma_wait3A_618 = tpu.memref_squeeze %dma_wait3A_617 : memref<1x64x128xf32, #tpu.memory_space<vmem>> -> memref<64x128xf32, #tpu.memory_space<vmem>>
    %dma_wait3A_619 = arith.constant 0 : i32
    %dma_wait3A_620 = tpu.memref_slice %arg4[%mul3A_2, %dma_wait3A_619] : memref<204800x128xf32, #tpu.memory_space<hbm>> -> memref<64x128xf32, #tpu.memory_space<hbm>>
    %dma_wait3A_621 = tpu.memref_slice %arg8[%dma_wait3A_614] : memref<10x!tpu.dma_semaphore, #tpu.memory_space<semaphore_mem>> -> memref<1x!tpu.dma_semaphore, #tpu.memory_space<semaphore_mem>>
    %dma_wait3A_622 = tpu.memref_squeeze %dma_wait3A_621 : memref<1x!tpu.dma_semaphore, #tpu.memory_space<semaphore_mem>> -> memref<!tpu.dma_semaphore, #tpu.memory_space<semaphore_mem>>
    %dma_wait3A_623 = arith.constant 0 : i32
    %dma_wait3A_624 = tpu.memref_slice %arg4[%mul3A_2, %dma_wait3A_623] : memref<204800x128xf32, #tpu.memory_space<hbm>> -> memref<64x128xf32, #tpu.memory_space<hbm>>
    %dma_wait3A_625 = arith.constant 0 : i32
    %dma_wait3A_626 = arith.constant 0 : i32
    %dma_wait3A_627 = tpu.memref_slice %arg6[%dma_wait3A_613, %dma_wait3A_625, %dma_wait3A_626] : memref<10x64x128xf32, #tpu.memory_space<vmem>> -> memref<1x64x128xf32, #tpu.memory_space<vmem>>
    %dma_wait3A_628 = tpu.memref_squeeze %dma_wait3A_627 : memref<1x64x128xf32, #tpu.memory_space<vmem>> -> memref<64x128xf32, #tpu.memory_space<vmem>>
    tpu.wait_dma2 semaphore(%dma_wait3A_622 : memref<!tpu.dma_semaphore, #tpu.memory_space<semaphore_mem>>) src(%dma_wait3A_628 : memref<64x128xf32, #tpu.memory_space<vmem>>) dst(%dma_wait3A_624 : memref<64x128xf32, #tpu.memory_space<hbm>>)
    %dma_start3A_629 = arith.constant 7 : i32
    %dma_start3A_630 = arith.constant 7 : i32
    %dma_start3A_631 = arith.constant 0 : i32
    %dma_start3A_632 = arith.constant 0 : i32
    %dma_start3A_633 = tpu.memref_slice %arg6[%dma_start3A_629, %dma_start3A_631, %dma_start3A_632] : memref<10x64x128xf32, #tpu.memory_space<vmem>> -> memref<1x64x128xf32, #tpu.memory_space<vmem>>
    %dma_start3A_634 = tpu.memref_squeeze %dma_start3A_633 : memref<1x64x128xf32, #tpu.memory_space<vmem>> -> memref<64x128xf32, #tpu.memory_space<vmem>>
    %dma_start3A_635 = arith.constant 1088 : i32
    %dma_start3A_636 = tpu.memref_slice %arg5[%dma_start3A_635] : memref<6400xi32, #tpu.memory_space<vmem>> -> memref<64xi32, #tpu.memory_space<vmem>>
    %dma_start3A_637 = arith.constant 0 : i32
    %dma_start3A_638 = arith.constant 0 : i32
    %dma_start3A_639 = tpu.memref_slice %arg3[%dma_start3A_637, %dma_start3A_638] : memref<100000x128xf32, #tpu.memory_space<hbm>> -> memref<100000x128xf32, #tpu.memory_space<hbm>>
    %dma_start3A_640 = tpu.memref_slice %arg7[%dma_start3A_630] : memref<10x!tpu.dma_semaphore, #tpu.memory_space<semaphore_mem>> -> memref<1x!tpu.dma_semaphore, #tpu.memory_space<semaphore_mem>>
    %dma_start3A_641 = tpu.memref_squeeze %dma_start3A_640 : memref<1x!tpu.dma_semaphore, #tpu.memory_space<semaphore_mem>> -> memref<!tpu.dma_semaphore, #tpu.memory_space<semaphore_mem>>
    tpu.enqueue_indirect_dma source(%dma_start3A_639 : memref<100000x128xf32, #tpu.memory_space<hbm>>) target(%dma_start3A_634 : memref<64x128xf32, #tpu.memory_space<vmem>>) offsets(%dma_start3A_636 : memref<64xi32, #tpu.memory_space<vmem>>) semaphore(%dma_start3A_641 : memref<!tpu.dma_semaphore, #tpu.memory_space<semaphore_mem>>)
    %dma_wait3A_642 = arith.constant 9 : i32
    %dma_wait3A_643 = arith.constant 9 : i32
    %dma_wait3A_644 = arith.constant 0 : i32
    %dma_wait3A_645 = arith.constant 0 : i32
    %dma_wait3A_646 = tpu.memref_slice %arg6[%dma_wait3A_642, %dma_wait3A_644, %dma_wait3A_645] : memref<10x64x128xf32, #tpu.memory_space<vmem>> -> memref<1x64x128xf32, #tpu.memory_space<vmem>>
    %dma_wait3A_647 = tpu.memref_squeeze %dma_wait3A_646 : memref<1x64x128xf32, #tpu.memory_space<vmem>> -> memref<64x128xf32, #tpu.memory_space<vmem>>
    %dma_wait3A_648 = arith.constant 576 : i32
    %dma_wait3A_649 = tpu.memref_slice %arg5[%dma_wait3A_648] : memref<6400xi32, #tpu.memory_space<vmem>> -> memref<64xi32, #tpu.memory_space<vmem>>
    %dma_wait3A_650 = arith.constant 0 : i32
    %dma_wait3A_651 = arith.constant 0 : i32
    %dma_wait3A_652 = tpu.memref_slice %arg3[%dma_wait3A_650, %dma_wait3A_651] : memref<100000x128xf32, #tpu.memory_space<hbm>> -> memref<100000x128xf32, #tpu.memory_space<hbm>>
    %dma_wait3A_653 = tpu.memref_slice %arg7[%dma_wait3A_643] : memref<10x!tpu.dma_semaphore, #tpu.memory_space<semaphore_mem>> -> memref<1x!tpu.dma_semaphore, #tpu.memory_space<semaphore_mem>>
    %dma_wait3A_654 = tpu.memref_squeeze %dma_wait3A_653 : memref<1x!tpu.dma_semaphore, #tpu.memory_space<semaphore_mem>> -> memref<!tpu.dma_semaphore, #tpu.memory_space<semaphore_mem>>
    tpu.wait_indirect_dma semaphore(%dma_wait3A_654 : memref<!tpu.dma_semaphore, #tpu.memory_space<semaphore_mem>>) src(%dma_wait3A_652 : memref<100000x128xf32, #tpu.memory_space<hbm>>) dst(%dma_wait3A_647 : memref<64x128xf32, #tpu.memory_space<vmem>>)
    %add3A_655 = arith.constant 576 : i32
    %add3A_656 = arith.addi %mul3A_2, %add3A_655 : i32
    %dma_start3A_657 = arith.constant 9 : i32
    %dma_start3A_658 = arith.constant 9 : i32
    %dma_start3A_659 = arith.constant 0 : i32
    %dma_start3A_660 = arith.constant 0 : i32
    %dma_start3A_661 = tpu.memref_slice %arg6[%dma_start3A_657, %dma_start3A_659, %dma_start3A_660] : memref<10x64x128xf32, #tpu.memory_space<vmem>> -> memref<1x64x128xf32, #tpu.memory_space<vmem>>
    %dma_start3A_662 = tpu.memref_squeeze %dma_start3A_661 : memref<1x64x128xf32, #tpu.memory_space<vmem>> -> memref<64x128xf32, #tpu.memory_space<vmem>>
    %dma_start3A_663 = arith.constant 0 : i32
    %dma_start3A_664 = tpu.memref_slice %arg4[%add3A_656, %dma_start3A_663] : memref<204800x128xf32, #tpu.memory_space<hbm>> -> memref<64x128xf32, #tpu.memory_space<hbm>>
    %dma_start3A_665 = tpu.memref_slice %arg8[%dma_start3A_658] : memref<10x!tpu.dma_semaphore, #tpu.memory_space<semaphore_mem>> -> memref<1x!tpu.dma_semaphore, #tpu.memory_space<semaphore_mem>>
    %dma_start3A_666 = tpu.memref_squeeze %dma_start3A_665 : memref<1x!tpu.dma_semaphore, #tpu.memory_space<semaphore_mem>> -> memref<!tpu.dma_semaphore, #tpu.memory_space<semaphore_mem>>
    %dma_start3A_667 = arith.constant 0 : i32
    %dma_start3A_668 = tpu.memref_slice %arg4[%add3A_656, %dma_start3A_667] : memref<204800x128xf32, #tpu.memory_space<hbm>> -> memref<64x128xf32, #tpu.memory_space<hbm>>
    %dma_start3A_669 = arith.constant 0 : i32
    %dma_start3A_670 = arith.constant 0 : i32
    %dma_start3A_671 = tpu.memref_slice %arg6[%dma_start3A_657, %dma_start3A_669, %dma_start3A_670] : memref<10x64x128xf32, #tpu.memory_space<vmem>> -> memref<1x64x128xf32, #tpu.memory_space<vmem>>
    %dma_start3A_672 = tpu.memref_squeeze %dma_start3A_671 : memref<1x64x128xf32, #tpu.memory_space<vmem>> -> memref<64x128xf32, #tpu.memory_space<vmem>>
    tpu.enqueue_dma source(%dma_start3A_672 : memref<64x128xf32, #tpu.memory_space<vmem>>) target(%dma_start3A_668 : memref<64x128xf32, #tpu.memory_space<hbm>>) target_semaphore(%dma_start3A_666 : memref<!tpu.dma_semaphore, #tpu.memory_space<semaphore_mem>>)
    %scan3A = arith.constant 0 : i32
    %scan3A_673 = arith.constant 1 : i32
    %scan3A_674 = arith.constant 8 : i32
    %scan3A_675 = arith.addi %scan3A_673, %scan3A_674 : i32
    %scan3A_676 = arith.constant 1 : i32
    scf.for %scan3A_1206 = %scan3A_673 to %scan3A_675 step %scan3A_676  : i32 {
      %mul3A_1207 = arith.constant 10 : i32
      %mul3A_1208 = arith.muli %scan3A_1206, %mul3A_1207 : i32
      %add3A_1209 = arith.constant 0 : i32
      %add3A_1210 = arith.addi %mul3A_1208, %add3A_1209 : i32
      %dma_wait3A_1211 = arith.constant 8 : i32
      %dma_wait3A_1212 = arith.constant 8 : i32
      %dma_wait3A_1213 = arith.constant 0 : i32
      %dma_wait3A_1214 = arith.constant 0 : i32
      %dma_wait3A_1215 = tpu.memref_slice %arg6[%dma_wait3A_1211, %dma_wait3A_1213, %dma_wait3A_1214] : memref<10x64x128xf32, #tpu.memory_space<vmem>> -> memref<1x64x128xf32, #tpu.memory_space<vmem>>
      %dma_wait3A_1216 = tpu.memref_squeeze %dma_wait3A_1215 : memref<1x64x128xf32, #tpu.memory_space<vmem>> -> memref<64x128xf32, #tpu.memory_space<vmem>>
      %dma_wait3A_1217 = arith.constant 0 : i32
      %dma_wait3A_1218 = tpu.memref_slice %arg4[%mul3A_2, %dma_wait3A_1217] : memref<204800x128xf32, #tpu.memory_space<hbm>> -> memref<64x128xf32, #tpu.memory_space<hbm>>
      %dma_wait3A_1219 = tpu.memref_slice %arg8[%dma_wait3A_1212] : memref<10x!tpu.dma_semaphore, #tpu.memory_space<semaphore_mem>> -> memref<1x!tpu.dma_semaphore, #tpu.memory_space<semaphore_mem>>
      %dma_wait3A_1220 = tpu.memref_squeeze %dma_wait3A_1219 : memref<1x!tpu.dma_semaphore, #tpu.memory_space<semaphore_mem>> -> memref<!tpu.dma_semaphore, #tpu.memory_space<semaphore_mem>>
      %dma_wait3A_1221 = arith.constant 0 : i32
      %dma_wait3A_1222 = tpu.memref_slice %arg4[%mul3A_2, %dma_wait3A_1221] : memref<204800x128xf32, #tpu.memory_space<hbm>> -> memref<64x128xf32, #tpu.memory_space<hbm>>
      %dma_wait3A_1223 = arith.constant 0 : i32
      %dma_wait3A_1224 = arith.constant 0 : i32
      %dma_wait3A_1225 = tpu.memref_slice %arg6[%dma_wait3A_1211, %dma_wait3A_1223, %dma_wait3A_1224] : memref<10x64x128xf32, #tpu.memory_space<vmem>> -> memref<1x64x128xf32, #tpu.memory_space<vmem>>
      %dma_wait3A_1226 = tpu.memref_squeeze %dma_wait3A_1225 : memref<1x64x128xf32, #tpu.memory_space<vmem>> -> memref<64x128xf32, #tpu.memory_space<vmem>>
      tpu.wait_dma2 semaphore(%dma_wait3A_1220 : memref<!tpu.dma_semaphore, #tpu.memory_space<semaphore_mem>>) src(%dma_wait3A_1226 : memref<64x128xf32, #tpu.memory_space<vmem>>) dst(%dma_wait3A_1222 : memref<64x128xf32, #tpu.memory_space<hbm>>)
      %add3A_1227 = arith.constant 8 : i32
      %add3A_1228 = arith.addi %add3A_1210, %add3A_1227 : i32
      %mul3A_1229 = arith.constant 64 : i32
      %mul3A_1230 = arith.muli %add3A_1228, %mul3A_1229 : i32
      %dma_start3A_1231 = arith.constant 8 : i32
      %dma_start3A_1232 = arith.constant 8 : i32
      %dma_start3A_1233 = arith.constant 0 : i32
      %dma_start3A_1234 = arith.constant 0 : i32
      %dma_start3A_1235 = tpu.memref_slice %arg6[%dma_start3A_1231, %dma_start3A_1233, %dma_start3A_1234] : memref<10x64x128xf32, #tpu.memory_space<vmem>> -> memref<1x64x128xf32, #tpu.memory_space<vmem>>
      %dma_start3A_1236 = tpu.memref_squeeze %dma_start3A_1235 : memref<1x64x128xf32, #tpu.memory_space<vmem>> -> memref<64x128xf32, #tpu.memory_space<vmem>>
      %dma_start3A_1237 = tpu.memref_slice %arg5[%mul3A_1230] : memref<6400xi32, #tpu.memory_space<vmem>> -> memref<64xi32, #tpu.memory_space<vmem>>
      %dma_start3A_1238 = arith.constant 0 : i32
      %dma_start3A_1239 = arith.constant 0 : i32
      %dma_start3A_1240 = tpu.memref_slice %arg3[%dma_start3A_1238, %dma_start3A_1239] : memref<100000x128xf32, #tpu.memory_space<hbm>> -> memref<100000x128xf32, #tpu.memory_space<hbm>>
      %dma_start3A_1241 = tpu.memref_slice %arg7[%dma_start3A_1232] : memref<10x!tpu.dma_semaphore, #tpu.memory_space<semaphore_mem>> -> memref<1x!tpu.dma_semaphore, #tpu.memory_space<semaphore_mem>>
      %dma_start3A_1242 = tpu.memref_squeeze %dma_start3A_1241 : memref<1x!tpu.dma_semaphore, #tpu.memory_space<semaphore_mem>> -> memref<!tpu.dma_semaphore, #tpu.memory_space<semaphore_mem>>
      tpu.enqueue_indirect_dma source(%dma_start3A_1240 : memref<100000x128xf32, #tpu.memory_space<hbm>>) target(%dma_start3A_1236 : memref<64x128xf32, #tpu.memory_space<vmem>>) offsets(%dma_start3A_1237 : memref<64xi32, #tpu.memory_space<vmem>>) semaphore(%dma_start3A_1242 : memref<!tpu.dma_semaphore, #tpu.memory_space<semaphore_mem>>)
      %mul3A_1243 = arith.constant 64 : i32
      %mul3A_1244 = arith.muli %add3A_1210, %mul3A_1243 : i32
      %dma_wait3A_1245 = arith.constant 0 : i32
      %dma_wait3A_1246 = arith.constant 0 : i32
      %dma_wait3A_1247 = arith.constant 0 : i32
      %dma_wait3A_1248 = arith.constant 0 : i32
      %dma_wait3A_1249 = tpu.memref_slice %arg6[%dma_wait3A_1245, %dma_wait3A_1247, %dma_wait3A_1248] : memref<10x64x128xf32, #tpu.memory_space<vmem>> -> memref<1x64x128xf32, #tpu.memory_space<vmem>>
      %dma_wait3A_1250 = tpu.memref_squeeze %dma_wait3A_1249 : memref<1x64x128xf32, #tpu.memory_space<vmem>> -> memref<64x128xf32, #tpu.memory_space<vmem>>
      %dma_wait3A_1251 = tpu.memref_slice %arg5[%mul3A_1244] : memref<6400xi32, #tpu.memory_space<vmem>> -> memref<64xi32, #tpu.memory_space<vmem>>
      %dma_wait3A_1252 = arith.constant 0 : i32
      %dma_wait3A_1253 = arith.constant 0 : i32
      %dma_wait3A_1254 = tpu.memref_slice %arg3[%dma_wait3A_1252, %dma_wait3A_1253] : memref<100000x128xf32, #tpu.memory_space<hbm>> -> memref<100000x128xf32, #tpu.memory_space<hbm>>
      %dma_wait3A_1255 = tpu.memref_slice %arg7[%dma_wait3A_1246] : memref<10x!tpu.dma_semaphore, #tpu.memory_space<semaphore_mem>> -> memref<1x!tpu.dma_semaphore, #tpu.memory_space<semaphore_mem>>
      %dma_wait3A_1256 = tpu.memref_squeeze %dma_wait3A_1255 : memref<1x!tpu.dma_semaphore, #tpu.memory_space<semaphore_mem>> -> memref<!tpu.dma_semaphore, #tpu.memory_space<semaphore_mem>>
      tpu.wait_indirect_dma semaphore(%dma_wait3A_1256 : memref<!tpu.dma_semaphore, #tpu.memory_space<semaphore_mem>>) src(%dma_wait3A_1254 : memref<100000x128xf32, #tpu.memory_space<hbm>>) dst(%dma_wait3A_1250 : memref<64x128xf32, #tpu.memory_space<vmem>>)
      %mul3A_1257 = arith.constant 64 : i32
      %mul3A_1258 = arith.muli %add3A_1210, %mul3A_1257 : i32
      %add3A_1259 = arith.addi %mul3A_2, %mul3A_1258 : i32
      %dma_start3A_1260 = arith.constant 0 : i32
      %dma_start3A_1261 = arith.constant 0 : i32
      %dma_start3A_1262 = arith.constant 0 : i32
      %dma_start3A_1263 = arith.constant 0 : i32
      %dma_start3A_1264 = tpu.memref_slice %arg6[%dma_start3A_1260, %dma_start3A_1262, %dma_start3A_1263] : memref<10x64x128xf32, #tpu.memory_space<vmem>> -> memref<1x64x128xf32, #tpu.memory_space<vmem>>
      %dma_start3A_1265 = tpu.memref_squeeze %dma_start3A_1264 : memref<1x64x128xf32, #tpu.memory_space<vmem>> -> memref<64x128xf32, #tpu.memory_space<vmem>>
      %dma_start3A_1266 = arith.constant 0 : i32
      %dma_start3A_1267 = tpu.memref_slice %arg4[%add3A_1259, %dma_start3A_1266] : memref<204800x128xf32, #tpu.memory_space<hbm>> -> memref<64x128xf32, #tpu.memory_space<hbm>>
      %dma_start3A_1268 = tpu.memref_slice %arg8[%dma_start3A_1261] : memref<10x!tpu.dma_semaphore, #tpu.memory_space<semaphore_mem>> -> memref<1x!tpu.dma_semaphore, #tpu.memory_space<semaphore_mem>>
      %dma_start3A_1269 = tpu.memref_squeeze %dma_start3A_1268 : memref<1x!tpu.dma_semaphore, #tpu.memory_space<semaphore_mem>> -> memref<!tpu.dma_semaphore, #tpu.memory_space<semaphore_mem>>
      %dma_start3A_1270 = arith.constant 0 : i32
      %dma_start3A_1271 = tpu.memref_slice %arg4[%add3A_1259, %dma_start3A_1270] : memref<204800x128xf32, #tpu.memory_space<hbm>> -> memref<64x128xf32, #tpu.memory_space<hbm>>
      %dma_start3A_1272 = arith.constant 0 : i32
      %dma_start3A_1273 = arith.constant 0 : i32
      %dma_start3A_1274 = tpu.memref_slice %arg6[%dma_start3A_1260, %dma_start3A_1272, %dma_start3A_1273] : memref<10x64x128xf32, #tpu.memory_space<vmem>> -> memref<1x64x128xf32, #tpu.memory_space<vmem>>
      %dma_start3A_1275 = tpu.memref_squeeze %dma_start3A_1274 : memref<1x64x128xf32, #tpu.memory_space<vmem>> -> memref<64x128xf32, #tpu.memory_space<vmem>>
      tpu.enqueue_dma source(%dma_start3A_1275 : memref<64x128xf32, #tpu.memory_space<vmem>>) target(%dma_start3A_1271 : memref<64x128xf32, #tpu.memory_space<hbm>>) target_semaphore(%dma_start3A_1269 : memref<!tpu.dma_semaphore, #tpu.memory_space<semaphore_mem>>)
      %add3A_1276 = arith.constant 1 : i32
      %add3A_1277 = arith.addi %mul3A_1208, %add3A_1276 : i32
      %dma_wait3A_1278 = arith.constant 9 : i32
      %dma_wait3A_1279 = arith.constant 9 : i32
      %dma_wait3A_1280 = arith.constant 0 : i32
      %dma_wait3A_1281 = arith.constant 0 : i32
      %dma_wait3A_1282 = tpu.memref_slice %arg6[%dma_wait3A_1278, %dma_wait3A_1280, %dma_wait3A_1281] : memref<10x64x128xf32, #tpu.memory_space<vmem>> -> memref<1x64x128xf32, #tpu.memory_space<vmem>>
      %dma_wait3A_1283 = tpu.memref_squeeze %dma_wait3A_1282 : memref<1x64x128xf32, #tpu.memory_space<vmem>> -> memref<64x128xf32, #tpu.memory_space<vmem>>
      %dma_wait3A_1284 = arith.constant 0 : i32
      %dma_wait3A_1285 = tpu.memref_slice %arg4[%mul3A_2, %dma_wait3A_1284] : memref<204800x128xf32, #tpu.memory_space<hbm>> -> memref<64x128xf32, #tpu.memory_space<hbm>>
      %dma_wait3A_1286 = tpu.memref_slice %arg8[%dma_wait3A_1279] : memref<10x!tpu.dma_semaphore, #tpu.memory_space<semaphore_mem>> -> memref<1x!tpu.dma_semaphore, #tpu.memory_space<semaphore_mem>>
      %dma_wait3A_1287 = tpu.memref_squeeze %dma_wait3A_1286 : memref<1x!tpu.dma_semaphore, #tpu.memory_space<semaphore_mem>> -> memref<!tpu.dma_semaphore, #tpu.memory_space<semaphore_mem>>
      %dma_wait3A_1288 = arith.constant 0 : i32
      %dma_wait3A_1289 = tpu.memref_slice %arg4[%mul3A_2, %dma_wait3A_1288] : memref<204800x128xf32, #tpu.memory_space<hbm>> -> memref<64x128xf32, #tpu.memory_space<hbm>>
      %dma_wait3A_1290 = arith.constant 0 : i32
      %dma_wait3A_1291 = arith.constant 0 : i32
      %dma_wait3A_1292 = tpu.memref_slice %arg6[%dma_wait3A_1278, %dma_wait3A_1290, %dma_wait3A_1291] : memref<10x64x128xf32, #tpu.memory_space<vmem>> -> memref<1x64x128xf32, #tpu.memory_space<vmem>>
      %dma_wait3A_1293 = tpu.memref_squeeze %dma_wait3A_1292 : memref<1x64x128xf32, #tpu.memory_space<vmem>> -> memref<64x128xf32, #tpu.memory_space<vmem>>
      tpu.wait_dma2 semaphore(%dma_wait3A_1287 : memref<!tpu.dma_semaphore, #tpu.memory_space<semaphore_mem>>) src(%dma_wait3A_1293 : memref<64x128xf32, #tpu.memory_space<vmem>>) dst(%dma_wait3A_1289 : memref<64x128xf32, #tpu.memory_space<hbm>>)
      %add3A_1294 = arith.constant 8 : i32
      %add3A_1295 = arith.addi %add3A_1277, %add3A_1294 : i32
      %mul3A_1296 = arith.constant 64 : i32
      %mul3A_1297 = arith.muli %add3A_1295, %mul3A_1296 : i32
      %dma_start3A_1298 = arith.constant 9 : i32
      %dma_start3A_1299 = arith.constant 9 : i32
      %dma_start3A_1300 = arith.constant 0 : i32
      %dma_start3A_1301 = arith.constant 0 : i32
      %dma_start3A_1302 = tpu.memref_slice %arg6[%dma_start3A_1298, %dma_start3A_1300, %dma_start3A_1301] : memref<10x64x128xf32, #tpu.memory_space<vmem>> -> memref<1x64x128xf32, #tpu.memory_space<vmem>>
      %dma_start3A_1303 = tpu.memref_squeeze %dma_start3A_1302 : memref<1x64x128xf32, #tpu.memory_space<vmem>> -> memref<64x128xf32, #tpu.memory_space<vmem>>
      %dma_start3A_1304 = tpu.memref_slice %arg5[%mul3A_1297] : memref<6400xi32, #tpu.memory_space<vmem>> -> memref<64xi32, #tpu.memory_space<vmem>>
      %dma_start3A_1305 = arith.constant 0 : i32
      %dma_start3A_1306 = arith.constant 0 : i32
      %dma_start3A_1307 = tpu.memref_slice %arg3[%dma_start3A_1305, %dma_start3A_1306] : memref<100000x128xf32, #tpu.memory_space<hbm>> -> memref<100000x128xf32, #tpu.memory_space<hbm>>
      %dma_start3A_1308 = tpu.memref_slice %arg7[%dma_start3A_1299] : memref<10x!tpu.dma_semaphore, #tpu.memory_space<semaphore_mem>> -> memref<1x!tpu.dma_semaphore, #tpu.memory_space<semaphore_mem>>
      %dma_start3A_1309 = tpu.memref_squeeze %dma_start3A_1308 : memref<1x!tpu.dma_semaphore, #tpu.memory_space<semaphore_mem>> -> memref<!tpu.dma_semaphore, #tpu.memory_space<semaphore_mem>>
      tpu.enqueue_indirect_dma source(%dma_start3A_1307 : memref<100000x128xf32, #tpu.memory_space<hbm>>) target(%dma_start3A_1303 : memref<64x128xf32, #tpu.memory_space<vmem>>) offsets(%dma_start3A_1304 : memref<64xi32, #tpu.memory_space<vmem>>) semaphore(%dma_start3A_1309 : memref<!tpu.dma_semaphore, #tpu.memory_space<semaphore_mem>>)
      %mul3A_1310 = arith.constant 64 : i32
      %mul3A_1311 = arith.muli %add3A_1277, %mul3A_1310 : i32
      %dma_wait3A_1312 = arith.constant 1 : i32
      %dma_wait3A_1313 = arith.constant 1 : i32
      %dma_wait3A_1314 = arith.constant 0 : i32
      %dma_wait3A_1315 = arith.constant 0 : i32
      %dma_wait3A_1316 = tpu.memref_slice %arg6[%dma_wait3A_1312, %dma_wait3A_1314, %dma_wait3A_1315] : memref<10x64x128xf32, #tpu.memory_space<vmem>> -> memref<1x64x128xf32, #tpu.memory_space<vmem>>
      %dma_wait3A_1317 = tpu.memref_squeeze %dma_wait3A_1316 : memref<1x64x128xf32, #tpu.memory_space<vmem>> -> memref<64x128xf32, #tpu.memory_space<vmem>>
      %dma_wait3A_1318 = tpu.memref_slice %arg5[%mul3A_1311] : memref<6400xi32, #tpu.memory_space<vmem>> -> memref<64xi32, #tpu.memory_space<vmem>>
      %dma_wait3A_1319 = arith.constant 0 : i32
      %dma_wait3A_1320 = arith.constant 0 : i32
      %dma_wait3A_1321 = tpu.memref_slice %arg3[%dma_wait3A_1319, %dma_wait3A_1320] : memref<100000x128xf32, #tpu.memory_space<hbm>> -> memref<100000x128xf32, #tpu.memory_space<hbm>>
      %dma_wait3A_1322 = tpu.memref_slice %arg7[%dma_wait3A_1313] : memref<10x!tpu.dma_semaphore, #tpu.memory_space<semaphore_mem>> -> memref<1x!tpu.dma_semaphore, #tpu.memory_space<semaphore_mem>>
      %dma_wait3A_1323 = tpu.memref_squeeze %dma_wait3A_1322 : memref<1x!tpu.dma_semaphore, #tpu.memory_space<semaphore_mem>> -> memref<!tpu.dma_semaphore, #tpu.memory_space<semaphore_mem>>
      tpu.wait_indirect_dma semaphore(%dma_wait3A_1323 : memref<!tpu.dma_semaphore, #tpu.memory_space<semaphore_mem>>) src(%dma_wait3A_1321 : memref<100000x128xf32, #tpu.memory_space<hbm>>) dst(%dma_wait3A_1317 : memref<64x128xf32, #tpu.memory_space<vmem>>)
      %mul3A_1324 = arith.constant 64 : i32
      %mul3A_1325 = arith.muli %add3A_1277, %mul3A_1324 : i32
      %add3A_1326 = arith.addi %mul3A_2, %mul3A_1325 : i32
      %dma_start3A_1327 = arith.constant 1 : i32
      %dma_start3A_1328 = arith.constant 1 : i32
      %dma_start3A_1329 = arith.constant 0 : i32
      %dma_start3A_1330 = arith.constant 0 : i32
      %dma_start3A_1331 = tpu.memref_slice %arg6[%dma_start3A_1327, %dma_start3A_1329, %dma_start3A_1330] : memref<10x64x128xf32, #tpu.memory_space<vmem>> -> memref<1x64x128xf32, #tpu.memory_space<vmem>>
      %dma_start3A_1332 = tpu.memref_squeeze %dma_start3A_1331 : memref<1x64x128xf32, #tpu.memory_space<vmem>> -> memref<64x128xf32, #tpu.memory_space<vmem>>
      %dma_start3A_1333 = arith.constant 0 : i32
      %dma_start3A_1334 = tpu.memref_slice %arg4[%add3A_1326, %dma_start3A_1333] : memref<204800x128xf32, #tpu.memory_space<hbm>> -> memref<64x128xf32, #tpu.memory_space<hbm>>
      %dma_start3A_1335 = tpu.memref_slice %arg8[%dma_start3A_1328] : memref<10x!tpu.dma_semaphore, #tpu.memory_space<semaphore_mem>> -> memref<1x!tpu.dma_semaphore, #tpu.memory_space<semaphore_mem>>
      %dma_start3A_1336 = tpu.memref_squeeze %dma_start3A_1335 : memref<1x!tpu.dma_semaphore, #tpu.memory_space<semaphore_mem>> -> memref<!tpu.dma_semaphore, #tpu.memory_space<semaphore_mem>>
      %dma_start3A_1337 = arith.constant 0 : i32
      %dma_start3A_1338 = tpu.memref_slice %arg4[%add3A_1326, %dma_start3A_1337] : memref<204800x128xf32, #tpu.memory_space<hbm>> -> memref<64x128xf32, #tpu.memory_space<hbm>>
      %dma_start3A_1339 = arith.constant 0 : i32
      %dma_start3A_1340 = arith.constant 0 : i32
      %dma_start3A_1341 = tpu.memref_slice %arg6[%dma_start3A_1327, %dma_start3A_1339, %dma_start3A_1340] : memref<10x64x128xf32, #tpu.memory_space<vmem>> -> memref<1x64x128xf32, #tpu.memory_space<vmem>>
      %dma_start3A_1342 = tpu.memref_squeeze %dma_start3A_1341 : memref<1x64x128xf32, #tpu.memory_space<vmem>> -> memref<64x128xf32, #tpu.memory_space<vmem>>
      tpu.enqueue_dma source(%dma_start3A_1342 : memref<64x128xf32, #tpu.memory_space<vmem>>) target(%dma_start3A_1338 : memref<64x128xf32, #tpu.memory_space<hbm>>) target_semaphore(%dma_start3A_1336 : memref<!tpu.dma_semaphore, #tpu.memory_space<semaphore_mem>>)
      %add3A_1343 = arith.constant 2 : i32
      %add3A_1344 = arith.addi %mul3A_1208, %add3A_1343 : i32
      %dma_wait3A_1345 = arith.constant 0 : i32
      %dma_wait3A_1346 = arith.constant 0 : i32
      %dma_wait3A_1347 = arith.constant 0 : i32
      %dma_wait3A_1348 = arith.constant 0 : i32
      %dma_wait3A_1349 = tpu.memref_slice %arg6[%dma_wait3A_1345, %dma_wait3A_1347, %dma_wait3A_1348] : memref<10x64x128xf32, #tpu.memory_space<vmem>> -> memref<1x64x128xf32, #tpu.memory_space<vmem>>
      %dma_wait3A_1350 = tpu.memref_squeeze %dma_wait3A_1349 : memref<1x64x128xf32, #tpu.memory_space<vmem>> -> memref<64x128xf32, #tpu.memory_space<vmem>>
      %dma_wait3A_1351 = arith.constant 0 : i32
      %dma_wait3A_1352 = tpu.memref_slice %arg4[%mul3A_2, %dma_wait3A_1351] : memref<204800x128xf32, #tpu.memory_space<hbm>> -> memref<64x128xf32, #tpu.memory_space<hbm>>
      %dma_wait3A_1353 = tpu.memref_slice %arg8[%dma_wait3A_1346] : memref<10x!tpu.dma_semaphore, #tpu.memory_space<semaphore_mem>> -> memref<1x!tpu.dma_semaphore, #tpu.memory_space<semaphore_mem>>
      %dma_wait3A_1354 = tpu.memref_squeeze %dma_wait3A_1353 : memref<1x!tpu.dma_semaphore, #tpu.memory_space<semaphore_mem>> -> memref<!tpu.dma_semaphore, #tpu.memory_space<semaphore_mem>>
      %dma_wait3A_1355 = arith.constant 0 : i32
      %dma_wait3A_1356 = tpu.memref_slice %arg4[%mul3A_2, %dma_wait3A_1355] : memref<204800x128xf32, #tpu.memory_space<hbm>> -> memref<64x128xf32, #tpu.memory_space<hbm>>
      %dma_wait3A_1357 = arith.constant 0 : i32
      %dma_wait3A_1358 = arith.constant 0 : i32
      %dma_wait3A_1359 = tpu.memref_slice %arg6[%dma_wait3A_1345, %dma_wait3A_1357, %dma_wait3A_1358] : memref<10x64x128xf32, #tpu.memory_space<vmem>> -> memref<1x64x128xf32, #tpu.memory_space<vmem>>
      %dma_wait3A_1360 = tpu.memref_squeeze %dma_wait3A_1359 : memref<1x64x128xf32, #tpu.memory_space<vmem>> -> memref<64x128xf32, #tpu.memory_space<vmem>>
      tpu.wait_dma2 semaphore(%dma_wait3A_1354 : memref<!tpu.dma_semaphore, #tpu.memory_space<semaphore_mem>>) src(%dma_wait3A_1360 : memref<64x128xf32, #tpu.memory_space<vmem>>) dst(%dma_wait3A_1356 : memref<64x128xf32, #tpu.memory_space<hbm>>)
      %add3A_1361 = arith.constant 8 : i32
      %add3A_1362 = arith.addi %add3A_1344, %add3A_1361 : i32
      %mul3A_1363 = arith.constant 64 : i32
      %mul3A_1364 = arith.muli %add3A_1362, %mul3A_1363 : i32
      %dma_start3A_1365 = arith.constant 0 : i32
      %dma_start3A_1366 = arith.constant 0 : i32
      %dma_start3A_1367 = arith.constant 0 : i32
      %dma_start3A_1368 = arith.constant 0 : i32
      %dma_start3A_1369 = tpu.memref_slice %arg6[%dma_start3A_1365, %dma_start3A_1367, %dma_start3A_1368] : memref<10x64x128xf32, #tpu.memory_space<vmem>> -> memref<1x64x128xf32, #tpu.memory_space<vmem>>
      %dma_start3A_1370 = tpu.memref_squeeze %dma_start3A_1369 : memref<1x64x128xf32, #tpu.memory_space<vmem>> -> memref<64x128xf32, #tpu.memory_space<vmem>>
      %dma_start3A_1371 = tpu.memref_slice %arg5[%mul3A_1364] : memref<6400xi32, #tpu.memory_space<vmem>> -> memref<64xi32, #tpu.memory_space<vmem>>
      %dma_start3A_1372 = arith.constant 0 : i32
      %dma_start3A_1373 = arith.constant 0 : i32
      %dma_start3A_1374 = tpu.memref_slice %arg3[%dma_start3A_1372, %dma_start3A_1373] : memref<100000x128xf32, #tpu.memory_space<hbm>> -> memref<100000x128xf32, #tpu.memory_space<hbm>>
      %dma_start3A_1375 = tpu.memref_slice %arg7[%dma_start3A_1366] : memref<10x!tpu.dma_semaphore, #tpu.memory_space<semaphore_mem>> -> memref<1x!tpu.dma_semaphore, #tpu.memory_space<semaphore_mem>>
      %dma_start3A_1376 = tpu.memref_squeeze %dma_start3A_1375 : memref<1x!tpu.dma_semaphore, #tpu.memory_space<semaphore_mem>> -> memref<!tpu.dma_semaphore, #tpu.memory_space<semaphore_mem>>
      tpu.enqueue_indirect_dma source(%dma_start3A_1374 : memref<100000x128xf32, #tpu.memory_space<hbm>>) target(%dma_start3A_1370 : memref<64x128xf32, #tpu.memory_space<vmem>>) offsets(%dma_start3A_1371 : memref<64xi32, #tpu.memory_space<vmem>>) semaphore(%dma_start3A_1376 : memref<!tpu.dma_semaphore, #tpu.memory_space<semaphore_mem>>)
      %mul3A_1377 = arith.constant 64 : i32
      %mul3A_1378 = arith.muli %add3A_1344, %mul3A_1377 : i32
      %dma_wait3A_1379 = arith.constant 2 : i32
      %dma_wait3A_1380 = arith.constant 2 : i32
      %dma_wait3A_1381 = arith.constant 0 : i32
      %dma_wait3A_1382 = arith.constant 0 : i32
      %dma_wait3A_1383 = tpu.memref_slice %arg6[%dma_wait3A_1379, %dma_wait3A_1381, %dma_wait3A_1382] : memref<10x64x128xf32, #tpu.memory_space<vmem>> -> memref<1x64x128xf32, #tpu.memory_space<vmem>>
      %dma_wait3A_1384 = tpu.memref_squeeze %dma_wait3A_1383 : memref<1x64x128xf32, #tpu.memory_space<vmem>> -> memref<64x128xf32, #tpu.memory_space<vmem>>
      %dma_wait3A_1385 = tpu.memref_slice %arg5[%mul3A_1378] : memref<6400xi32, #tpu.memory_space<vmem>> -> memref<64xi32, #tpu.memory_space<vmem>>
      %dma_wait3A_1386 = arith.constant 0 : i32
      %dma_wait3A_1387 = arith.constant 0 : i32
      %dma_wait3A_1388 = tpu.memref_slice %arg3[%dma_wait3A_1386, %dma_wait3A_1387] : memref<100000x128xf32, #tpu.memory_space<hbm>> -> memref<100000x128xf32, #tpu.memory_space<hbm>>
      %dma_wait3A_1389 = tpu.memref_slice %arg7[%dma_wait3A_1380] : memref<10x!tpu.dma_semaphore, #tpu.memory_space<semaphore_mem>> -> memref<1x!tpu.dma_semaphore, #tpu.memory_space<semaphore_mem>>
      %dma_wait3A_1390 = tpu.memref_squeeze %dma_wait3A_1389 : memref<1x!tpu.dma_semaphore, #tpu.memory_space<semaphore_mem>> -> memref<!tpu.dma_semaphore, #tpu.memory_space<semaphore_mem>>
      tpu.wait_indirect_dma semaphore(%dma_wait3A_1390 : memref<!tpu.dma_semaphore, #tpu.memory_space<semaphore_mem>>) src(%dma_wait3A_1388 : memref<100000x128xf32, #tpu.memory_space<hbm>>) dst(%dma_wait3A_1384 : memref<64x128xf32, #tpu.memory_space<vmem>>)
      %mul3A_1391 = arith.constant 64 : i32
      %mul3A_1392 = arith.muli %add3A_1344, %mul3A_1391 : i32
      %add3A_1393 = arith.addi %mul3A_2, %mul3A_1392 : i32
      %dma_start3A_1394 = arith.constant 2 : i32
      %dma_start3A_1395 = arith.constant 2 : i32
      %dma_start3A_1396 = arith.constant 0 : i32
      %dma_start3A_1397 = arith.constant 0 : i32
      %dma_start3A_1398 = tpu.memref_slice %arg6[%dma_start3A_1394, %dma_start3A_1396, %dma_start3A_1397] : memref<10x64x128xf32, #tpu.memory_space<vmem>> -> memref<1x64x128xf32, #tpu.memory_space<vmem>>
      %dma_start3A_1399 = tpu.memref_squeeze %dma_start3A_1398 : memref<1x64x128xf32, #tpu.memory_space<vmem>> -> memref<64x128xf32, #tpu.memory_space<vmem>>
      %dma_start3A_1400 = arith.constant 0 : i32
      %dma_start3A_1401 = tpu.memref_slice %arg4[%add3A_1393, %dma_start3A_1400] : memref<204800x128xf32, #tpu.memory_space<hbm>> -> memref<64x128xf32, #tpu.memory_space<hbm>>
      %dma_start3A_1402 = tpu.memref_slice %arg8[%dma_start3A_1395] : memref<10x!tpu.dma_semaphore, #tpu.memory_space<semaphore_mem>> -> memref<1x!tpu.dma_semaphore, #tpu.memory_space<semaphore_mem>>
      %dma_start3A_1403 = tpu.memref_squeeze %dma_start3A_1402 : memref<1x!tpu.dma_semaphore, #tpu.memory_space<semaphore_mem>> -> memref<!tpu.dma_semaphore, #tpu.memory_space<semaphore_mem>>
      %dma_start3A_1404 = arith.constant 0 : i32
      %dma_start3A_1405 = tpu.memref_slice %arg4[%add3A_1393, %dma_start3A_1404] : memref<204800x128xf32, #tpu.memory_space<hbm>> -> memref<64x128xf32, #tpu.memory_space<hbm>>
      %dma_start3A_1406 = arith.constant 0 : i32
      %dma_start3A_1407 = arith.constant 0 : i32
      %dma_start3A_1408 = tpu.memref_slice %arg6[%dma_start3A_1394, %dma_start3A_1406, %dma_start3A_1407] : memref<10x64x128xf32, #tpu.memory_space<vmem>> -> memref<1x64x128xf32, #tpu.memory_space<vmem>>
      %dma_start3A_1409 = tpu.memref_squeeze %dma_start3A_1408 : memref<1x64x128xf32, #tpu.memory_space<vmem>> -> memref<64x128xf32, #tpu.memory_space<vmem>>
      tpu.enqueue_dma source(%dma_start3A_1409 : memref<64x128xf32, #tpu.memory_space<vmem>>) target(%dma_start3A_1405 : memref<64x128xf32, #tpu.memory_space<hbm>>) target_semaphore(%dma_start3A_1403 : memref<!tpu.dma_semaphore, #tpu.memory_space<semaphore_mem>>)
      %add3A_1410 = arith.constant 3 : i32
      %add3A_1411 = arith.addi %mul3A_1208, %add3A_1410 : i32
      %dma_wait3A_1412 = arith.constant 1 : i32
      %dma_wait3A_1413 = arith.constant 1 : i32
      %dma_wait3A_1414 = arith.constant 0 : i32
      %dma_wait3A_1415 = arith.constant 0 : i32
      %dma_wait3A_1416 = tpu.memref_slice %arg6[%dma_wait3A_1412, %dma_wait3A_1414, %dma_wait3A_1415] : memref<10x64x128xf32, #tpu.memory_space<vmem>> -> memref<1x64x128xf32, #tpu.memory_space<vmem>>
      %dma_wait3A_1417 = tpu.memref_squeeze %dma_wait3A_1416 : memref<1x64x128xf32, #tpu.memory_space<vmem>> -> memref<64x128xf32, #tpu.memory_space<vmem>>
      %dma_wait3A_1418 = arith.constant 0 : i32
      %dma_wait3A_1419 = tpu.memref_slice %arg4[%mul3A_2, %dma_wait3A_1418] : memref<204800x128xf32, #tpu.memory_space<hbm>> -> memref<64x128xf32, #tpu.memory_space<hbm>>
      %dma_wait3A_1420 = tpu.memref_slice %arg8[%dma_wait3A_1413] : memref<10x!tpu.dma_semaphore, #tpu.memory_space<semaphore_mem>> -> memref<1x!tpu.dma_semaphore, #tpu.memory_space<semaphore_mem>>
      %dma_wait3A_1421 = tpu.memref_squeeze %dma_wait3A_1420 : memref<1x!tpu.dma_semaphore, #tpu.memory_space<semaphore_mem>> -> memref<!tpu.dma_semaphore, #tpu.memory_space<semaphore_mem>>
      %dma_wait3A_1422 = arith.constant 0 : i32
      %dma_wait3A_1423 = tpu.memref_slice %arg4[%mul3A_2, %dma_wait3A_1422] : memref<204800x128xf32, #tpu.memory_space<hbm>> -> memref<64x128xf32, #tpu.memory_space<hbm>>
      %dma_wait3A_1424 = arith.constant 0 : i32
      %dma_wait3A_1425 = arith.constant 0 : i32
      %dma_wait3A_1426 = tpu.memref_slice %arg6[%dma_wait3A_1412, %dma_wait3A_1424, %dma_wait3A_1425] : memref<10x64x128xf32, #tpu.memory_space<vmem>> -> memref<1x64x128xf32, #tpu.memory_space<vmem>>
      %dma_wait3A_1427 = tpu.memref_squeeze %dma_wait3A_1426 : memref<1x64x128xf32, #tpu.memory_space<vmem>> -> memref<64x128xf32, #tpu.memory_space<vmem>>
      tpu.wait_dma2 semaphore(%dma_wait3A_1421 : memref<!tpu.dma_semaphore, #tpu.memory_space<semaphore_mem>>) src(%dma_wait3A_1427 : memref<64x128xf32, #tpu.memory_space<vmem>>) dst(%dma_wait3A_1423 : memref<64x128xf32, #tpu.memory_space<hbm>>)
      %add3A_1428 = arith.constant 8 : i32
      %add3A_1429 = arith.addi %add3A_1411, %add3A_1428 : i32
      %mul3A_1430 = arith.constant 64 : i32
      %mul3A_1431 = arith.muli %add3A_1429, %mul3A_1430 : i32
      %dma_start3A_1432 = arith.constant 1 : i32
      %dma_start3A_1433 = arith.constant 1 : i32
      %dma_start3A_1434 = arith.constant 0 : i32
      %dma_start3A_1435 = arith.constant 0 : i32
      %dma_start3A_1436 = tpu.memref_slice %arg6[%dma_start3A_1432, %dma_start3A_1434, %dma_start3A_1435] : memref<10x64x128xf32, #tpu.memory_space<vmem>> -> memref<1x64x128xf32, #tpu.memory_space<vmem>>
      %dma_start3A_1437 = tpu.memref_squeeze %dma_start3A_1436 : memref<1x64x128xf32, #tpu.memory_space<vmem>> -> memref<64x128xf32, #tpu.memory_space<vmem>>
      %dma_start3A_1438 = tpu.memref_slice %arg5[%mul3A_1431] : memref<6400xi32, #tpu.memory_space<vmem>> -> memref<64xi32, #tpu.memory_space<vmem>>
      %dma_start3A_1439 = arith.constant 0 : i32
      %dma_start3A_1440 = arith.constant 0 : i32
      %dma_start3A_1441 = tpu.memref_slice %arg3[%dma_start3A_1439, %dma_start3A_1440] : memref<100000x128xf32, #tpu.memory_space<hbm>> -> memref<100000x128xf32, #tpu.memory_space<hbm>>
      %dma_start3A_1442 = tpu.memref_slice %arg7[%dma_start3A_1433] : memref<10x!tpu.dma_semaphore, #tpu.memory_space<semaphore_mem>> -> memref<1x!tpu.dma_semaphore, #tpu.memory_space<semaphore_mem>>
      %dma_start3A_1443 = tpu.memref_squeeze %dma_start3A_1442 : memref<1x!tpu.dma_semaphore, #tpu.memory_space<semaphore_mem>> -> memref<!tpu.dma_semaphore, #tpu.memory_space<semaphore_mem>>
      tpu.enqueue_indirect_dma source(%dma_start3A_1441 : memref<100000x128xf32, #tpu.memory_space<hbm>>) target(%dma_start3A_1437 : memref<64x128xf32, #tpu.memory_space<vmem>>) offsets(%dma_start3A_1438 : memref<64xi32, #tpu.memory_space<vmem>>) semaphore(%dma_start3A_1443 : memref<!tpu.dma_semaphore, #tpu.memory_space<semaphore_mem>>)
      %mul3A_1444 = arith.constant 64 : i32
      %mul3A_1445 = arith.muli %add3A_1411, %mul3A_1444 : i32
      %dma_wait3A_1446 = arith.constant 3 : i32
      %dma_wait3A_1447 = arith.constant 3 : i32
      %dma_wait3A_1448 = arith.constant 0 : i32
      %dma_wait3A_1449 = arith.constant 0 : i32
      %dma_wait3A_1450 = tpu.memref_slice %arg6[%dma_wait3A_1446, %dma_wait3A_1448, %dma_wait3A_1449] : memref<10x64x128xf32, #tpu.memory_space<vmem>> -> memref<1x64x128xf32, #tpu.memory_space<vmem>>
      %dma_wait3A_1451 = tpu.memref_squeeze %dma_wait3A_1450 : memref<1x64x128xf32, #tpu.memory_space<vmem>> -> memref<64x128xf32, #tpu.memory_space<vmem>>
      %dma_wait3A_1452 = tpu.memref_slice %arg5[%mul3A_1445] : memref<6400xi32, #tpu.memory_space<vmem>> -> memref<64xi32, #tpu.memory_space<vmem>>
      %dma_wait3A_1453 = arith.constant 0 : i32
      %dma_wait3A_1454 = arith.constant 0 : i32
      %dma_wait3A_1455 = tpu.memref_slice %arg3[%dma_wait3A_1453, %dma_wait3A_1454] : memref<100000x128xf32, #tpu.memory_space<hbm>> -> memref<100000x128xf32, #tpu.memory_space<hbm>>
      %dma_wait3A_1456 = tpu.memref_slice %arg7[%dma_wait3A_1447] : memref<10x!tpu.dma_semaphore, #tpu.memory_space<semaphore_mem>> -> memref<1x!tpu.dma_semaphore, #tpu.memory_space<semaphore_mem>>
      %dma_wait3A_1457 = tpu.memref_squeeze %dma_wait3A_1456 : memref<1x!tpu.dma_semaphore, #tpu.memory_space<semaphore_mem>> -> memref<!tpu.dma_semaphore, #tpu.memory_space<semaphore_mem>>
      tpu.wait_indirect_dma semaphore(%dma_wait3A_1457 : memref<!tpu.dma_semaphore, #tpu.memory_space<semaphore_mem>>) src(%dma_wait3A_1455 : memref<100000x128xf32, #tpu.memory_space<hbm>>) dst(%dma_wait3A_1451 : memref<64x128xf32, #tpu.memory_space<vmem>>)
      %mul3A_1458 = arith.constant 64 : i32
      %mul3A_1459 = arith.muli %add3A_1411, %mul3A_1458 : i32
      %add3A_1460 = arith.addi %mul3A_2, %mul3A_1459 : i32
      %dma_start3A_1461 = arith.constant 3 : i32
      %dma_start3A_1462 = arith.constant 3 : i32
      %dma_start3A_1463 = arith.constant 0 : i32
      %dma_start3A_1464 = arith.constant 0 : i32
      %dma_start3A_1465 = tpu.memref_slice %arg6[%dma_start3A_1461, %dma_start3A_1463, %dma_start3A_1464] : memref<10x64x128xf32, #tpu.memory_space<vmem>> -> memref<1x64x128xf32, #tpu.memory_space<vmem>>
      %dma_start3A_1466 = tpu.memref_squeeze %dma_start3A_1465 : memref<1x64x128xf32, #tpu.memory_space<vmem>> -> memref<64x128xf32, #tpu.memory_space<vmem>>
      %dma_start3A_1467 = arith.constant 0 : i32
      %dma_start3A_1468 = tpu.memref_slice %arg4[%add3A_1460, %dma_start3A_1467] : memref<204800x128xf32, #tpu.memory_space<hbm>> -> memref<64x128xf32, #tpu.memory_space<hbm>>
      %dma_start3A_1469 = tpu.memref_slice %arg8[%dma_start3A_1462] : memref<10x!tpu.dma_semaphore, #tpu.memory_space<semaphore_mem>> -> memref<1x!tpu.dma_semaphore, #tpu.memory_space<semaphore_mem>>
      %dma_start3A_1470 = tpu.memref_squeeze %dma_start3A_1469 : memref<1x!tpu.dma_semaphore, #tpu.memory_space<semaphore_mem>> -> memref<!tpu.dma_semaphore, #tpu.memory_space<semaphore_mem>>
      %dma_start3A_1471 = arith.constant 0 : i32
      %dma_start3A_1472 = tpu.memref_slice %arg4[%add3A_1460, %dma_start3A_1471] : memref<204800x128xf32, #tpu.memory_space<hbm>> -> memref<64x128xf32, #tpu.memory_space<hbm>>
      %dma_start3A_1473 = arith.constant 0 : i32
      %dma_start3A_1474 = arith.constant 0 : i32
      %dma_start3A_1475 = tpu.memref_slice %arg6[%dma_start3A_1461, %dma_start3A_1473, %dma_start3A_1474] : memref<10x64x128xf32, #tpu.memory_space<vmem>> -> memref<1x64x128xf32, #tpu.memory_space<vmem>>
      %dma_start3A_1476 = tpu.memref_squeeze %dma_start3A_1475 : memref<1x64x128xf32, #tpu.memory_space<vmem>> -> memref<64x128xf32, #tpu.memory_space<vmem>>
      tpu.enqueue_dma source(%dma_start3A_1476 : memref<64x128xf32, #tpu.memory_space<vmem>>) target(%dma_start3A_1472 : memref<64x128xf32, #tpu.memory_space<hbm>>) target_semaphore(%dma_start3A_1470 : memref<!tpu.dma_semaphore, #tpu.memory_space<semaphore_mem>>)
      %add3A_1477 = arith.constant 4 : i32
      %add3A_1478 = arith.addi %mul3A_1208, %add3A_1477 : i32
      %dma_wait3A_1479 = arith.constant 2 : i32
      %dma_wait3A_1480 = arith.constant 2 : i32
      %dma_wait3A_1481 = arith.constant 0 : i32
      %dma_wait3A_1482 = arith.constant 0 : i32
      %dma_wait3A_1483 = tpu.memref_slice %arg6[%dma_wait3A_1479, %dma_wait3A_1481, %dma_wait3A_1482] : memref<10x64x128xf32, #tpu.memory_space<vmem>> -> memref<1x64x128xf32, #tpu.memory_space<vmem>>
      %dma_wait3A_1484 = tpu.memref_squeeze %dma_wait3A_1483 : memref<1x64x128xf32, #tpu.memory_space<vmem>> -> memref<64x128xf32, #tpu.memory_space<vmem>>
      %dma_wait3A_1485 = arith.constant 0 : i32
      %dma_wait3A_1486 = tpu.memref_slice %arg4[%mul3A_2, %dma_wait3A_1485] : memref<204800x128xf32, #tpu.memory_space<hbm>> -> memref<64x128xf32, #tpu.memory_space<hbm>>
      %dma_wait3A_1487 = tpu.memref_slice %arg8[%dma_wait3A_1480] : memref<10x!tpu.dma_semaphore, #tpu.memory_space<semaphore_mem>> -> memref<1x!tpu.dma_semaphore, #tpu.memory_space<semaphore_mem>>
      %dma_wait3A_1488 = tpu.memref_squeeze %dma_wait3A_1487 : memref<1x!tpu.dma_semaphore, #tpu.memory_space<semaphore_mem>> -> memref<!tpu.dma_semaphore, #tpu.memory_space<semaphore_mem>>
      %dma_wait3A_1489 = arith.constant 0 : i32
      %dma_wait3A_1490 = tpu.memref_slice %arg4[%mul3A_2, %dma_wait3A_1489] : memref<204800x128xf32, #tpu.memory_space<hbm>> -> memref<64x128xf32, #tpu.memory_space<hbm>>
      %dma_wait3A_1491 = arith.constant 0 : i32
      %dma_wait3A_1492 = arith.constant 0 : i32
      %dma_wait3A_1493 = tpu.memref_slice %arg6[%dma_wait3A_1479, %dma_wait3A_1491, %dma_wait3A_1492] : memref<10x64x128xf32, #tpu.memory_space<vmem>> -> memref<1x64x128xf32, #tpu.memory_space<vmem>>
      %dma_wait3A_1494 = tpu.memref_squeeze %dma_wait3A_1493 : memref<1x64x128xf32, #tpu.memory_space<vmem>> -> memref<64x128xf32, #tpu.memory_space<vmem>>
      tpu.wait_dma2 semaphore(%dma_wait3A_1488 : memref<!tpu.dma_semaphore, #tpu.memory_space<semaphore_mem>>) src(%dma_wait3A_1494 : memref<64x128xf32, #tpu.memory_space<vmem>>) dst(%dma_wait3A_1490 : memref<64x128xf32, #tpu.memory_space<hbm>>)
      %add3A_1495 = arith.constant 8 : i32
      %add3A_1496 = arith.addi %add3A_1478, %add3A_1495 : i32
      %mul3A_1497 = arith.constant 64 : i32
      %mul3A_1498 = arith.muli %add3A_1496, %mul3A_1497 : i32
      %dma_start3A_1499 = arith.constant 2 : i32
      %dma_start3A_1500 = arith.constant 2 : i32
      %dma_start3A_1501 = arith.constant 0 : i32
      %dma_start3A_1502 = arith.constant 0 : i32
      %dma_start3A_1503 = tpu.memref_slice %arg6[%dma_start3A_1499, %dma_start3A_1501, %dma_start3A_1502] : memref<10x64x128xf32, #tpu.memory_space<vmem>> -> memref<1x64x128xf32, #tpu.memory_space<vmem>>
      %dma_start3A_1504 = tpu.memref_squeeze %dma_start3A_1503 : memref<1x64x128xf32, #tpu.memory_space<vmem>> -> memref<64x128xf32, #tpu.memory_space<vmem>>
      %dma_start3A_1505 = tpu.memref_slice %arg5[%mul3A_1498] : memref<6400xi32, #tpu.memory_space<vmem>> -> memref<64xi32, #tpu.memory_space<vmem>>
      %dma_start3A_1506 = arith.constant 0 : i32
      %dma_start3A_1507 = arith.constant 0 : i32
      %dma_start3A_1508 = tpu.memref_slice %arg3[%dma_start3A_1506, %dma_start3A_1507] : memref<100000x128xf32, #tpu.memory_space<hbm>> -> memref<100000x128xf32, #tpu.memory_space<hbm>>
      %dma_start3A_1509 = tpu.memref_slice %arg7[%dma_start3A_1500] : memref<10x!tpu.dma_semaphore, #tpu.memory_space<semaphore_mem>> -> memref<1x!tpu.dma_semaphore, #tpu.memory_space<semaphore_mem>>
      %dma_start3A_1510 = tpu.memref_squeeze %dma_start3A_1509 : memref<1x!tpu.dma_semaphore, #tpu.memory_space<semaphore_mem>> -> memref<!tpu.dma_semaphore, #tpu.memory_space<semaphore_mem>>
      tpu.enqueue_indirect_dma source(%dma_start3A_1508 : memref<100000x128xf32, #tpu.memory_space<hbm>>) target(%dma_start3A_1504 : memref<64x128xf32, #tpu.memory_space<vmem>>) offsets(%dma_start3A_1505 : memref<64xi32, #tpu.memory_space<vmem>>) semaphore(%dma_start3A_1510 : memref<!tpu.dma_semaphore, #tpu.memory_space<semaphore_mem>>)
      %mul3A_1511 = arith.constant 64 : i32
      %mul3A_1512 = arith.muli %add3A_1478, %mul3A_1511 : i32
      %dma_wait3A_1513 = arith.constant 4 : i32
      %dma_wait3A_1514 = arith.constant 4 : i32
      %dma_wait3A_1515 = arith.constant 0 : i32
      %dma_wait3A_1516 = arith.constant 0 : i32
      %dma_wait3A_1517 = tpu.memref_slice %arg6[%dma_wait3A_1513, %dma_wait3A_1515, %dma_wait3A_1516] : memref<10x64x128xf32, #tpu.memory_space<vmem>> -> memref<1x64x128xf32, #tpu.memory_space<vmem>>
      %dma_wait3A_1518 = tpu.memref_squeeze %dma_wait3A_1517 : memref<1x64x128xf32, #tpu.memory_space<vmem>> -> memref<64x128xf32, #tpu.memory_space<vmem>>
      %dma_wait3A_1519 = tpu.memref_slice %arg5[%mul3A_1512] : memref<6400xi32, #tpu.memory_space<vmem>> -> memref<64xi32, #tpu.memory_space<vmem>>
      %dma_wait3A_1520 = arith.constant 0 : i32
      %dma_wait3A_1521 = arith.constant 0 : i32
      %dma_wait3A_1522 = tpu.memref_slice %arg3[%dma_wait3A_1520, %dma_wait3A_1521] : memref<100000x128xf32, #tpu.memory_space<hbm>> -> memref<100000x128xf32, #tpu.memory_space<hbm>>
      %dma_wait3A_1523 = tpu.memref_slice %arg7[%dma_wait3A_1514] : memref<10x!tpu.dma_semaphore, #tpu.memory_space<semaphore_mem>> -> memref<1x!tpu.dma_semaphore, #tpu.memory_space<semaphore_mem>>
      %dma_wait3A_1524 = tpu.memref_squeeze %dma_wait3A_1523 : memref<1x!tpu.dma_semaphore, #tpu.memory_space<semaphore_mem>> -> memref<!tpu.dma_semaphore, #tpu.memory_space<semaphore_mem>>
      tpu.wait_indirect_dma semaphore(%dma_wait3A_1524 : memref<!tpu.dma_semaphore, #tpu.memory_space<semaphore_mem>>) src(%dma_wait3A_1522 : memref<100000x128xf32, #tpu.memory_space<hbm>>) dst(%dma_wait3A_1518 : memref<64x128xf32, #tpu.memory_space<vmem>>)
      %mul3A_1525 = arith.constant 64 : i32
      %mul3A_1526 = arith.muli %add3A_1478, %mul3A_1525 : i32
      %add3A_1527 = arith.addi %mul3A_2, %mul3A_1526 : i32
      %dma_start3A_1528 = arith.constant 4 : i32
      %dma_start3A_1529 = arith.constant 4 : i32
      %dma_start3A_1530 = arith.constant 0 : i32
      %dma_start3A_1531 = arith.constant 0 : i32
      %dma_start3A_1532 = tpu.memref_slice %arg6[%dma_start3A_1528, %dma_start3A_1530, %dma_start3A_1531] : memref<10x64x128xf32, #tpu.memory_space<vmem>> -> memref<1x64x128xf32, #tpu.memory_space<vmem>>
      %dma_start3A_1533 = tpu.memref_squeeze %dma_start3A_1532 : memref<1x64x128xf32, #tpu.memory_space<vmem>> -> memref<64x128xf32, #tpu.memory_space<vmem>>
      %dma_start3A_1534 = arith.constant 0 : i32
      %dma_start3A_1535 = tpu.memref_slice %arg4[%add3A_1527, %dma_start3A_1534] : memref<204800x128xf32, #tpu.memory_space<hbm>> -> memref<64x128xf32, #tpu.memory_space<hbm>>
      %dma_start3A_1536 = tpu.memref_slice %arg8[%dma_start3A_1529] : memref<10x!tpu.dma_semaphore, #tpu.memory_space<semaphore_mem>> -> memref<1x!tpu.dma_semaphore, #tpu.memory_space<semaphore_mem>>
      %dma_start3A_1537 = tpu.memref_squeeze %dma_start3A_1536 : memref<1x!tpu.dma_semaphore, #tpu.memory_space<semaphore_mem>> -> memref<!tpu.dma_semaphore, #tpu.memory_space<semaphore_mem>>
      %dma_start3A_1538 = arith.constant 0 : i32
      %dma_start3A_1539 = tpu.memref_slice %arg4[%add3A_1527, %dma_start3A_1538] : memref<204800x128xf32, #tpu.memory_space<hbm>> -> memref<64x128xf32, #tpu.memory_space<hbm>>
      %dma_start3A_1540 = arith.constant 0 : i32
      %dma_start3A_1541 = arith.constant 0 : i32
      %dma_start3A_1542 = tpu.memref_slice %arg6[%dma_start3A_1528, %dma_start3A_1540, %dma_start3A_1541] : memref<10x64x128xf32, #tpu.memory_space<vmem>> -> memref<1x64x128xf32, #tpu.memory_space<vmem>>
      %dma_start3A_1543 = tpu.memref_squeeze %dma_start3A_1542 : memref<1x64x128xf32, #tpu.memory_space<vmem>> -> memref<64x128xf32, #tpu.memory_space<vmem>>
      tpu.enqueue_dma source(%dma_start3A_1543 : memref<64x128xf32, #tpu.memory_space<vmem>>) target(%dma_start3A_1539 : memref<64x128xf32, #tpu.memory_space<hbm>>) target_semaphore(%dma_start3A_1537 : memref<!tpu.dma_semaphore, #tpu.memory_space<semaphore_mem>>)
      %add3A_1544 = arith.constant 5 : i32
      %add3A_1545 = arith.addi %mul3A_1208, %add3A_1544 : i32
      %dma_wait3A_1546 = arith.constant 3 : i32
      %dma_wait3A_1547 = arith.constant 3 : i32
      %dma_wait3A_1548 = arith.constant 0 : i32
      %dma_wait3A_1549 = arith.constant 0 : i32
      %dma_wait3A_1550 = tpu.memref_slice %arg6[%dma_wait3A_1546, %dma_wait3A_1548, %dma_wait3A_1549] : memref<10x64x128xf32, #tpu.memory_space<vmem>> -> memref<1x64x128xf32, #tpu.memory_space<vmem>>
      %dma_wait3A_1551 = tpu.memref_squeeze %dma_wait3A_1550 : memref<1x64x128xf32, #tpu.memory_space<vmem>> -> memref<64x128xf32, #tpu.memory_space<vmem>>
      %dma_wait3A_1552 = arith.constant 0 : i32
      %dma_wait3A_1553 = tpu.memref_slice %arg4[%mul3A_2, %dma_wait3A_1552] : memref<204800x128xf32, #tpu.memory_space<hbm>> -> memref<64x128xf32, #tpu.memory_space<hbm>>
      %dma_wait3A_1554 = tpu.memref_slice %arg8[%dma_wait3A_1547] : memref<10x!tpu.dma_semaphore, #tpu.memory_space<semaphore_mem>> -> memref<1x!tpu.dma_semaphore, #tpu.memory_space<semaphore_mem>>
      %dma_wait3A_1555 = tpu.memref_squeeze %dma_wait3A_1554 : memref<1x!tpu.dma_semaphore, #tpu.memory_space<semaphore_mem>> -> memref<!tpu.dma_semaphore, #tpu.memory_space<semaphore_mem>>
      %dma_wait3A_1556 = arith.constant 0 : i32
      %dma_wait3A_1557 = tpu.memref_slice %arg4[%mul3A_2, %dma_wait3A_1556] : memref<204800x128xf32, #tpu.memory_space<hbm>> -> memref<64x128xf32, #tpu.memory_space<hbm>>
      %dma_wait3A_1558 = arith.constant 0 : i32
      %dma_wait3A_1559 = arith.constant 0 : i32
      %dma_wait3A_1560 = tpu.memref_slice %arg6[%dma_wait3A_1546, %dma_wait3A_1558, %dma_wait3A_1559] : memref<10x64x128xf32, #tpu.memory_space<vmem>> -> memref<1x64x128xf32, #tpu.memory_space<vmem>>
      %dma_wait3A_1561 = tpu.memref_squeeze %dma_wait3A_1560 : memref<1x64x128xf32, #tpu.memory_space<vmem>> -> memref<64x128xf32, #tpu.memory_space<vmem>>
      tpu.wait_dma2 semaphore(%dma_wait3A_1555 : memref<!tpu.dma_semaphore, #tpu.memory_space<semaphore_mem>>) src(%dma_wait3A_1561 : memref<64x128xf32, #tpu.memory_space<vmem>>) dst(%dma_wait3A_1557 : memref<64x128xf32, #tpu.memory_space<hbm>>)
      %add3A_1562 = arith.constant 8 : i32
      %add3A_1563 = arith.addi %add3A_1545, %add3A_1562 : i32
      %mul3A_1564 = arith.constant 64 : i32
      %mul3A_1565 = arith.muli %add3A_1563, %mul3A_1564 : i32
      %dma_start3A_1566 = arith.constant 3 : i32
      %dma_start3A_1567 = arith.constant 3 : i32
      %dma_start3A_1568 = arith.constant 0 : i32
      %dma_start3A_1569 = arith.constant 0 : i32
      %dma_start3A_1570 = tpu.memref_slice %arg6[%dma_start3A_1566, %dma_start3A_1568, %dma_start3A_1569] : memref<10x64x128xf32, #tpu.memory_space<vmem>> -> memref<1x64x128xf32, #tpu.memory_space<vmem>>
      %dma_start3A_1571 = tpu.memref_squeeze %dma_start3A_1570 : memref<1x64x128xf32, #tpu.memory_space<vmem>> -> memref<64x128xf32, #tpu.memory_space<vmem>>
      %dma_start3A_1572 = tpu.memref_slice %arg5[%mul3A_1565] : memref<6400xi32, #tpu.memory_space<vmem>> -> memref<64xi32, #tpu.memory_space<vmem>>
      %dma_start3A_1573 = arith.constant 0 : i32
      %dma_start3A_1574 = arith.constant 0 : i32
      %dma_start3A_1575 = tpu.memref_slice %arg3[%dma_start3A_1573, %dma_start3A_1574] : memref<100000x128xf32, #tpu.memory_space<hbm>> -> memref<100000x128xf32, #tpu.memory_space<hbm>>
      %dma_start3A_1576 = tpu.memref_slice %arg7[%dma_start3A_1567] : memref<10x!tpu.dma_semaphore, #tpu.memory_space<semaphore_mem>> -> memref<1x!tpu.dma_semaphore, #tpu.memory_space<semaphore_mem>>
      %dma_start3A_1577 = tpu.memref_squeeze %dma_start3A_1576 : memref<1x!tpu.dma_semaphore, #tpu.memory_space<semaphore_mem>> -> memref<!tpu.dma_semaphore, #tpu.memory_space<semaphore_mem>>
      tpu.enqueue_indirect_dma source(%dma_start3A_1575 : memref<100000x128xf32, #tpu.memory_space<hbm>>) target(%dma_start3A_1571 : memref<64x128xf32, #tpu.memory_space<vmem>>) offsets(%dma_start3A_1572 : memref<64xi32, #tpu.memory_space<vmem>>) semaphore(%dma_start3A_1577 : memref<!tpu.dma_semaphore, #tpu.memory_space<semaphore_mem>>)
      %mul3A_1578 = arith.constant 64 : i32
      %mul3A_1579 = arith.muli %add3A_1545, %mul3A_1578 : i32
      %dma_wait3A_1580 = arith.constant 5 : i32
      %dma_wait3A_1581 = arith.constant 5 : i32
      %dma_wait3A_1582 = arith.constant 0 : i32
      %dma_wait3A_1583 = arith.constant 0 : i32
      %dma_wait3A_1584 = tpu.memref_slice %arg6[%dma_wait3A_1580, %dma_wait3A_1582, %dma_wait3A_1583] : memref<10x64x128xf32, #tpu.memory_space<vmem>> -> memref<1x64x128xf32, #tpu.memory_space<vmem>>
      %dma_wait3A_1585 = tpu.memref_squeeze %dma_wait3A_1584 : memref<1x64x128xf32, #tpu.memory_space<vmem>> -> memref<64x128xf32, #tpu.memory_space<vmem>>
      %dma_wait3A_1586 = tpu.memref_slice %arg5[%mul3A_1579] : memref<6400xi32, #tpu.memory_space<vmem>> -> memref<64xi32, #tpu.memory_space<vmem>>
      %dma_wait3A_1587 = arith.constant 0 : i32
      %dma_wait3A_1588 = arith.constant 0 : i32
      %dma_wait3A_1589 = tpu.memref_slice %arg3[%dma_wait3A_1587, %dma_wait3A_1588] : memref<100000x128xf32, #tpu.memory_space<hbm>> -> memref<100000x128xf32, #tpu.memory_space<hbm>>
      %dma_wait3A_1590 = tpu.memref_slice %arg7[%dma_wait3A_1581] : memref<10x!tpu.dma_semaphore, #tpu.memory_space<semaphore_mem>> -> memref<1x!tpu.dma_semaphore, #tpu.memory_space<semaphore_mem>>
      %dma_wait3A_1591 = tpu.memref_squeeze %dma_wait3A_1590 : memref<1x!tpu.dma_semaphore, #tpu.memory_space<semaphore_mem>> -> memref<!tpu.dma_semaphore, #tpu.memory_space<semaphore_mem>>
      tpu.wait_indirect_dma semaphore(%dma_wait3A_1591 : memref<!tpu.dma_semaphore, #tpu.memory_space<semaphore_mem>>) src(%dma_wait3A_1589 : memref<100000x128xf32, #tpu.memory_space<hbm>>) dst(%dma_wait3A_1585 : memref<64x128xf32, #tpu.memory_space<vmem>>)
      %mul3A_1592 = arith.constant 64 : i32
      %mul3A_1593 = arith.muli %add3A_1545, %mul3A_1592 : i32
      %add3A_1594 = arith.addi %mul3A_2, %mul3A_1593 : i32
      %dma_start3A_1595 = arith.constant 5 : i32
      %dma_start3A_1596 = arith.constant 5 : i32
      %dma_start3A_1597 = arith.constant 0 : i32
      %dma_start3A_1598 = arith.constant 0 : i32
      %dma_start3A_1599 = tpu.memref_slice %arg6[%dma_start3A_1595, %dma_start3A_1597, %dma_start3A_1598] : memref<10x64x128xf32, #tpu.memory_space<vmem>> -> memref<1x64x128xf32, #tpu.memory_space<vmem>>
      %dma_start3A_1600 = tpu.memref_squeeze %dma_start3A_1599 : memref<1x64x128xf32, #tpu.memory_space<vmem>> -> memref<64x128xf32, #tpu.memory_space<vmem>>
      %dma_start3A_1601 = arith.constant 0 : i32
      %dma_start3A_1602 = tpu.memref_slice %arg4[%add3A_1594, %dma_start3A_1601] : memref<204800x128xf32, #tpu.memory_space<hbm>> -> memref<64x128xf32, #tpu.memory_space<hbm>>
      %dma_start3A_1603 = tpu.memref_slice %arg8[%dma_start3A_1596] : memref<10x!tpu.dma_semaphore, #tpu.memory_space<semaphore_mem>> -> memref<1x!tpu.dma_semaphore, #tpu.memory_space<semaphore_mem>>
      %dma_start3A_1604 = tpu.memref_squeeze %dma_start3A_1603 : memref<1x!tpu.dma_semaphore, #tpu.memory_space<semaphore_mem>> -> memref<!tpu.dma_semaphore, #tpu.memory_space<semaphore_mem>>
      %dma_start3A_1605 = arith.constant 0 : i32
      %dma_start3A_1606 = tpu.memref_slice %arg4[%add3A_1594, %dma_start3A_1605] : memref<204800x128xf32, #tpu.memory_space<hbm>> -> memref<64x128xf32, #tpu.memory_space<hbm>>
      %dma_start3A_1607 = arith.constant 0 : i32
      %dma_start3A_1608 = arith.constant 0 : i32
      %dma_start3A_1609 = tpu.memref_slice %arg6[%dma_start3A_1595, %dma_start3A_1607, %dma_start3A_1608] : memref<10x64x128xf32, #tpu.memory_space<vmem>> -> memref<1x64x128xf32, #tpu.memory_space<vmem>>
      %dma_start3A_1610 = tpu.memref_squeeze %dma_start3A_1609 : memref<1x64x128xf32, #tpu.memory_space<vmem>> -> memref<64x128xf32, #tpu.memory_space<vmem>>
      tpu.enqueue_dma source(%dma_start3A_1610 : memref<64x128xf32, #tpu.memory_space<vmem>>) target(%dma_start3A_1606 : memref<64x128xf32, #tpu.memory_space<hbm>>) target_semaphore(%dma_start3A_1604 : memref<!tpu.dma_semaphore, #tpu.memory_space<semaphore_mem>>)
      %add3A_1611 = arith.constant 6 : i32
      %add3A_1612 = arith.addi %mul3A_1208, %add3A_1611 : i32
      %dma_wait3A_1613 = arith.constant 4 : i32
      %dma_wait3A_1614 = arith.constant 4 : i32
      %dma_wait3A_1615 = arith.constant 0 : i32
      %dma_wait3A_1616 = arith.constant 0 : i32
      %dma_wait3A_1617 = tpu.memref_slice %arg6[%dma_wait3A_1613, %dma_wait3A_1615, %dma_wait3A_1616] : memref<10x64x128xf32, #tpu.memory_space<vmem>> -> memref<1x64x128xf32, #tpu.memory_space<vmem>>
      %dma_wait3A_1618 = tpu.memref_squeeze %dma_wait3A_1617 : memref<1x64x128xf32, #tpu.memory_space<vmem>> -> memref<64x128xf32, #tpu.memory_space<vmem>>
      %dma_wait3A_1619 = arith.constant 0 : i32
      %dma_wait3A_1620 = tpu.memref_slice %arg4[%mul3A_2, %dma_wait3A_1619] : memref<204800x128xf32, #tpu.memory_space<hbm>> -> memref<64x128xf32, #tpu.memory_space<hbm>>
      %dma_wait3A_1621 = tpu.memref_slice %arg8[%dma_wait3A_1614] : memref<10x!tpu.dma_semaphore, #tpu.memory_space<semaphore_mem>> -> memref<1x!tpu.dma_semaphore, #tpu.memory_space<semaphore_mem>>
      %dma_wait3A_1622 = tpu.memref_squeeze %dma_wait3A_1621 : memref<1x!tpu.dma_semaphore, #tpu.memory_space<semaphore_mem>> -> memref<!tpu.dma_semaphore, #tpu.memory_space<semaphore_mem>>
      %dma_wait3A_1623 = arith.constant 0 : i32
      %dma_wait3A_1624 = tpu.memref_slice %arg4[%mul3A_2, %dma_wait3A_1623] : memref<204800x128xf32, #tpu.memory_space<hbm>> -> memref<64x128xf32, #tpu.memory_space<hbm>>
      %dma_wait3A_1625 = arith.constant 0 : i32
      %dma_wait3A_1626 = arith.constant 0 : i32
      %dma_wait3A_1627 = tpu.memref_slice %arg6[%dma_wait3A_1613, %dma_wait3A_1625, %dma_wait3A_1626] : memref<10x64x128xf32, #tpu.memory_space<vmem>> -> memref<1x64x128xf32, #tpu.memory_space<vmem>>
      %dma_wait3A_1628 = tpu.memref_squeeze %dma_wait3A_1627 : memref<1x64x128xf32, #tpu.memory_space<vmem>> -> memref<64x128xf32, #tpu.memory_space<vmem>>
      tpu.wait_dma2 semaphore(%dma_wait3A_1622 : memref<!tpu.dma_semaphore, #tpu.memory_space<semaphore_mem>>) src(%dma_wait3A_1628 : memref<64x128xf32, #tpu.memory_space<vmem>>) dst(%dma_wait3A_1624 : memref<64x128xf32, #tpu.memory_space<hbm>>)
      %add3A_1629 = arith.constant 8 : i32
      %add3A_1630 = arith.addi %add3A_1612, %add3A_1629 : i32
      %mul3A_1631 = arith.constant 64 : i32
      %mul3A_1632 = arith.muli %add3A_1630, %mul3A_1631 : i32
      %dma_start3A_1633 = arith.constant 4 : i32
      %dma_start3A_1634 = arith.constant 4 : i32
      %dma_start3A_1635 = arith.constant 0 : i32
      %dma_start3A_1636 = arith.constant 0 : i32
      %dma_start3A_1637 = tpu.memref_slice %arg6[%dma_start3A_1633, %dma_start3A_1635, %dma_start3A_1636] : memref<10x64x128xf32, #tpu.memory_space<vmem>> -> memref<1x64x128xf32, #tpu.memory_space<vmem>>
      %dma_start3A_1638 = tpu.memref_squeeze %dma_start3A_1637 : memref<1x64x128xf32, #tpu.memory_space<vmem>> -> memref<64x128xf32, #tpu.memory_space<vmem>>
      %dma_start3A_1639 = tpu.memref_slice %arg5[%mul3A_1632] : memref<6400xi32, #tpu.memory_space<vmem>> -> memref<64xi32, #tpu.memory_space<vmem>>
      %dma_start3A_1640 = arith.constant 0 : i32
      %dma_start3A_1641 = arith.constant 0 : i32
      %dma_start3A_1642 = tpu.memref_slice %arg3[%dma_start3A_1640, %dma_start3A_1641] : memref<100000x128xf32, #tpu.memory_space<hbm>> -> memref<100000x128xf32, #tpu.memory_space<hbm>>
      %dma_start3A_1643 = tpu.memref_slice %arg7[%dma_start3A_1634] : memref<10x!tpu.dma_semaphore, #tpu.memory_space<semaphore_mem>> -> memref<1x!tpu.dma_semaphore, #tpu.memory_space<semaphore_mem>>
      %dma_start3A_1644 = tpu.memref_squeeze %dma_start3A_1643 : memref<1x!tpu.dma_semaphore, #tpu.memory_space<semaphore_mem>> -> memref<!tpu.dma_semaphore, #tpu.memory_space<semaphore_mem>>
      tpu.enqueue_indirect_dma source(%dma_start3A_1642 : memref<100000x128xf32, #tpu.memory_space<hbm>>) target(%dma_start3A_1638 : memref<64x128xf32, #tpu.memory_space<vmem>>) offsets(%dma_start3A_1639 : memref<64xi32, #tpu.memory_space<vmem>>) semaphore(%dma_start3A_1644 : memref<!tpu.dma_semaphore, #tpu.memory_space<semaphore_mem>>)
      %mul3A_1645 = arith.constant 64 : i32
      %mul3A_1646 = arith.muli %add3A_1612, %mul3A_1645 : i32
      %dma_wait3A_1647 = arith.constant 6 : i32
      %dma_wait3A_1648 = arith.constant 6 : i32
      %dma_wait3A_1649 = arith.constant 0 : i32
      %dma_wait3A_1650 = arith.constant 0 : i32
      %dma_wait3A_1651 = tpu.memref_slice %arg6[%dma_wait3A_1647, %dma_wait3A_1649, %dma_wait3A_1650] : memref<10x64x128xf32, #tpu.memory_space<vmem>> -> memref<1x64x128xf32, #tpu.memory_space<vmem>>
      %dma_wait3A_1652 = tpu.memref_squeeze %dma_wait3A_1651 : memref<1x64x128xf32, #tpu.memory_space<vmem>> -> memref<64x128xf32, #tpu.memory_space<vmem>>
      %dma_wait3A_1653 = tpu.memref_slice %arg5[%mul3A_1646] : memref<6400xi32, #tpu.memory_space<vmem>> -> memref<64xi32, #tpu.memory_space<vmem>>
      %dma_wait3A_1654 = arith.constant 0 : i32
      %dma_wait3A_1655 = arith.constant 0 : i32
      %dma_wait3A_1656 = tpu.memref_slice %arg3[%dma_wait3A_1654, %dma_wait3A_1655] : memref<100000x128xf32, #tpu.memory_space<hbm>> -> memref<100000x128xf32, #tpu.memory_space<hbm>>
      %dma_wait3A_1657 = tpu.memref_slice %arg7[%dma_wait3A_1648] : memref<10x!tpu.dma_semaphore, #tpu.memory_space<semaphore_mem>> -> memref<1x!tpu.dma_semaphore, #tpu.memory_space<semaphore_mem>>
      %dma_wait3A_1658 = tpu.memref_squeeze %dma_wait3A_1657 : memref<1x!tpu.dma_semaphore, #tpu.memory_space<semaphore_mem>> -> memref<!tpu.dma_semaphore, #tpu.memory_space<semaphore_mem>>
      tpu.wait_indirect_dma semaphore(%dma_wait3A_1658 : memref<!tpu.dma_semaphore, #tpu.memory_space<semaphore_mem>>) src(%dma_wait3A_1656 : memref<100000x128xf32, #tpu.memory_space<hbm>>) dst(%dma_wait3A_1652 : memref<64x128xf32, #tpu.memory_space<vmem>>)
      %mul3A_1659 = arith.constant 64 : i32
      %mul3A_1660 = arith.muli %add3A_1612, %mul3A_1659 : i32
      %add3A_1661 = arith.addi %mul3A_2, %mul3A_1660 : i32
      %dma_start3A_1662 = arith.constant 6 : i32
      %dma_start3A_1663 = arith.constant 6 : i32
      %dma_start3A_1664 = arith.constant 0 : i32
      %dma_start3A_1665 = arith.constant 0 : i32
      %dma_start3A_1666 = tpu.memref_slice %arg6[%dma_start3A_1662, %dma_start3A_1664, %dma_start3A_1665] : memref<10x64x128xf32, #tpu.memory_space<vmem>> -> memref<1x64x128xf32, #tpu.memory_space<vmem>>
      %dma_start3A_1667 = tpu.memref_squeeze %dma_start3A_1666 : memref<1x64x128xf32, #tpu.memory_space<vmem>> -> memref<64x128xf32, #tpu.memory_space<vmem>>
      %dma_start3A_1668 = arith.constant 0 : i32
      %dma_start3A_1669 = tpu.memref_slice %arg4[%add3A_1661, %dma_start3A_1668] : memref<204800x128xf32, #tpu.memory_space<hbm>> -> memref<64x128xf32, #tpu.memory_space<hbm>>
      %dma_start3A_1670 = tpu.memref_slice %arg8[%dma_start3A_1663] : memref<10x!tpu.dma_semaphore, #tpu.memory_space<semaphore_mem>> -> memref<1x!tpu.dma_semaphore, #tpu.memory_space<semaphore_mem>>
      %dma_start3A_1671 = tpu.memref_squeeze %dma_start3A_1670 : memref<1x!tpu.dma_semaphore, #tpu.memory_space<semaphore_mem>> -> memref<!tpu.dma_semaphore, #tpu.memory_space<semaphore_mem>>
      %dma_start3A_1672 = arith.constant 0 : i32
      %dma_start3A_1673 = tpu.memref_slice %arg4[%add3A_1661, %dma_start3A_1672] : memref<204800x128xf32, #tpu.memory_space<hbm>> -> memref<64x128xf32, #tpu.memory_space<hbm>>
      %dma_start3A_1674 = arith.constant 0 : i32
      %dma_start3A_1675 = arith.constant 0 : i32
      %dma_start3A_1676 = tpu.memref_slice %arg6[%dma_start3A_1662, %dma_start3A_1674, %dma_start3A_1675] : memref<10x64x128xf32, #tpu.memory_space<vmem>> -> memref<1x64x128xf32, #tpu.memory_space<vmem>>
      %dma_start3A_1677 = tpu.memref_squeeze %dma_start3A_1676 : memref<1x64x128xf32, #tpu.memory_space<vmem>> -> memref<64x128xf32, #tpu.memory_space<vmem>>
      tpu.enqueue_dma source(%dma_start3A_1677 : memref<64x128xf32, #tpu.memory_space<vmem>>) target(%dma_start3A_1673 : memref<64x128xf32, #tpu.memory_space<hbm>>) target_semaphore(%dma_start3A_1671 : memref<!tpu.dma_semaphore, #tpu.memory_space<semaphore_mem>>)
      %add3A_1678 = arith.constant 7 : i32
      %add3A_1679 = arith.addi %mul3A_1208, %add3A_1678 : i32
      %dma_wait3A_1680 = arith.constant 5 : i32
      %dma_wait3A_1681 = arith.constant 5 : i32
      %dma_wait3A_1682 = arith.constant 0 : i32
      %dma_wait3A_1683 = arith.constant 0 : i32
      %dma_wait3A_1684 = tpu.memref_slice %arg6[%dma_wait3A_1680, %dma_wait3A_1682, %dma_wait3A_1683] : memref<10x64x128xf32, #tpu.memory_space<vmem>> -> memref<1x64x128xf32, #tpu.memory_space<vmem>>
      %dma_wait3A_1685 = tpu.memref_squeeze %dma_wait3A_1684 : memref<1x64x128xf32, #tpu.memory_space<vmem>> -> memref<64x128xf32, #tpu.memory_space<vmem>>
      %dma_wait3A_1686 = arith.constant 0 : i32
      %dma_wait3A_1687 = tpu.memref_slice %arg4[%mul3A_2, %dma_wait3A_1686] : memref<204800x128xf32, #tpu.memory_space<hbm>> -> memref<64x128xf32, #tpu.memory_space<hbm>>
      %dma_wait3A_1688 = tpu.memref_slice %arg8[%dma_wait3A_1681] : memref<10x!tpu.dma_semaphore, #tpu.memory_space<semaphore_mem>> -> memref<1x!tpu.dma_semaphore, #tpu.memory_space<semaphore_mem>>
      %dma_wait3A_1689 = tpu.memref_squeeze %dma_wait3A_1688 : memref<1x!tpu.dma_semaphore, #tpu.memory_space<semaphore_mem>> -> memref<!tpu.dma_semaphore, #tpu.memory_space<semaphore_mem>>
      %dma_wait3A_1690 = arith.constant 0 : i32
      %dma_wait3A_1691 = tpu.memref_slice %arg4[%mul3A_2, %dma_wait3A_1690] : memref<204800x128xf32, #tpu.memory_space<hbm>> -> memref<64x128xf32, #tpu.memory_space<hbm>>
      %dma_wait3A_1692 = arith.constant 0 : i32
      %dma_wait3A_1693 = arith.constant 0 : i32
      %dma_wait3A_1694 = tpu.memref_slice %arg6[%dma_wait3A_1680, %dma_wait3A_1692, %dma_wait3A_1693] : memref<10x64x128xf32, #tpu.memory_space<vmem>> -> memref<1x64x128xf32, #tpu.memory_space<vmem>>
      %dma_wait3A_1695 = tpu.memref_squeeze %dma_wait3A_1694 : memref<1x64x128xf32, #tpu.memory_space<vmem>> -> memref<64x128xf32, #tpu.memory_space<vmem>>
      tpu.wait_dma2 semaphore(%dma_wait3A_1689 : memref<!tpu.dma_semaphore, #tpu.memory_space<semaphore_mem>>) src(%dma_wait3A_1695 : memref<64x128xf32, #tpu.memory_space<vmem>>) dst(%dma_wait3A_1691 : memref<64x128xf32, #tpu.memory_space<hbm>>)
      %add3A_1696 = arith.constant 8 : i32
      %add3A_1697 = arith.addi %add3A_1679, %add3A_1696 : i32
      %mul3A_1698 = arith.constant 64 : i32
      %mul3A_1699 = arith.muli %add3A_1697, %mul3A_1698 : i32
      %dma_start3A_1700 = arith.constant 5 : i32
      %dma_start3A_1701 = arith.constant 5 : i32
      %dma_start3A_1702 = arith.constant 0 : i32
      %dma_start3A_1703 = arith.constant 0 : i32
      %dma_start3A_1704 = tpu.memref_slice %arg6[%dma_start3A_1700, %dma_start3A_1702, %dma_start3A_1703] : memref<10x64x128xf32, #tpu.memory_space<vmem>> -> memref<1x64x128xf32, #tpu.memory_space<vmem>>
      %dma_start3A_1705 = tpu.memref_squeeze %dma_start3A_1704 : memref<1x64x128xf32, #tpu.memory_space<vmem>> -> memref<64x128xf32, #tpu.memory_space<vmem>>
      %dma_start3A_1706 = tpu.memref_slice %arg5[%mul3A_1699] : memref<6400xi32, #tpu.memory_space<vmem>> -> memref<64xi32, #tpu.memory_space<vmem>>
      %dma_start3A_1707 = arith.constant 0 : i32
      %dma_start3A_1708 = arith.constant 0 : i32
      %dma_start3A_1709 = tpu.memref_slice %arg3[%dma_start3A_1707, %dma_start3A_1708] : memref<100000x128xf32, #tpu.memory_space<hbm>> -> memref<100000x128xf32, #tpu.memory_space<hbm>>
      %dma_start3A_1710 = tpu.memref_slice %arg7[%dma_start3A_1701] : memref<10x!tpu.dma_semaphore, #tpu.memory_space<semaphore_mem>> -> memref<1x!tpu.dma_semaphore, #tpu.memory_space<semaphore_mem>>
      %dma_start3A_1711 = tpu.memref_squeeze %dma_start3A_1710 : memref<1x!tpu.dma_semaphore, #tpu.memory_space<semaphore_mem>> -> memref<!tpu.dma_semaphore, #tpu.memory_space<semaphore_mem>>
      tpu.enqueue_indirect_dma source(%dma_start3A_1709 : memref<100000x128xf32, #tpu.memory_space<hbm>>) target(%dma_start3A_1705 : memref<64x128xf32, #tpu.memory_space<vmem>>) offsets(%dma_start3A_1706 : memref<64xi32, #tpu.memory_space<vmem>>) semaphore(%dma_start3A_1711 : memref<!tpu.dma_semaphore, #tpu.memory_space<semaphore_mem>>)
      %mul3A_1712 = arith.constant 64 : i32
      %mul3A_1713 = arith.muli %add3A_1679, %mul3A_1712 : i32
      %dma_wait3A_1714 = arith.constant 7 : i32
      %dma_wait3A_1715 = arith.constant 7 : i32
      %dma_wait3A_1716 = arith.constant 0 : i32
      %dma_wait3A_1717 = arith.constant 0 : i32
      %dma_wait3A_1718 = tpu.memref_slice %arg6[%dma_wait3A_1714, %dma_wait3A_1716, %dma_wait3A_1717] : memref<10x64x128xf32, #tpu.memory_space<vmem>> -> memref<1x64x128xf32, #tpu.memory_space<vmem>>
      %dma_wait3A_1719 = tpu.memref_squeeze %dma_wait3A_1718 : memref<1x64x128xf32, #tpu.memory_space<vmem>> -> memref<64x128xf32, #tpu.memory_space<vmem>>
      %dma_wait3A_1720 = tpu.memref_slice %arg5[%mul3A_1713] : memref<6400xi32, #tpu.memory_space<vmem>> -> memref<64xi32, #tpu.memory_space<vmem>>
      %dma_wait3A_1721 = arith.constant 0 : i32
      %dma_wait3A_1722 = arith.constant 0 : i32
      %dma_wait3A_1723 = tpu.memref_slice %arg3[%dma_wait3A_1721, %dma_wait3A_1722] : memref<100000x128xf32, #tpu.memory_space<hbm>> -> memref<100000x128xf32, #tpu.memory_space<hbm>>
      %dma_wait3A_1724 = tpu.memref_slice %arg7[%dma_wait3A_1715] : memref<10x!tpu.dma_semaphore, #tpu.memory_space<semaphore_mem>> -> memref<1x!tpu.dma_semaphore, #tpu.memory_space<semaphore_mem>>
      %dma_wait3A_1725 = tpu.memref_squeeze %dma_wait3A_1724 : memref<1x!tpu.dma_semaphore, #tpu.memory_space<semaphore_mem>> -> memref<!tpu.dma_semaphore, #tpu.memory_space<semaphore_mem>>
      tpu.wait_indirect_dma semaphore(%dma_wait3A_1725 : memref<!tpu.dma_semaphore, #tpu.memory_space<semaphore_mem>>) src(%dma_wait3A_1723 : memref<100000x128xf32, #tpu.memory_space<hbm>>) dst(%dma_wait3A_1719 : memref<64x128xf32, #tpu.memory_space<vmem>>)
      %mul3A_1726 = arith.constant 64 : i32
      %mul3A_1727 = arith.muli %add3A_1679, %mul3A_1726 : i32
      %add3A_1728 = arith.addi %mul3A_2, %mul3A_1727 : i32
      %dma_start3A_1729 = arith.constant 7 : i32
      %dma_start3A_1730 = arith.constant 7 : i32
      %dma_start3A_1731 = arith.constant 0 : i32
      %dma_start3A_1732 = arith.constant 0 : i32
      %dma_start3A_1733 = tpu.memref_slice %arg6[%dma_start3A_1729, %dma_start3A_1731, %dma_start3A_1732] : memref<10x64x128xf32, #tpu.memory_space<vmem>> -> memref<1x64x128xf32, #tpu.memory_space<vmem>>
      %dma_start3A_1734 = tpu.memref_squeeze %dma_start3A_1733 : memref<1x64x128xf32, #tpu.memory_space<vmem>> -> memref<64x128xf32, #tpu.memory_space<vmem>>
      %dma_start3A_1735 = arith.constant 0 : i32
      %dma_start3A_1736 = tpu.memref_slice %arg4[%add3A_1728, %dma_start3A_1735] : memref<204800x128xf32, #tpu.memory_space<hbm>> -> memref<64x128xf32, #tpu.memory_space<hbm>>
      %dma_start3A_1737 = tpu.memref_slice %arg8[%dma_start3A_1730] : memref<10x!tpu.dma_semaphore, #tpu.memory_space<semaphore_mem>> -> memref<1x!tpu.dma_semaphore, #tpu.memory_space<semaphore_mem>>
      %dma_start3A_1738 = tpu.memref_squeeze %dma_start3A_1737 : memref<1x!tpu.dma_semaphore, #tpu.memory_space<semaphore_mem>> -> memref<!tpu.dma_semaphore, #tpu.memory_space<semaphore_mem>>
      %dma_start3A_1739 = arith.constant 0 : i32
      %dma_start3A_1740 = tpu.memref_slice %arg4[%add3A_1728, %dma_start3A_1739] : memref<204800x128xf32, #tpu.memory_space<hbm>> -> memref<64x128xf32, #tpu.memory_space<hbm>>
      %dma_start3A_1741 = arith.constant 0 : i32
      %dma_start3A_1742 = arith.constant 0 : i32
      %dma_start3A_1743 = tpu.memref_slice %arg6[%dma_start3A_1729, %dma_start3A_1741, %dma_start3A_1742] : memref<10x64x128xf32, #tpu.memory_space<vmem>> -> memref<1x64x128xf32, #tpu.memory_space<vmem>>
      %dma_start3A_1744 = tpu.memref_squeeze %dma_start3A_1743 : memref<1x64x128xf32, #tpu.memory_space<vmem>> -> memref<64x128xf32, #tpu.memory_space<vmem>>
      tpu.enqueue_dma source(%dma_start3A_1744 : memref<64x128xf32, #tpu.memory_space<vmem>>) target(%dma_start3A_1740 : memref<64x128xf32, #tpu.memory_space<hbm>>) target_semaphore(%dma_start3A_1738 : memref<!tpu.dma_semaphore, #tpu.memory_space<semaphore_mem>>)
      %add3A_1745 = arith.constant 8 : i32
      %add3A_1746 = arith.addi %mul3A_1208, %add3A_1745 : i32
      %dma_wait3A_1747 = arith.constant 6 : i32
      %dma_wait3A_1748 = arith.constant 6 : i32
      %dma_wait3A_1749 = arith.constant 0 : i32
      %dma_wait3A_1750 = arith.constant 0 : i32
      %dma_wait3A_1751 = tpu.memref_slice %arg6[%dma_wait3A_1747, %dma_wait3A_1749, %dma_wait3A_1750] : memref<10x64x128xf32, #tpu.memory_space<vmem>> -> memref<1x64x128xf32, #tpu.memory_space<vmem>>
      %dma_wait3A_1752 = tpu.memref_squeeze %dma_wait3A_1751 : memref<1x64x128xf32, #tpu.memory_space<vmem>> -> memref<64x128xf32, #tpu.memory_space<vmem>>
      %dma_wait3A_1753 = arith.constant 0 : i32
      %dma_wait3A_1754 = tpu.memref_slice %arg4[%mul3A_2, %dma_wait3A_1753] : memref<204800x128xf32, #tpu.memory_space<hbm>> -> memref<64x128xf32, #tpu.memory_space<hbm>>
      %dma_wait3A_1755 = tpu.memref_slice %arg8[%dma_wait3A_1748] : memref<10x!tpu.dma_semaphore, #tpu.memory_space<semaphore_mem>> -> memref<1x!tpu.dma_semaphore, #tpu.memory_space<semaphore_mem>>
      %dma_wait3A_1756 = tpu.memref_squeeze %dma_wait3A_1755 : memref<1x!tpu.dma_semaphore, #tpu.memory_space<semaphore_mem>> -> memref<!tpu.dma_semaphore, #tpu.memory_space<semaphore_mem>>
      %dma_wait3A_1757 = arith.constant 0 : i32
      %dma_wait3A_1758 = tpu.memref_slice %arg4[%mul3A_2, %dma_wait3A_1757] : memref<204800x128xf32, #tpu.memory_space<hbm>> -> memref<64x128xf32, #tpu.memory_space<hbm>>
      %dma_wait3A_1759 = arith.constant 0 : i32
      %dma_wait3A_1760 = arith.constant 0 : i32
      %dma_wait3A_1761 = tpu.memref_slice %arg6[%dma_wait3A_1747, %dma_wait3A_1759, %dma_wait3A_1760] : memref<10x64x128xf32, #tpu.memory_space<vmem>> -> memref<1x64x128xf32, #tpu.memory_space<vmem>>
      %dma_wait3A_1762 = tpu.memref_squeeze %dma_wait3A_1761 : memref<1x64x128xf32, #tpu.memory_space<vmem>> -> memref<64x128xf32, #tpu.memory_space<vmem>>
      tpu.wait_dma2 semaphore(%dma_wait3A_1756 : memref<!tpu.dma_semaphore, #tpu.memory_space<semaphore_mem>>) src(%dma_wait3A_1762 : memref<64x128xf32, #tpu.memory_space<vmem>>) dst(%dma_wait3A_1758 : memref<64x128xf32, #tpu.memory_space<hbm>>)
      %add3A_1763 = arith.constant 8 : i32
      %add3A_1764 = arith.addi %add3A_1746, %add3A_1763 : i32
      %mul3A_1765 = arith.constant 64 : i32
      %mul3A_1766 = arith.muli %add3A_1764, %mul3A_1765 : i32
      %dma_start3A_1767 = arith.constant 6 : i32
      %dma_start3A_1768 = arith.constant 6 : i32
      %dma_start3A_1769 = arith.constant 0 : i32
      %dma_start3A_1770 = arith.constant 0 : i32
      %dma_start3A_1771 = tpu.memref_slice %arg6[%dma_start3A_1767, %dma_start3A_1769, %dma_start3A_1770] : memref<10x64x128xf32, #tpu.memory_space<vmem>> -> memref<1x64x128xf32, #tpu.memory_space<vmem>>
      %dma_start3A_1772 = tpu.memref_squeeze %dma_start3A_1771 : memref<1x64x128xf32, #tpu.memory_space<vmem>> -> memref<64x128xf32, #tpu.memory_space<vmem>>
      %dma_start3A_1773 = tpu.memref_slice %arg5[%mul3A_1766] : memref<6400xi32, #tpu.memory_space<vmem>> -> memref<64xi32, #tpu.memory_space<vmem>>
      %dma_start3A_1774 = arith.constant 0 : i32
      %dma_start3A_1775 = arith.constant 0 : i32
      %dma_start3A_1776 = tpu.memref_slice %arg3[%dma_start3A_1774, %dma_start3A_1775] : memref<100000x128xf32, #tpu.memory_space<hbm>> -> memref<100000x128xf32, #tpu.memory_space<hbm>>
      %dma_start3A_1777 = tpu.memref_slice %arg7[%dma_start3A_1768] : memref<10x!tpu.dma_semaphore, #tpu.memory_space<semaphore_mem>> -> memref<1x!tpu.dma_semaphore, #tpu.memory_space<semaphore_mem>>
      %dma_start3A_1778 = tpu.memref_squeeze %dma_start3A_1777 : memref<1x!tpu.dma_semaphore, #tpu.memory_space<semaphore_mem>> -> memref<!tpu.dma_semaphore, #tpu.memory_space<semaphore_mem>>
      tpu.enqueue_indirect_dma source(%dma_start3A_1776 : memref<100000x128xf32, #tpu.memory_space<hbm>>) target(%dma_start3A_1772 : memref<64x128xf32, #tpu.memory_space<vmem>>) offsets(%dma_start3A_1773 : memref<64xi32, #tpu.memory_space<vmem>>) semaphore(%dma_start3A_1778 : memref<!tpu.dma_semaphore, #tpu.memory_space<semaphore_mem>>)
      %mul3A_1779 = arith.constant 64 : i32
      %mul3A_1780 = arith.muli %add3A_1746, %mul3A_1779 : i32
      %dma_wait3A_1781 = arith.constant 8 : i32
      %dma_wait3A_1782 = arith.constant 8 : i32
      %dma_wait3A_1783 = arith.constant 0 : i32
      %dma_wait3A_1784 = arith.constant 0 : i32
      %dma_wait3A_1785 = tpu.memref_slice %arg6[%dma_wait3A_1781, %dma_wait3A_1783, %dma_wait3A_1784] : memref<10x64x128xf32, #tpu.memory_space<vmem>> -> memref<1x64x128xf32, #tpu.memory_space<vmem>>
      %dma_wait3A_1786 = tpu.memref_squeeze %dma_wait3A_1785 : memref<1x64x128xf32, #tpu.memory_space<vmem>> -> memref<64x128xf32, #tpu.memory_space<vmem>>
      %dma_wait3A_1787 = tpu.memref_slice %arg5[%mul3A_1780] : memref<6400xi32, #tpu.memory_space<vmem>> -> memref<64xi32, #tpu.memory_space<vmem>>
      %dma_wait3A_1788 = arith.constant 0 : i32
      %dma_wait3A_1789 = arith.constant 0 : i32
      %dma_wait3A_1790 = tpu.memref_slice %arg3[%dma_wait3A_1788, %dma_wait3A_1789] : memref<100000x128xf32, #tpu.memory_space<hbm>> -> memref<100000x128xf32, #tpu.memory_space<hbm>>
      %dma_wait3A_1791 = tpu.memref_slice %arg7[%dma_wait3A_1782] : memref<10x!tpu.dma_semaphore, #tpu.memory_space<semaphore_mem>> -> memref<1x!tpu.dma_semaphore, #tpu.memory_space<semaphore_mem>>
      %dma_wait3A_1792 = tpu.memref_squeeze %dma_wait3A_1791 : memref<1x!tpu.dma_semaphore, #tpu.memory_space<semaphore_mem>> -> memref<!tpu.dma_semaphore, #tpu.memory_space<semaphore_mem>>
      tpu.wait_indirect_dma semaphore(%dma_wait3A_1792 : memref<!tpu.dma_semaphore, #tpu.memory_space<semaphore_mem>>) src(%dma_wait3A_1790 : memref<100000x128xf32, #tpu.memory_space<hbm>>) dst(%dma_wait3A_1786 : memref<64x128xf32, #tpu.memory_space<vmem>>)
      %mul3A_1793 = arith.constant 64 : i32
      %mul3A_1794 = arith.muli %add3A_1746, %mul3A_1793 : i32
      %add3A_1795 = arith.addi %mul3A_2, %mul3A_1794 : i32
      %dma_start3A_1796 = arith.constant 8 : i32
      %dma_start3A_1797 = arith.constant 8 : i32
      %dma_start3A_1798 = arith.constant 0 : i32
      %dma_start3A_1799 = arith.constant 0 : i32
      %dma_start3A_1800 = tpu.memref_slice %arg6[%dma_start3A_1796, %dma_start3A_1798, %dma_start3A_1799] : memref<10x64x128xf32, #tpu.memory_space<vmem>> -> memref<1x64x128xf32, #tpu.memory_space<vmem>>
      %dma_start3A_1801 = tpu.memref_squeeze %dma_start3A_1800 : memref<1x64x128xf32, #tpu.memory_space<vmem>> -> memref<64x128xf32, #tpu.memory_space<vmem>>
      %dma_start3A_1802 = arith.constant 0 : i32
      %dma_start3A_1803 = tpu.memref_slice %arg4[%add3A_1795, %dma_start3A_1802] : memref<204800x128xf32, #tpu.memory_space<hbm>> -> memref<64x128xf32, #tpu.memory_space<hbm>>
      %dma_start3A_1804 = tpu.memref_slice %arg8[%dma_start3A_1797] : memref<10x!tpu.dma_semaphore, #tpu.memory_space<semaphore_mem>> -> memref<1x!tpu.dma_semaphore, #tpu.memory_space<semaphore_mem>>
      %dma_start3A_1805 = tpu.memref_squeeze %dma_start3A_1804 : memref<1x!tpu.dma_semaphore, #tpu.memory_space<semaphore_mem>> -> memref<!tpu.dma_semaphore, #tpu.memory_space<semaphore_mem>>
      %dma_start3A_1806 = arith.constant 0 : i32
      %dma_start3A_1807 = tpu.memref_slice %arg4[%add3A_1795, %dma_start3A_1806] : memref<204800x128xf32, #tpu.memory_space<hbm>> -> memref<64x128xf32, #tpu.memory_space<hbm>>
      %dma_start3A_1808 = arith.constant 0 : i32
      %dma_start3A_1809 = arith.constant 0 : i32
      %dma_start3A_1810 = tpu.memref_slice %arg6[%dma_start3A_1796, %dma_start3A_1808, %dma_start3A_1809] : memref<10x64x128xf32, #tpu.memory_space<vmem>> -> memref<1x64x128xf32, #tpu.memory_space<vmem>>
      %dma_start3A_1811 = tpu.memref_squeeze %dma_start3A_1810 : memref<1x64x128xf32, #tpu.memory_space<vmem>> -> memref<64x128xf32, #tpu.memory_space<vmem>>
      tpu.enqueue_dma source(%dma_start3A_1811 : memref<64x128xf32, #tpu.memory_space<vmem>>) target(%dma_start3A_1807 : memref<64x128xf32, #tpu.memory_space<hbm>>) target_semaphore(%dma_start3A_1805 : memref<!tpu.dma_semaphore, #tpu.memory_space<semaphore_mem>>)
      %add3A_1812 = arith.constant 9 : i32
      %add3A_1813 = arith.addi %mul3A_1208, %add3A_1812 : i32
      %dma_wait3A_1814 = arith.constant 7 : i32
      %dma_wait3A_1815 = arith.constant 7 : i32
      %dma_wait3A_1816 = arith.constant 0 : i32
      %dma_wait3A_1817 = arith.constant 0 : i32
      %dma_wait3A_1818 = tpu.memref_slice %arg6[%dma_wait3A_1814, %dma_wait3A_1816, %dma_wait3A_1817] : memref<10x64x128xf32, #tpu.memory_space<vmem>> -> memref<1x64x128xf32, #tpu.memory_space<vmem>>
      %dma_wait3A_1819 = tpu.memref_squeeze %dma_wait3A_1818 : memref<1x64x128xf32, #tpu.memory_space<vmem>> -> memref<64x128xf32, #tpu.memory_space<vmem>>
      %dma_wait3A_1820 = arith.constant 0 : i32
      %dma_wait3A_1821 = tpu.memref_slice %arg4[%mul3A_2, %dma_wait3A_1820] : memref<204800x128xf32, #tpu.memory_space<hbm>> -> memref<64x128xf32, #tpu.memory_space<hbm>>
      %dma_wait3A_1822 = tpu.memref_slice %arg8[%dma_wait3A_1815] : memref<10x!tpu.dma_semaphore, #tpu.memory_space<semaphore_mem>> -> memref<1x!tpu.dma_semaphore, #tpu.memory_space<semaphore_mem>>
      %dma_wait3A_1823 = tpu.memref_squeeze %dma_wait3A_1822 : memref<1x!tpu.dma_semaphore, #tpu.memory_space<semaphore_mem>> -> memref<!tpu.dma_semaphore, #tpu.memory_space<semaphore_mem>>
      %dma_wait3A_1824 = arith.constant 0 : i32
      %dma_wait3A_1825 = tpu.memref_slice %arg4[%mul3A_2, %dma_wait3A_1824] : memref<204800x128xf32, #tpu.memory_space<hbm>> -> memref<64x128xf32, #tpu.memory_space<hbm>>
      %dma_wait3A_1826 = arith.constant 0 : i32
      %dma_wait3A_1827 = arith.constant 0 : i32
      %dma_wait3A_1828 = tpu.memref_slice %arg6[%dma_wait3A_1814, %dma_wait3A_1826, %dma_wait3A_1827] : memref<10x64x128xf32, #tpu.memory_space<vmem>> -> memref<1x64x128xf32, #tpu.memory_space<vmem>>
      %dma_wait3A_1829 = tpu.memref_squeeze %dma_wait3A_1828 : memref<1x64x128xf32, #tpu.memory_space<vmem>> -> memref<64x128xf32, #tpu.memory_space<vmem>>
      tpu.wait_dma2 semaphore(%dma_wait3A_1823 : memref<!tpu.dma_semaphore, #tpu.memory_space<semaphore_mem>>) src(%dma_wait3A_1829 : memref<64x128xf32, #tpu.memory_space<vmem>>) dst(%dma_wait3A_1825 : memref<64x128xf32, #tpu.memory_space<hbm>>)
      %add3A_1830 = arith.constant 8 : i32
      %add3A_1831 = arith.addi %add3A_1813, %add3A_1830 : i32
      %mul3A_1832 = arith.constant 64 : i32
      %mul3A_1833 = arith.muli %add3A_1831, %mul3A_1832 : i32
      %dma_start3A_1834 = arith.constant 7 : i32
      %dma_start3A_1835 = arith.constant 7 : i32
      %dma_start3A_1836 = arith.constant 0 : i32
      %dma_start3A_1837 = arith.constant 0 : i32
      %dma_start3A_1838 = tpu.memref_slice %arg6[%dma_start3A_1834, %dma_start3A_1836, %dma_start3A_1837] : memref<10x64x128xf32, #tpu.memory_space<vmem>> -> memref<1x64x128xf32, #tpu.memory_space<vmem>>
      %dma_start3A_1839 = tpu.memref_squeeze %dma_start3A_1838 : memref<1x64x128xf32, #tpu.memory_space<vmem>> -> memref<64x128xf32, #tpu.memory_space<vmem>>
      %dma_start3A_1840 = tpu.memref_slice %arg5[%mul3A_1833] : memref<6400xi32, #tpu.memory_space<vmem>> -> memref<64xi32, #tpu.memory_space<vmem>>
      %dma_start3A_1841 = arith.constant 0 : i32
      %dma_start3A_1842 = arith.constant 0 : i32
      %dma_start3A_1843 = tpu.memref_slice %arg3[%dma_start3A_1841, %dma_start3A_1842] : memref<100000x128xf32, #tpu.memory_space<hbm>> -> memref<100000x128xf32, #tpu.memory_space<hbm>>
      %dma_start3A_1844 = tpu.memref_slice %arg7[%dma_start3A_1835] : memref<10x!tpu.dma_semaphore, #tpu.memory_space<semaphore_mem>> -> memref<1x!tpu.dma_semaphore, #tpu.memory_space<semaphore_mem>>
      %dma_start3A_1845 = tpu.memref_squeeze %dma_start3A_1844 : memref<1x!tpu.dma_semaphore, #tpu.memory_space<semaphore_mem>> -> memref<!tpu.dma_semaphore, #tpu.memory_space<semaphore_mem>>
      tpu.enqueue_indirect_dma source(%dma_start3A_1843 : memref<100000x128xf32, #tpu.memory_space<hbm>>) target(%dma_start3A_1839 : memref<64x128xf32, #tpu.memory_space<vmem>>) offsets(%dma_start3A_1840 : memref<64xi32, #tpu.memory_space<vmem>>) semaphore(%dma_start3A_1845 : memref<!tpu.dma_semaphore, #tpu.memory_space<semaphore_mem>>)
      %mul3A_1846 = arith.constant 64 : i32
      %mul3A_1847 = arith.muli %add3A_1813, %mul3A_1846 : i32
      %dma_wait3A_1848 = arith.constant 9 : i32
      %dma_wait3A_1849 = arith.constant 9 : i32
      %dma_wait3A_1850 = arith.constant 0 : i32
      %dma_wait3A_1851 = arith.constant 0 : i32
      %dma_wait3A_1852 = tpu.memref_slice %arg6[%dma_wait3A_1848, %dma_wait3A_1850, %dma_wait3A_1851] : memref<10x64x128xf32, #tpu.memory_space<vmem>> -> memref<1x64x128xf32, #tpu.memory_space<vmem>>
      %dma_wait3A_1853 = tpu.memref_squeeze %dma_wait3A_1852 : memref<1x64x128xf32, #tpu.memory_space<vmem>> -> memref<64x128xf32, #tpu.memory_space<vmem>>
      %dma_wait3A_1854 = tpu.memref_slice %arg5[%mul3A_1847] : memref<6400xi32, #tpu.memory_space<vmem>> -> memref<64xi32, #tpu.memory_space<vmem>>
      %dma_wait3A_1855 = arith.constant 0 : i32
      %dma_wait3A_1856 = arith.constant 0 : i32
      %dma_wait3A_1857 = tpu.memref_slice %arg3[%dma_wait3A_1855, %dma_wait3A_1856] : memref<100000x128xf32, #tpu.memory_space<hbm>> -> memref<100000x128xf32, #tpu.memory_space<hbm>>
      %dma_wait3A_1858 = tpu.memref_slice %arg7[%dma_wait3A_1849] : memref<10x!tpu.dma_semaphore, #tpu.memory_space<semaphore_mem>> -> memref<1x!tpu.dma_semaphore, #tpu.memory_space<semaphore_mem>>
      %dma_wait3A_1859 = tpu.memref_squeeze %dma_wait3A_1858 : memref<1x!tpu.dma_semaphore, #tpu.memory_space<semaphore_mem>> -> memref<!tpu.dma_semaphore, #tpu.memory_space<semaphore_mem>>
      tpu.wait_indirect_dma semaphore(%dma_wait3A_1859 : memref<!tpu.dma_semaphore, #tpu.memory_space<semaphore_mem>>) src(%dma_wait3A_1857 : memref<100000x128xf32, #tpu.memory_space<hbm>>) dst(%dma_wait3A_1853 : memref<64x128xf32, #tpu.memory_space<vmem>>)
      %mul3A_1860 = arith.constant 64 : i32
      %mul3A_1861 = arith.muli %add3A_1813, %mul3A_1860 : i32
      %add3A_1862 = arith.addi %mul3A_2, %mul3A_1861 : i32
      %dma_start3A_1863 = arith.constant 9 : i32
      %dma_start3A_1864 = arith.constant 9 : i32
      %dma_start3A_1865 = arith.constant 0 : i32
      %dma_start3A_1866 = arith.constant 0 : i32
      %dma_start3A_1867 = tpu.memref_slice %arg6[%dma_start3A_1863, %dma_start3A_1865, %dma_start3A_1866] : memref<10x64x128xf32, #tpu.memory_space<vmem>> -> memref<1x64x128xf32, #tpu.memory_space<vmem>>
      %dma_start3A_1868 = tpu.memref_squeeze %dma_start3A_1867 : memref<1x64x128xf32, #tpu.memory_space<vmem>> -> memref<64x128xf32, #tpu.memory_space<vmem>>
      %dma_start3A_1869 = arith.constant 0 : i32
      %dma_start3A_1870 = tpu.memref_slice %arg4[%add3A_1862, %dma_start3A_1869] : memref<204800x128xf32, #tpu.memory_space<hbm>> -> memref<64x128xf32, #tpu.memory_space<hbm>>
      %dma_start3A_1871 = tpu.memref_slice %arg8[%dma_start3A_1864] : memref<10x!tpu.dma_semaphore, #tpu.memory_space<semaphore_mem>> -> memref<1x!tpu.dma_semaphore, #tpu.memory_space<semaphore_mem>>
      %dma_start3A_1872 = tpu.memref_squeeze %dma_start3A_1871 : memref<1x!tpu.dma_semaphore, #tpu.memory_space<semaphore_mem>> -> memref<!tpu.dma_semaphore, #tpu.memory_space<semaphore_mem>>
      %dma_start3A_1873 = arith.constant 0 : i32
      %dma_start3A_1874 = tpu.memref_slice %arg4[%add3A_1862, %dma_start3A_1873] : memref<204800x128xf32, #tpu.memory_space<hbm>> -> memref<64x128xf32, #tpu.memory_space<hbm>>
      %dma_start3A_1875 = arith.constant 0 : i32
      %dma_start3A_1876 = arith.constant 0 : i32
      %dma_start3A_1877 = tpu.memref_slice %arg6[%dma_start3A_1863, %dma_start3A_1875, %dma_start3A_1876] : memref<10x64x128xf32, #tpu.memory_space<vmem>> -> memref<1x64x128xf32, #tpu.memory_space<vmem>>
      %dma_start3A_1878 = tpu.memref_squeeze %dma_start3A_1877 : memref<1x64x128xf32, #tpu.memory_space<vmem>> -> memref<64x128xf32, #tpu.memory_space<vmem>>
      tpu.enqueue_dma source(%dma_start3A_1878 : memref<64x128xf32, #tpu.memory_space<vmem>>) target(%dma_start3A_1874 : memref<64x128xf32, #tpu.memory_space<hbm>>) target_semaphore(%dma_start3A_1872 : memref<!tpu.dma_semaphore, #tpu.memory_space<semaphore_mem>>)
    }
    %scan3A_677 = arith.constant 8 : i32
    %dma_wait3A_678 = arith.constant 8 : i32
    %dma_wait3A_679 = arith.constant 8 : i32
    %dma_wait3A_680 = arith.constant 0 : i32
    %dma_wait3A_681 = arith.constant 0 : i32
    %dma_wait3A_682 = tpu.memref_slice %arg6[%dma_wait3A_678, %dma_wait3A_680, %dma_wait3A_681] : memref<10x64x128xf32, #tpu.memory_space<vmem>> -> memref<1x64x128xf32, #tpu.memory_space<vmem>>
    %dma_wait3A_683 = tpu.memref_squeeze %dma_wait3A_682 : memref<1x64x128xf32, #tpu.memory_space<vmem>> -> memref<64x128xf32, #tpu.memory_space<vmem>>
    %dma_wait3A_684 = arith.constant 0 : i32
    %dma_wait3A_685 = tpu.memref_slice %arg4[%mul3A_2, %dma_wait3A_684] : memref<204800x128xf32, #tpu.memory_space<hbm>> -> memref<64x128xf32, #tpu.memory_space<hbm>>
    %dma_wait3A_686 = tpu.memref_slice %arg8[%dma_wait3A_679] : memref<10x!tpu.dma_semaphore, #tpu.memory_space<semaphore_mem>> -> memref<1x!tpu.dma_semaphore, #tpu.memory_space<semaphore_mem>>
    %dma_wait3A_687 = tpu.memref_squeeze %dma_wait3A_686 : memref<1x!tpu.dma_semaphore, #tpu.memory_space<semaphore_mem>> -> memref<!tpu.dma_semaphore, #tpu.memory_space<semaphore_mem>>
    %dma_wait3A_688 = arith.constant 0 : i32
    %dma_wait3A_689 = tpu.memref_slice %arg4[%mul3A_2, %dma_wait3A_688] : memref<204800x128xf32, #tpu.memory_space<hbm>> -> memref<64x128xf32, #tpu.memory_space<hbm>>
    %dma_wait3A_690 = arith.constant 0 : i32
    %dma_wait3A_691 = arith.constant 0 : i32
    %dma_wait3A_692 = tpu.memref_slice %arg6[%dma_wait3A_678, %dma_wait3A_690, %dma_wait3A_691] : memref<10x64x128xf32, #tpu.memory_space<vmem>> -> memref<1x64x128xf32, #tpu.memory_space<vmem>>
    %dma_wait3A_693 = tpu.memref_squeeze %dma_wait3A_692 : memref<1x64x128xf32, #tpu.memory_space<vmem>> -> memref<64x128xf32, #tpu.memory_space<vmem>>
    tpu.wait_dma2 semaphore(%dma_wait3A_687 : memref<!tpu.dma_semaphore, #tpu.memory_space<semaphore_mem>>) src(%dma_wait3A_693 : memref<64x128xf32, #tpu.memory_space<vmem>>) dst(%dma_wait3A_689 : memref<64x128xf32, #tpu.memory_space<hbm>>)
    %dma_start3A_694 = arith.constant 8 : i32
    %dma_start3A_695 = arith.constant 8 : i32
    %dma_start3A_696 = arith.constant 0 : i32
    %dma_start3A_697 = arith.constant 0 : i32
    %dma_start3A_698 = tpu.memref_slice %arg6[%dma_start3A_694, %dma_start3A_696, %dma_start3A_697] : memref<10x64x128xf32, #tpu.memory_space<vmem>> -> memref<1x64x128xf32, #tpu.memory_space<vmem>>
    %dma_start3A_699 = tpu.memref_squeeze %dma_start3A_698 : memref<1x64x128xf32, #tpu.memory_space<vmem>> -> memref<64x128xf32, #tpu.memory_space<vmem>>
    %dma_start3A_700 = arith.constant 6272 : i32
    %dma_start3A_701 = tpu.memref_slice %arg5[%dma_start3A_700] : memref<6400xi32, #tpu.memory_space<vmem>> -> memref<64xi32, #tpu.memory_space<vmem>>
    %dma_start3A_702 = arith.constant 0 : i32
    %dma_start3A_703 = arith.constant 0 : i32
    %dma_start3A_704 = tpu.memref_slice %arg3[%dma_start3A_702, %dma_start3A_703] : memref<100000x128xf32, #tpu.memory_space<hbm>> -> memref<100000x128xf32, #tpu.memory_space<hbm>>
    %dma_start3A_705 = tpu.memref_slice %arg7[%dma_start3A_695] : memref<10x!tpu.dma_semaphore, #tpu.memory_space<semaphore_mem>> -> memref<1x!tpu.dma_semaphore, #tpu.memory_space<semaphore_mem>>
    %dma_start3A_706 = tpu.memref_squeeze %dma_start3A_705 : memref<1x!tpu.dma_semaphore, #tpu.memory_space<semaphore_mem>> -> memref<!tpu.dma_semaphore, #tpu.memory_space<semaphore_mem>>
    tpu.enqueue_indirect_dma source(%dma_start3A_704 : memref<100000x128xf32, #tpu.memory_space<hbm>>) target(%dma_start3A_699 : memref<64x128xf32, #tpu.memory_space<vmem>>) offsets(%dma_start3A_701 : memref<64xi32, #tpu.memory_space<vmem>>) semaphore(%dma_start3A_706 : memref<!tpu.dma_semaphore, #tpu.memory_space<semaphore_mem>>)
    %dma_wait3A_707 = arith.constant 0 : i32
    %dma_wait3A_708 = arith.constant 0 : i32
    %dma_wait3A_709 = arith.constant 0 : i32
    %dma_wait3A_710 = arith.constant 0 : i32
    %dma_wait3A_711 = tpu.memref_slice %arg6[%dma_wait3A_707, %dma_wait3A_709, %dma_wait3A_710] : memref<10x64x128xf32, #tpu.memory_space<vmem>> -> memref<1x64x128xf32, #tpu.memory_space<vmem>>
    %dma_wait3A_712 = tpu.memref_squeeze %dma_wait3A_711 : memref<1x64x128xf32, #tpu.memory_space<vmem>> -> memref<64x128xf32, #tpu.memory_space<vmem>>
    %dma_wait3A_713 = arith.constant 5760 : i32
    %dma_wait3A_714 = tpu.memref_slice %arg5[%dma_wait3A_713] : memref<6400xi32, #tpu.memory_space<vmem>> -> memref<64xi32, #tpu.memory_space<vmem>>
    %dma_wait3A_715 = arith.constant 0 : i32
    %dma_wait3A_716 = arith.constant 0 : i32
    %dma_wait3A_717 = tpu.memref_slice %arg3[%dma_wait3A_715, %dma_wait3A_716] : memref<100000x128xf32, #tpu.memory_space<hbm>> -> memref<100000x128xf32, #tpu.memory_space<hbm>>
    %dma_wait3A_718 = tpu.memref_slice %arg7[%dma_wait3A_708] : memref<10x!tpu.dma_semaphore, #tpu.memory_space<semaphore_mem>> -> memref<1x!tpu.dma_semaphore, #tpu.memory_space<semaphore_mem>>
    %dma_wait3A_719 = tpu.memref_squeeze %dma_wait3A_718 : memref<1x!tpu.dma_semaphore, #tpu.memory_space<semaphore_mem>> -> memref<!tpu.dma_semaphore, #tpu.memory_space<semaphore_mem>>
    tpu.wait_indirect_dma semaphore(%dma_wait3A_719 : memref<!tpu.dma_semaphore, #tpu.memory_space<semaphore_mem>>) src(%dma_wait3A_717 : memref<100000x128xf32, #tpu.memory_space<hbm>>) dst(%dma_wait3A_712 : memref<64x128xf32, #tpu.memory_space<vmem>>)
    %add3A_720 = arith.constant 5760 : i32
    %add3A_721 = arith.addi %mul3A_2, %add3A_720 : i32
    %dma_start3A_722 = arith.constant 0 : i32
    %dma_start3A_723 = arith.constant 0 : i32
    %dma_start3A_724 = arith.constant 0 : i32
    %dma_start3A_725 = arith.constant 0 : i32
    %dma_start3A_726 = tpu.memref_slice %arg6[%dma_start3A_722, %dma_start3A_724, %dma_start3A_725] : memref<10x64x128xf32, #tpu.memory_space<vmem>> -> memref<1x64x128xf32, #tpu.memory_space<vmem>>
    %dma_start3A_727 = tpu.memref_squeeze %dma_start3A_726 : memref<1x64x128xf32, #tpu.memory_space<vmem>> -> memref<64x128xf32, #tpu.memory_space<vmem>>
    %dma_start3A_728 = arith.constant 0 : i32
    %dma_start3A_729 = tpu.memref_slice %arg4[%add3A_721, %dma_start3A_728] : memref<204800x128xf32, #tpu.memory_space<hbm>> -> memref<64x128xf32, #tpu.memory_space<hbm>>
    %dma_start3A_730 = tpu.memref_slice %arg8[%dma_start3A_723] : memref<10x!tpu.dma_semaphore, #tpu.memory_space<semaphore_mem>> -> memref<1x!tpu.dma_semaphore, #tpu.memory_space<semaphore_mem>>
    %dma_start3A_731 = tpu.memref_squeeze %dma_start3A_730 : memref<1x!tpu.dma_semaphore, #tpu.memory_space<semaphore_mem>> -> memref<!tpu.dma_semaphore, #tpu.memory_space<semaphore_mem>>
    %dma_start3A_732 = arith.constant 0 : i32
    %dma_start3A_733 = tpu.memref_slice %arg4[%add3A_721, %dma_start3A_732] : memref<204800x128xf32, #tpu.memory_space<hbm>> -> memref<64x128xf32, #tpu.memory_space<hbm>>
    %dma_start3A_734 = arith.constant 0 : i32
    %dma_start3A_735 = arith.constant 0 : i32
    %dma_start3A_736 = tpu.memref_slice %arg6[%dma_start3A_722, %dma_start3A_734, %dma_start3A_735] : memref<10x64x128xf32, #tpu.memory_space<vmem>> -> memref<1x64x128xf32, #tpu.memory_space<vmem>>
    %dma_start3A_737 = tpu.memref_squeeze %dma_start3A_736 : memref<1x64x128xf32, #tpu.memory_space<vmem>> -> memref<64x128xf32, #tpu.memory_space<vmem>>
    tpu.enqueue_dma source(%dma_start3A_737 : memref<64x128xf32, #tpu.memory_space<vmem>>) target(%dma_start3A_733 : memref<64x128xf32, #tpu.memory_space<hbm>>) target_semaphore(%dma_start3A_731 : memref<!tpu.dma_semaphore, #tpu.memory_space<semaphore_mem>>)
    %dma_wait3A_738 = arith.constant 9 : i32
    %dma_wait3A_739 = arith.constant 9 : i32
    %dma_wait3A_740 = arith.constant 0 : i32
    %dma_wait3A_741 = arith.constant 0 : i32
    %dma_wait3A_742 = tpu.memref_slice %arg6[%dma_wait3A_738, %dma_wait3A_740, %dma_wait3A_741] : memref<10x64x128xf32, #tpu.memory_space<vmem>> -> memref<1x64x128xf32, #tpu.memory_space<vmem>>
    %dma_wait3A_743 = tpu.memref_squeeze %dma_wait3A_742 : memref<1x64x128xf32, #tpu.memory_space<vmem>> -> memref<64x128xf32, #tpu.memory_space<vmem>>
    %dma_wait3A_744 = arith.constant 0 : i32
    %dma_wait3A_745 = tpu.memref_slice %arg4[%mul3A_2, %dma_wait3A_744] : memref<204800x128xf32, #tpu.memory_space<hbm>> -> memref<64x128xf32, #tpu.memory_space<hbm>>
    %dma_wait3A_746 = tpu.memref_slice %arg8[%dma_wait3A_739] : memref<10x!tpu.dma_semaphore, #tpu.memory_space<semaphore_mem>> -> memref<1x!tpu.dma_semaphore, #tpu.memory_space<semaphore_mem>>
    %dma_wait3A_747 = tpu.memref_squeeze %dma_wait3A_746 : memref<1x!tpu.dma_semaphore, #tpu.memory_space<semaphore_mem>> -> memref<!tpu.dma_semaphore, #tpu.memory_space<semaphore_mem>>
    %dma_wait3A_748 = arith.constant 0 : i32
    %dma_wait3A_749 = tpu.memref_slice %arg4[%mul3A_2, %dma_wait3A_748] : memref<204800x128xf32, #tpu.memory_space<hbm>> -> memref<64x128xf32, #tpu.memory_space<hbm>>
    %dma_wait3A_750 = arith.constant 0 : i32
    %dma_wait3A_751 = arith.constant 0 : i32
    %dma_wait3A_752 = tpu.memref_slice %arg6[%dma_wait3A_738, %dma_wait3A_750, %dma_wait3A_751] : memref<10x64x128xf32, #tpu.memory_space<vmem>> -> memref<1x64x128xf32, #tpu.memory_space<vmem>>
    %dma_wait3A_753 = tpu.memref_squeeze %dma_wait3A_752 : memref<1x64x128xf32, #tpu.memory_space<vmem>> -> memref<64x128xf32, #tpu.memory_space<vmem>>
    tpu.wait_dma2 semaphore(%dma_wait3A_747 : memref<!tpu.dma_semaphore, #tpu.memory_space<semaphore_mem>>) src(%dma_wait3A_753 : memref<64x128xf32, #tpu.memory_space<vmem>>) dst(%dma_wait3A_749 : memref<64x128xf32, #tpu.memory_space<hbm>>)
    %dma_start3A_754 = arith.constant 9 : i32
    %dma_start3A_755 = arith.constant 9 : i32
    %dma_start3A_756 = arith.constant 0 : i32
    %dma_start3A_757 = arith.constant 0 : i32
    %dma_start3A_758 = tpu.memref_slice %arg6[%dma_start3A_754, %dma_start3A_756, %dma_start3A_757] : memref<10x64x128xf32, #tpu.memory_space<vmem>> -> memref<1x64x128xf32, #tpu.memory_space<vmem>>
    %dma_start3A_759 = tpu.memref_squeeze %dma_start3A_758 : memref<1x64x128xf32, #tpu.memory_space<vmem>> -> memref<64x128xf32, #tpu.memory_space<vmem>>
    %dma_start3A_760 = arith.constant 6336 : i32
    %dma_start3A_761 = tpu.memref_slice %arg5[%dma_start3A_760] : memref<6400xi32, #tpu.memory_space<vmem>> -> memref<64xi32, #tpu.memory_space<vmem>>
    %dma_start3A_762 = arith.constant 0 : i32
    %dma_start3A_763 = arith.constant 0 : i32
    %dma_start3A_764 = tpu.memref_slice %arg3[%dma_start3A_762, %dma_start3A_763] : memref<100000x128xf32, #tpu.memory_space<hbm>> -> memref<100000x128xf32, #tpu.memory_space<hbm>>
    %dma_start3A_765 = tpu.memref_slice %arg7[%dma_start3A_755] : memref<10x!tpu.dma_semaphore, #tpu.memory_space<semaphore_mem>> -> memref<1x!tpu.dma_semaphore, #tpu.memory_space<semaphore_mem>>
    %dma_start3A_766 = tpu.memref_squeeze %dma_start3A_765 : memref<1x!tpu.dma_semaphore, #tpu.memory_space<semaphore_mem>> -> memref<!tpu.dma_semaphore, #tpu.memory_space<semaphore_mem>>
    tpu.enqueue_indirect_dma source(%dma_start3A_764 : memref<100000x128xf32, #tpu.memory_space<hbm>>) target(%dma_start3A_759 : memref<64x128xf32, #tpu.memory_space<vmem>>) offsets(%dma_start3A_761 : memref<64xi32, #tpu.memory_space<vmem>>) semaphore(%dma_start3A_766 : memref<!tpu.dma_semaphore, #tpu.memory_space<semaphore_mem>>)
    %dma_wait3A_767 = arith.constant 1 : i32
    %dma_wait3A_768 = arith.constant 1 : i32
    %dma_wait3A_769 = arith.constant 0 : i32
    %dma_wait3A_770 = arith.constant 0 : i32
    %dma_wait3A_771 = tpu.memref_slice %arg6[%dma_wait3A_767, %dma_wait3A_769, %dma_wait3A_770] : memref<10x64x128xf32, #tpu.memory_space<vmem>> -> memref<1x64x128xf32, #tpu.memory_space<vmem>>
    %dma_wait3A_772 = tpu.memref_squeeze %dma_wait3A_771 : memref<1x64x128xf32, #tpu.memory_space<vmem>> -> memref<64x128xf32, #tpu.memory_space<vmem>>
    %dma_wait3A_773 = arith.constant 5824 : i32
    %dma_wait3A_774 = tpu.memref_slice %arg5[%dma_wait3A_773] : memref<6400xi32, #tpu.memory_space<vmem>> -> memref<64xi32, #tpu.memory_space<vmem>>
    %dma_wait3A_775 = arith.constant 0 : i32
    %dma_wait3A_776 = arith.constant 0 : i32
    %dma_wait3A_777 = tpu.memref_slice %arg3[%dma_wait3A_775, %dma_wait3A_776] : memref<100000x128xf32, #tpu.memory_space<hbm>> -> memref<100000x128xf32, #tpu.memory_space<hbm>>
    %dma_wait3A_778 = tpu.memref_slice %arg7[%dma_wait3A_768] : memref<10x!tpu.dma_semaphore, #tpu.memory_space<semaphore_mem>> -> memref<1x!tpu.dma_semaphore, #tpu.memory_space<semaphore_mem>>
    %dma_wait3A_779 = tpu.memref_squeeze %dma_wait3A_778 : memref<1x!tpu.dma_semaphore, #tpu.memory_space<semaphore_mem>> -> memref<!tpu.dma_semaphore, #tpu.memory_space<semaphore_mem>>
    tpu.wait_indirect_dma semaphore(%dma_wait3A_779 : memref<!tpu.dma_semaphore, #tpu.memory_space<semaphore_mem>>) src(%dma_wait3A_777 : memref<100000x128xf32, #tpu.memory_space<hbm>>) dst(%dma_wait3A_772 : memref<64x128xf32, #tpu.memory_space<vmem>>)
    %add3A_780 = arith.constant 5824 : i32
    %add3A_781 = arith.addi %mul3A_2, %add3A_780 : i32
    %dma_start3A_782 = arith.constant 1 : i32
    %dma_start3A_783 = arith.constant 1 : i32
    %dma_start3A_784 = arith.constant 0 : i32
    %dma_start3A_785 = arith.constant 0 : i32
    %dma_start3A_786 = tpu.memref_slice %arg6[%dma_start3A_782, %dma_start3A_784, %dma_start3A_785] : memref<10x64x128xf32, #tpu.memory_space<vmem>> -> memref<1x64x128xf32, #tpu.memory_space<vmem>>
    %dma_start3A_787 = tpu.memref_squeeze %dma_start3A_786 : memref<1x64x128xf32, #tpu.memory_space<vmem>> -> memref<64x128xf32, #tpu.memory_space<vmem>>
    %dma_start3A_788 = arith.constant 0 : i32
    %dma_start3A_789 = tpu.memref_slice %arg4[%add3A_781, %dma_start3A_788] : memref<204800x128xf32, #tpu.memory_space<hbm>> -> memref<64x128xf32, #tpu.memory_space<hbm>>
    %dma_start3A_790 = tpu.memref_slice %arg8[%dma_start3A_783] : memref<10x!tpu.dma_semaphore, #tpu.memory_space<semaphore_mem>> -> memref<1x!tpu.dma_semaphore, #tpu.memory_space<semaphore_mem>>
    %dma_start3A_791 = tpu.memref_squeeze %dma_start3A_790 : memref<1x!tpu.dma_semaphore, #tpu.memory_space<semaphore_mem>> -> memref<!tpu.dma_semaphore, #tpu.memory_space<semaphore_mem>>
    %dma_start3A_792 = arith.constant 0 : i32
    %dma_start3A_793 = tpu.memref_slice %arg4[%add3A_781, %dma_start3A_792] : memref<204800x128xf32, #tpu.memory_space<hbm>> -> memref<64x128xf32, #tpu.memory_space<hbm>>
    %dma_start3A_794 = arith.constant 0 : i32
    %dma_start3A_795 = arith.constant 0 : i32
    %dma_start3A_796 = tpu.memref_slice %arg6[%dma_start3A_782, %dma_start3A_794, %dma_start3A_795] : memref<10x64x128xf32, #tpu.memory_space<vmem>> -> memref<1x64x128xf32, #tpu.memory_space<vmem>>
    %dma_start3A_797 = tpu.memref_squeeze %dma_start3A_796 : memref<1x64x128xf32, #tpu.memory_space<vmem>> -> memref<64x128xf32, #tpu.memory_space<vmem>>
    tpu.enqueue_dma source(%dma_start3A_797 : memref<64x128xf32, #tpu.memory_space<vmem>>) target(%dma_start3A_793 : memref<64x128xf32, #tpu.memory_space<hbm>>) target_semaphore(%dma_start3A_791 : memref<!tpu.dma_semaphore, #tpu.memory_space<semaphore_mem>>)
    %dma_wait3A_798 = arith.constant 2 : i32
    %dma_wait3A_799 = arith.constant 2 : i32
    %dma_wait3A_800 = arith.constant 0 : i32
    %dma_wait3A_801 = arith.constant 0 : i32
    %dma_wait3A_802 = tpu.memref_slice %arg6[%dma_wait3A_798, %dma_wait3A_800, %dma_wait3A_801] : memref<10x64x128xf32, #tpu.memory_space<vmem>> -> memref<1x64x128xf32, #tpu.memory_space<vmem>>
    %dma_wait3A_803 = tpu.memref_squeeze %dma_wait3A_802 : memref<1x64x128xf32, #tpu.memory_space<vmem>> -> memref<64x128xf32, #tpu.memory_space<vmem>>
    %dma_wait3A_804 = arith.constant 5888 : i32
    %dma_wait3A_805 = tpu.memref_slice %arg5[%dma_wait3A_804] : memref<6400xi32, #tpu.memory_space<vmem>> -> memref<64xi32, #tpu.memory_space<vmem>>
    %dma_wait3A_806 = arith.constant 0 : i32
    %dma_wait3A_807 = arith.constant 0 : i32
    %dma_wait3A_808 = tpu.memref_slice %arg3[%dma_wait3A_806, %dma_wait3A_807] : memref<100000x128xf32, #tpu.memory_space<hbm>> -> memref<100000x128xf32, #tpu.memory_space<hbm>>
    %dma_wait3A_809 = tpu.memref_slice %arg7[%dma_wait3A_799] : memref<10x!tpu.dma_semaphore, #tpu.memory_space<semaphore_mem>> -> memref<1x!tpu.dma_semaphore, #tpu.memory_space<semaphore_mem>>
    %dma_wait3A_810 = tpu.memref_squeeze %dma_wait3A_809 : memref<1x!tpu.dma_semaphore, #tpu.memory_space<semaphore_mem>> -> memref<!tpu.dma_semaphore, #tpu.memory_space<semaphore_mem>>
    tpu.wait_indirect_dma semaphore(%dma_wait3A_810 : memref<!tpu.dma_semaphore, #tpu.memory_space<semaphore_mem>>) src(%dma_wait3A_808 : memref<100000x128xf32, #tpu.memory_space<hbm>>) dst(%dma_wait3A_803 : memref<64x128xf32, #tpu.memory_space<vmem>>)
    %add3A_811 = arith.constant 5888 : i32
    %add3A_812 = arith.addi %mul3A_2, %add3A_811 : i32
    %dma_start3A_813 = arith.constant 2 : i32
    %dma_start3A_814 = arith.constant 2 : i32
    %dma_start3A_815 = arith.constant 0 : i32
    %dma_start3A_816 = arith.constant 0 : i32
    %dma_start3A_817 = tpu.memref_slice %arg6[%dma_start3A_813, %dma_start3A_815, %dma_start3A_816] : memref<10x64x128xf32, #tpu.memory_space<vmem>> -> memref<1x64x128xf32, #tpu.memory_space<vmem>>
    %dma_start3A_818 = tpu.memref_squeeze %dma_start3A_817 : memref<1x64x128xf32, #tpu.memory_space<vmem>> -> memref<64x128xf32, #tpu.memory_space<vmem>>
    %dma_start3A_819 = arith.constant 0 : i32
    %dma_start3A_820 = tpu.memref_slice %arg4[%add3A_812, %dma_start3A_819] : memref<204800x128xf32, #tpu.memory_space<hbm>> -> memref<64x128xf32, #tpu.memory_space<hbm>>
    %dma_start3A_821 = tpu.memref_slice %arg8[%dma_start3A_814] : memref<10x!tpu.dma_semaphore, #tpu.memory_space<semaphore_mem>> -> memref<1x!tpu.dma_semaphore, #tpu.memory_space<semaphore_mem>>
    %dma_start3A_822 = tpu.memref_squeeze %dma_start3A_821 : memref<1x!tpu.dma_semaphore, #tpu.memory_space<semaphore_mem>> -> memref<!tpu.dma_semaphore, #tpu.memory_space<semaphore_mem>>
    %dma_start3A_823 = arith.constant 0 : i32
    %dma_start3A_824 = tpu.memref_slice %arg4[%add3A_812, %dma_start3A_823] : memref<204800x128xf32, #tpu.memory_space<hbm>> -> memref<64x128xf32, #tpu.memory_space<hbm>>
    %dma_start3A_825 = arith.constant 0 : i32
    %dma_start3A_826 = arith.constant 0 : i32
    %dma_start3A_827 = tpu.memref_slice %arg6[%dma_start3A_813, %dma_start3A_825, %dma_start3A_826] : memref<10x64x128xf32, #tpu.memory_space<vmem>> -> memref<1x64x128xf32, #tpu.memory_space<vmem>>
    %dma_start3A_828 = tpu.memref_squeeze %dma_start3A_827 : memref<1x64x128xf32, #tpu.memory_space<vmem>> -> memref<64x128xf32, #tpu.memory_space<vmem>>
    tpu.enqueue_dma source(%dma_start3A_828 : memref<64x128xf32, #tpu.memory_space<vmem>>) target(%dma_start3A_824 : memref<64x128xf32, #tpu.memory_space<hbm>>) target_semaphore(%dma_start3A_822 : memref<!tpu.dma_semaphore, #tpu.memory_space<semaphore_mem>>)
    %dma_wait3A_829 = arith.constant 3 : i32
    %dma_wait3A_830 = arith.constant 3 : i32
    %dma_wait3A_831 = arith.constant 0 : i32
    %dma_wait3A_832 = arith.constant 0 : i32
    %dma_wait3A_833 = tpu.memref_slice %arg6[%dma_wait3A_829, %dma_wait3A_831, %dma_wait3A_832] : memref<10x64x128xf32, #tpu.memory_space<vmem>> -> memref<1x64x128xf32, #tpu.memory_space<vmem>>
    %dma_wait3A_834 = tpu.memref_squeeze %dma_wait3A_833 : memref<1x64x128xf32, #tpu.memory_space<vmem>> -> memref<64x128xf32, #tpu.memory_space<vmem>>
    %dma_wait3A_835 = arith.constant 5952 : i32
    %dma_wait3A_836 = tpu.memref_slice %arg5[%dma_wait3A_835] : memref<6400xi32, #tpu.memory_space<vmem>> -> memref<64xi32, #tpu.memory_space<vmem>>
    %dma_wait3A_837 = arith.constant 0 : i32
    %dma_wait3A_838 = arith.constant 0 : i32
    %dma_wait3A_839 = tpu.memref_slice %arg3[%dma_wait3A_837, %dma_wait3A_838] : memref<100000x128xf32, #tpu.memory_space<hbm>> -> memref<100000x128xf32, #tpu.memory_space<hbm>>
    %dma_wait3A_840 = tpu.memref_slice %arg7[%dma_wait3A_830] : memref<10x!tpu.dma_semaphore, #tpu.memory_space<semaphore_mem>> -> memref<1x!tpu.dma_semaphore, #tpu.memory_space<semaphore_mem>>
    %dma_wait3A_841 = tpu.memref_squeeze %dma_wait3A_840 : memref<1x!tpu.dma_semaphore, #tpu.memory_space<semaphore_mem>> -> memref<!tpu.dma_semaphore, #tpu.memory_space<semaphore_mem>>
    tpu.wait_indirect_dma semaphore(%dma_wait3A_841 : memref<!tpu.dma_semaphore, #tpu.memory_space<semaphore_mem>>) src(%dma_wait3A_839 : memref<100000x128xf32, #tpu.memory_space<hbm>>) dst(%dma_wait3A_834 : memref<64x128xf32, #tpu.memory_space<vmem>>)
    %add3A_842 = arith.constant 5952 : i32
    %add3A_843 = arith.addi %mul3A_2, %add3A_842 : i32
    %dma_start3A_844 = arith.constant 3 : i32
    %dma_start3A_845 = arith.constant 3 : i32
    %dma_start3A_846 = arith.constant 0 : i32
    %dma_start3A_847 = arith.constant 0 : i32
    %dma_start3A_848 = tpu.memref_slice %arg6[%dma_start3A_844, %dma_start3A_846, %dma_start3A_847] : memref<10x64x128xf32, #tpu.memory_space<vmem>> -> memref<1x64x128xf32, #tpu.memory_space<vmem>>
    %dma_start3A_849 = tpu.memref_squeeze %dma_start3A_848 : memref<1x64x128xf32, #tpu.memory_space<vmem>> -> memref<64x128xf32, #tpu.memory_space<vmem>>
    %dma_start3A_850 = arith.constant 0 : i32
    %dma_start3A_851 = tpu.memref_slice %arg4[%add3A_843, %dma_start3A_850] : memref<204800x128xf32, #tpu.memory_space<hbm>> -> memref<64x128xf32, #tpu.memory_space<hbm>>
    %dma_start3A_852 = tpu.memref_slice %arg8[%dma_start3A_845] : memref<10x!tpu.dma_semaphore, #tpu.memory_space<semaphore_mem>> -> memref<1x!tpu.dma_semaphore, #tpu.memory_space<semaphore_mem>>
    %dma_start3A_853 = tpu.memref_squeeze %dma_start3A_852 : memref<1x!tpu.dma_semaphore, #tpu.memory_space<semaphore_mem>> -> memref<!tpu.dma_semaphore, #tpu.memory_space<semaphore_mem>>
    %dma_start3A_854 = arith.constant 0 : i32
    %dma_start3A_855 = tpu.memref_slice %arg4[%add3A_843, %dma_start3A_854] : memref<204800x128xf32, #tpu.memory_space<hbm>> -> memref<64x128xf32, #tpu.memory_space<hbm>>
    %dma_start3A_856 = arith.constant 0 : i32
    %dma_start3A_857 = arith.constant 0 : i32
    %dma_start3A_858 = tpu.memref_slice %arg6[%dma_start3A_844, %dma_start3A_856, %dma_start3A_857] : memref<10x64x128xf32, #tpu.memory_space<vmem>> -> memref<1x64x128xf32, #tpu.memory_space<vmem>>
    %dma_start3A_859 = tpu.memref_squeeze %dma_start3A_858 : memref<1x64x128xf32, #tpu.memory_space<vmem>> -> memref<64x128xf32, #tpu.memory_space<vmem>>
    tpu.enqueue_dma source(%dma_start3A_859 : memref<64x128xf32, #tpu.memory_space<vmem>>) target(%dma_start3A_855 : memref<64x128xf32, #tpu.memory_space<hbm>>) target_semaphore(%dma_start3A_853 : memref<!tpu.dma_semaphore, #tpu.memory_space<semaphore_mem>>)
    %dma_wait3A_860 = arith.constant 4 : i32
    %dma_wait3A_861 = arith.constant 4 : i32
    %dma_wait3A_862 = arith.constant 0 : i32
    %dma_wait3A_863 = arith.constant 0 : i32
    %dma_wait3A_864 = tpu.memref_slice %arg6[%dma_wait3A_860, %dma_wait3A_862, %dma_wait3A_863] : memref<10x64x128xf32, #tpu.memory_space<vmem>> -> memref<1x64x128xf32, #tpu.memory_space<vmem>>
    %dma_wait3A_865 = tpu.memref_squeeze %dma_wait3A_864 : memref<1x64x128xf32, #tpu.memory_space<vmem>> -> memref<64x128xf32, #tpu.memory_space<vmem>>
    %dma_wait3A_866 = arith.constant 6016 : i32
    %dma_wait3A_867 = tpu.memref_slice %arg5[%dma_wait3A_866] : memref<6400xi32, #tpu.memory_space<vmem>> -> memref<64xi32, #tpu.memory_space<vmem>>
    %dma_wait3A_868 = arith.constant 0 : i32
    %dma_wait3A_869 = arith.constant 0 : i32
    %dma_wait3A_870 = tpu.memref_slice %arg3[%dma_wait3A_868, %dma_wait3A_869] : memref<100000x128xf32, #tpu.memory_space<hbm>> -> memref<100000x128xf32, #tpu.memory_space<hbm>>
    %dma_wait3A_871 = tpu.memref_slice %arg7[%dma_wait3A_861] : memref<10x!tpu.dma_semaphore, #tpu.memory_space<semaphore_mem>> -> memref<1x!tpu.dma_semaphore, #tpu.memory_space<semaphore_mem>>
    %dma_wait3A_872 = tpu.memref_squeeze %dma_wait3A_871 : memref<1x!tpu.dma_semaphore, #tpu.memory_space<semaphore_mem>> -> memref<!tpu.dma_semaphore, #tpu.memory_space<semaphore_mem>>
    tpu.wait_indirect_dma semaphore(%dma_wait3A_872 : memref<!tpu.dma_semaphore, #tpu.memory_space<semaphore_mem>>) src(%dma_wait3A_870 : memref<100000x128xf32, #tpu.memory_space<hbm>>) dst(%dma_wait3A_865 : memref<64x128xf32, #tpu.memory_space<vmem>>)
    %add3A_873 = arith.constant 6016 : i32
    %add3A_874 = arith.addi %mul3A_2, %add3A_873 : i32
    %dma_start3A_875 = arith.constant 4 : i32
    %dma_start3A_876 = arith.constant 4 : i32
    %dma_start3A_877 = arith.constant 0 : i32
    %dma_start3A_878 = arith.constant 0 : i32
    %dma_start3A_879 = tpu.memref_slice %arg6[%dma_start3A_875, %dma_start3A_877, %dma_start3A_878] : memref<10x64x128xf32, #tpu.memory_space<vmem>> -> memref<1x64x128xf32, #tpu.memory_space<vmem>>
    %dma_start3A_880 = tpu.memref_squeeze %dma_start3A_879 : memref<1x64x128xf32, #tpu.memory_space<vmem>> -> memref<64x128xf32, #tpu.memory_space<vmem>>
    %dma_start3A_881 = arith.constant 0 : i32
    %dma_start3A_882 = tpu.memref_slice %arg4[%add3A_874, %dma_start3A_881] : memref<204800x128xf32, #tpu.memory_space<hbm>> -> memref<64x128xf32, #tpu.memory_space<hbm>>
    %dma_start3A_883 = tpu.memref_slice %arg8[%dma_start3A_876] : memref<10x!tpu.dma_semaphore, #tpu.memory_space<semaphore_mem>> -> memref<1x!tpu.dma_semaphore, #tpu.memory_space<semaphore_mem>>
    %dma_start3A_884 = tpu.memref_squeeze %dma_start3A_883 : memref<1x!tpu.dma_semaphore, #tpu.memory_space<semaphore_mem>> -> memref<!tpu.dma_semaphore, #tpu.memory_space<semaphore_mem>>
    %dma_start3A_885 = arith.constant 0 : i32
    %dma_start3A_886 = tpu.memref_slice %arg4[%add3A_874, %dma_start3A_885] : memref<204800x128xf32, #tpu.memory_space<hbm>> -> memref<64x128xf32, #tpu.memory_space<hbm>>
    %dma_start3A_887 = arith.constant 0 : i32
    %dma_start3A_888 = arith.constant 0 : i32
    %dma_start3A_889 = tpu.memref_slice %arg6[%dma_start3A_875, %dma_start3A_887, %dma_start3A_888] : memref<10x64x128xf32, #tpu.memory_space<vmem>> -> memref<1x64x128xf32, #tpu.memory_space<vmem>>
    %dma_start3A_890 = tpu.memref_squeeze %dma_start3A_889 : memref<1x64x128xf32, #tpu.memory_space<vmem>> -> memref<64x128xf32, #tpu.memory_space<vmem>>
    tpu.enqueue_dma source(%dma_start3A_890 : memref<64x128xf32, #tpu.memory_space<vmem>>) target(%dma_start3A_886 : memref<64x128xf32, #tpu.memory_space<hbm>>) target_semaphore(%dma_start3A_884 : memref<!tpu.dma_semaphore, #tpu.memory_space<semaphore_mem>>)
    %dma_wait3A_891 = arith.constant 5 : i32
    %dma_wait3A_892 = arith.constant 5 : i32
    %dma_wait3A_893 = arith.constant 0 : i32
    %dma_wait3A_894 = arith.constant 0 : i32
    %dma_wait3A_895 = tpu.memref_slice %arg6[%dma_wait3A_891, %dma_wait3A_893, %dma_wait3A_894] : memref<10x64x128xf32, #tpu.memory_space<vmem>> -> memref<1x64x128xf32, #tpu.memory_space<vmem>>
    %dma_wait3A_896 = tpu.memref_squeeze %dma_wait3A_895 : memref<1x64x128xf32, #tpu.memory_space<vmem>> -> memref<64x128xf32, #tpu.memory_space<vmem>>
    %dma_wait3A_897 = arith.constant 6080 : i32
    %dma_wait3A_898 = tpu.memref_slice %arg5[%dma_wait3A_897] : memref<6400xi32, #tpu.memory_space<vmem>> -> memref<64xi32, #tpu.memory_space<vmem>>
    %dma_wait3A_899 = arith.constant 0 : i32
    %dma_wait3A_900 = arith.constant 0 : i32
    %dma_wait3A_901 = tpu.memref_slice %arg3[%dma_wait3A_899, %dma_wait3A_900] : memref<100000x128xf32, #tpu.memory_space<hbm>> -> memref<100000x128xf32, #tpu.memory_space<hbm>>
    %dma_wait3A_902 = tpu.memref_slice %arg7[%dma_wait3A_892] : memref<10x!tpu.dma_semaphore, #tpu.memory_space<semaphore_mem>> -> memref<1x!tpu.dma_semaphore, #tpu.memory_space<semaphore_mem>>
    %dma_wait3A_903 = tpu.memref_squeeze %dma_wait3A_902 : memref<1x!tpu.dma_semaphore, #tpu.memory_space<semaphore_mem>> -> memref<!tpu.dma_semaphore, #tpu.memory_space<semaphore_mem>>
    tpu.wait_indirect_dma semaphore(%dma_wait3A_903 : memref<!tpu.dma_semaphore, #tpu.memory_space<semaphore_mem>>) src(%dma_wait3A_901 : memref<100000x128xf32, #tpu.memory_space<hbm>>) dst(%dma_wait3A_896 : memref<64x128xf32, #tpu.memory_space<vmem>>)
    %add3A_904 = arith.constant 6080 : i32
    %add3A_905 = arith.addi %mul3A_2, %add3A_904 : i32
    %dma_start3A_906 = arith.constant 5 : i32
    %dma_start3A_907 = arith.constant 5 : i32
    %dma_start3A_908 = arith.constant 0 : i32
    %dma_start3A_909 = arith.constant 0 : i32
    %dma_start3A_910 = tpu.memref_slice %arg6[%dma_start3A_906, %dma_start3A_908, %dma_start3A_909] : memref<10x64x128xf32, #tpu.memory_space<vmem>> -> memref<1x64x128xf32, #tpu.memory_space<vmem>>
    %dma_start3A_911 = tpu.memref_squeeze %dma_start3A_910 : memref<1x64x128xf32, #tpu.memory_space<vmem>> -> memref<64x128xf32, #tpu.memory_space<vmem>>
    %dma_start3A_912 = arith.constant 0 : i32
    %dma_start3A_913 = tpu.memref_slice %arg4[%add3A_905, %dma_start3A_912] : memref<204800x128xf32, #tpu.memory_space<hbm>> -> memref<64x128xf32, #tpu.memory_space<hbm>>
    %dma_start3A_914 = tpu.memref_slice %arg8[%dma_start3A_907] : memref<10x!tpu.dma_semaphore, #tpu.memory_space<semaphore_mem>> -> memref<1x!tpu.dma_semaphore, #tpu.memory_space<semaphore_mem>>
    %dma_start3A_915 = tpu.memref_squeeze %dma_start3A_914 : memref<1x!tpu.dma_semaphore, #tpu.memory_space<semaphore_mem>> -> memref<!tpu.dma_semaphore, #tpu.memory_space<semaphore_mem>>
    %dma_start3A_916 = arith.constant 0 : i32
    %dma_start3A_917 = tpu.memref_slice %arg4[%add3A_905, %dma_start3A_916] : memref<204800x128xf32, #tpu.memory_space<hbm>> -> memref<64x128xf32, #tpu.memory_space<hbm>>
    %dma_start3A_918 = arith.constant 0 : i32
    %dma_start3A_919 = arith.constant 0 : i32
    %dma_start3A_920 = tpu.memref_slice %arg6[%dma_start3A_906, %dma_start3A_918, %dma_start3A_919] : memref<10x64x128xf32, #tpu.memory_space<vmem>> -> memref<1x64x128xf32, #tpu.memory_space<vmem>>
    %dma_start3A_921 = tpu.memref_squeeze %dma_start3A_920 : memref<1x64x128xf32, #tpu.memory_space<vmem>> -> memref<64x128xf32, #tpu.memory_space<vmem>>
    tpu.enqueue_dma source(%dma_start3A_921 : memref<64x128xf32, #tpu.memory_space<vmem>>) target(%dma_start3A_917 : memref<64x128xf32, #tpu.memory_space<hbm>>) target_semaphore(%dma_start3A_915 : memref<!tpu.dma_semaphore, #tpu.memory_space<semaphore_mem>>)
    %dma_wait3A_922 = arith.constant 6 : i32
    %dma_wait3A_923 = arith.constant 6 : i32
    %dma_wait3A_924 = arith.constant 0 : i32
    %dma_wait3A_925 = arith.constant 0 : i32
    %dma_wait3A_926 = tpu.memref_slice %arg6[%dma_wait3A_922, %dma_wait3A_924, %dma_wait3A_925] : memref<10x64x128xf32, #tpu.memory_space<vmem>> -> memref<1x64x128xf32, #tpu.memory_space<vmem>>
    %dma_wait3A_927 = tpu.memref_squeeze %dma_wait3A_926 : memref<1x64x128xf32, #tpu.memory_space<vmem>> -> memref<64x128xf32, #tpu.memory_space<vmem>>
    %dma_wait3A_928 = arith.constant 6144 : i32
    %dma_wait3A_929 = tpu.memref_slice %arg5[%dma_wait3A_928] : memref<6400xi32, #tpu.memory_space<vmem>> -> memref<64xi32, #tpu.memory_space<vmem>>
    %dma_wait3A_930 = arith.constant 0 : i32
    %dma_wait3A_931 = arith.constant 0 : i32
    %dma_wait3A_932 = tpu.memref_slice %arg3[%dma_wait3A_930, %dma_wait3A_931] : memref<100000x128xf32, #tpu.memory_space<hbm>> -> memref<100000x128xf32, #tpu.memory_space<hbm>>
    %dma_wait3A_933 = tpu.memref_slice %arg7[%dma_wait3A_923] : memref<10x!tpu.dma_semaphore, #tpu.memory_space<semaphore_mem>> -> memref<1x!tpu.dma_semaphore, #tpu.memory_space<semaphore_mem>>
    %dma_wait3A_934 = tpu.memref_squeeze %dma_wait3A_933 : memref<1x!tpu.dma_semaphore, #tpu.memory_space<semaphore_mem>> -> memref<!tpu.dma_semaphore, #tpu.memory_space<semaphore_mem>>
    tpu.wait_indirect_dma semaphore(%dma_wait3A_934 : memref<!tpu.dma_semaphore, #tpu.memory_space<semaphore_mem>>) src(%dma_wait3A_932 : memref<100000x128xf32, #tpu.memory_space<hbm>>) dst(%dma_wait3A_927 : memref<64x128xf32, #tpu.memory_space<vmem>>)
    %add3A_935 = arith.constant 6144 : i32
    %add3A_936 = arith.addi %mul3A_2, %add3A_935 : i32
    %dma_start3A_937 = arith.constant 6 : i32
    %dma_start3A_938 = arith.constant 6 : i32
    %dma_start3A_939 = arith.constant 0 : i32
    %dma_start3A_940 = arith.constant 0 : i32
    %dma_start3A_941 = tpu.memref_slice %arg6[%dma_start3A_937, %dma_start3A_939, %dma_start3A_940] : memref<10x64x128xf32, #tpu.memory_space<vmem>> -> memref<1x64x128xf32, #tpu.memory_space<vmem>>
    %dma_start3A_942 = tpu.memref_squeeze %dma_start3A_941 : memref<1x64x128xf32, #tpu.memory_space<vmem>> -> memref<64x128xf32, #tpu.memory_space<vmem>>
    %dma_start3A_943 = arith.constant 0 : i32
    %dma_start3A_944 = tpu.memref_slice %arg4[%add3A_936, %dma_start3A_943] : memref<204800x128xf32, #tpu.memory_space<hbm>> -> memref<64x128xf32, #tpu.memory_space<hbm>>
    %dma_start3A_945 = tpu.memref_slice %arg8[%dma_start3A_938] : memref<10x!tpu.dma_semaphore, #tpu.memory_space<semaphore_mem>> -> memref<1x!tpu.dma_semaphore, #tpu.memory_space<semaphore_mem>>
    %dma_start3A_946 = tpu.memref_squeeze %dma_start3A_945 : memref<1x!tpu.dma_semaphore, #tpu.memory_space<semaphore_mem>> -> memref<!tpu.dma_semaphore, #tpu.memory_space<semaphore_mem>>
    %dma_start3A_947 = arith.constant 0 : i32
    %dma_start3A_948 = tpu.memref_slice %arg4[%add3A_936, %dma_start3A_947] : memref<204800x128xf32, #tpu.memory_space<hbm>> -> memref<64x128xf32, #tpu.memory_space<hbm>>
    %dma_start3A_949 = arith.constant 0 : i32
    %dma_start3A_950 = arith.constant 0 : i32
    %dma_start3A_951 = tpu.memref_slice %arg6[%dma_start3A_937, %dma_start3A_949, %dma_start3A_950] : memref<10x64x128xf32, #tpu.memory_space<vmem>> -> memref<1x64x128xf32, #tpu.memory_space<vmem>>
    %dma_start3A_952 = tpu.memref_squeeze %dma_start3A_951 : memref<1x64x128xf32, #tpu.memory_space<vmem>> -> memref<64x128xf32, #tpu.memory_space<vmem>>
    tpu.enqueue_dma source(%dma_start3A_952 : memref<64x128xf32, #tpu.memory_space<vmem>>) target(%dma_start3A_948 : memref<64x128xf32, #tpu.memory_space<hbm>>) target_semaphore(%dma_start3A_946 : memref<!tpu.dma_semaphore, #tpu.memory_space<semaphore_mem>>)
    %dma_wait3A_953 = arith.constant 7 : i32
    %dma_wait3A_954 = arith.constant 7 : i32
    %dma_wait3A_955 = arith.constant 0 : i32
    %dma_wait3A_956 = arith.constant 0 : i32
    %dma_wait3A_957 = tpu.memref_slice %arg6[%dma_wait3A_953, %dma_wait3A_955, %dma_wait3A_956] : memref<10x64x128xf32, #tpu.memory_space<vmem>> -> memref<1x64x128xf32, #tpu.memory_space<vmem>>
    %dma_wait3A_958 = tpu.memref_squeeze %dma_wait3A_957 : memref<1x64x128xf32, #tpu.memory_space<vmem>> -> memref<64x128xf32, #tpu.memory_space<vmem>>
    %dma_wait3A_959 = arith.constant 6208 : i32
    %dma_wait3A_960 = tpu.memref_slice %arg5[%dma_wait3A_959] : memref<6400xi32, #tpu.memory_space<vmem>> -> memref<64xi32, #tpu.memory_space<vmem>>
    %dma_wait3A_961 = arith.constant 0 : i32
    %dma_wait3A_962 = arith.constant 0 : i32
    %dma_wait3A_963 = tpu.memref_slice %arg3[%dma_wait3A_961, %dma_wait3A_962] : memref<100000x128xf32, #tpu.memory_space<hbm>> -> memref<100000x128xf32, #tpu.memory_space<hbm>>
    %dma_wait3A_964 = tpu.memref_slice %arg7[%dma_wait3A_954] : memref<10x!tpu.dma_semaphore, #tpu.memory_space<semaphore_mem>> -> memref<1x!tpu.dma_semaphore, #tpu.memory_space<semaphore_mem>>
    %dma_wait3A_965 = tpu.memref_squeeze %dma_wait3A_964 : memref<1x!tpu.dma_semaphore, #tpu.memory_space<semaphore_mem>> -> memref<!tpu.dma_semaphore, #tpu.memory_space<semaphore_mem>>
    tpu.wait_indirect_dma semaphore(%dma_wait3A_965 : memref<!tpu.dma_semaphore, #tpu.memory_space<semaphore_mem>>) src(%dma_wait3A_963 : memref<100000x128xf32, #tpu.memory_space<hbm>>) dst(%dma_wait3A_958 : memref<64x128xf32, #tpu.memory_space<vmem>>)
    %add3A_966 = arith.constant 6208 : i32
    %add3A_967 = arith.addi %mul3A_2, %add3A_966 : i32
    %dma_start3A_968 = arith.constant 7 : i32
    %dma_start3A_969 = arith.constant 7 : i32
    %dma_start3A_970 = arith.constant 0 : i32
    %dma_start3A_971 = arith.constant 0 : i32
    %dma_start3A_972 = tpu.memref_slice %arg6[%dma_start3A_968, %dma_start3A_970, %dma_start3A_971] : memref<10x64x128xf32, #tpu.memory_space<vmem>> -> memref<1x64x128xf32, #tpu.memory_space<vmem>>
    %dma_start3A_973 = tpu.memref_squeeze %dma_start3A_972 : memref<1x64x128xf32, #tpu.memory_space<vmem>> -> memref<64x128xf32, #tpu.memory_space<vmem>>
    %dma_start3A_974 = arith.constant 0 : i32
    %dma_start3A_975 = tpu.memref_slice %arg4[%add3A_967, %dma_start3A_974] : memref<204800x128xf32, #tpu.memory_space<hbm>> -> memref<64x128xf32, #tpu.memory_space<hbm>>
    %dma_start3A_976 = tpu.memref_slice %arg8[%dma_start3A_969] : memref<10x!tpu.dma_semaphore, #tpu.memory_space<semaphore_mem>> -> memref<1x!tpu.dma_semaphore, #tpu.memory_space<semaphore_mem>>
    %dma_start3A_977 = tpu.memref_squeeze %dma_start3A_976 : memref<1x!tpu.dma_semaphore, #tpu.memory_space<semaphore_mem>> -> memref<!tpu.dma_semaphore, #tpu.memory_space<semaphore_mem>>
    %dma_start3A_978 = arith.constant 0 : i32
    %dma_start3A_979 = tpu.memref_slice %arg4[%add3A_967, %dma_start3A_978] : memref<204800x128xf32, #tpu.memory_space<hbm>> -> memref<64x128xf32, #tpu.memory_space<hbm>>
    %dma_start3A_980 = arith.constant 0 : i32
    %dma_start3A_981 = arith.constant 0 : i32
    %dma_start3A_982 = tpu.memref_slice %arg6[%dma_start3A_968, %dma_start3A_980, %dma_start3A_981] : memref<10x64x128xf32, #tpu.memory_space<vmem>> -> memref<1x64x128xf32, #tpu.memory_space<vmem>>
    %dma_start3A_983 = tpu.memref_squeeze %dma_start3A_982 : memref<1x64x128xf32, #tpu.memory_space<vmem>> -> memref<64x128xf32, #tpu.memory_space<vmem>>
    tpu.enqueue_dma source(%dma_start3A_983 : memref<64x128xf32, #tpu.memory_space<vmem>>) target(%dma_start3A_979 : memref<64x128xf32, #tpu.memory_space<hbm>>) target_semaphore(%dma_start3A_977 : memref<!tpu.dma_semaphore, #tpu.memory_space<semaphore_mem>>)
    %dma_wait3A_984 = arith.constant 8 : i32
    %dma_wait3A_985 = arith.constant 8 : i32
    %dma_wait3A_986 = arith.constant 0 : i32
    %dma_wait3A_987 = arith.constant 0 : i32
    %dma_wait3A_988 = tpu.memref_slice %arg6[%dma_wait3A_984, %dma_wait3A_986, %dma_wait3A_987] : memref<10x64x128xf32, #tpu.memory_space<vmem>> -> memref<1x64x128xf32, #tpu.memory_space<vmem>>
    %dma_wait3A_989 = tpu.memref_squeeze %dma_wait3A_988 : memref<1x64x128xf32, #tpu.memory_space<vmem>> -> memref<64x128xf32, #tpu.memory_space<vmem>>
    %dma_wait3A_990 = arith.constant 6272 : i32
    %dma_wait3A_991 = tpu.memref_slice %arg5[%dma_wait3A_990] : memref<6400xi32, #tpu.memory_space<vmem>> -> memref<64xi32, #tpu.memory_space<vmem>>
    %dma_wait3A_992 = arith.constant 0 : i32
    %dma_wait3A_993 = arith.constant 0 : i32
    %dma_wait3A_994 = tpu.memref_slice %arg3[%dma_wait3A_992, %dma_wait3A_993] : memref<100000x128xf32, #tpu.memory_space<hbm>> -> memref<100000x128xf32, #tpu.memory_space<hbm>>
    %dma_wait3A_995 = tpu.memref_slice %arg7[%dma_wait3A_985] : memref<10x!tpu.dma_semaphore, #tpu.memory_space<semaphore_mem>> -> memref<1x!tpu.dma_semaphore, #tpu.memory_space<semaphore_mem>>
    %dma_wait3A_996 = tpu.memref_squeeze %dma_wait3A_995 : memref<1x!tpu.dma_semaphore, #tpu.memory_space<semaphore_mem>> -> memref<!tpu.dma_semaphore, #tpu.memory_space<semaphore_mem>>
    tpu.wait_indirect_dma semaphore(%dma_wait3A_996 : memref<!tpu.dma_semaphore, #tpu.memory_space<semaphore_mem>>) src(%dma_wait3A_994 : memref<100000x128xf32, #tpu.memory_space<hbm>>) dst(%dma_wait3A_989 : memref<64x128xf32, #tpu.memory_space<vmem>>)
    %add3A_997 = arith.constant 6272 : i32
    %add3A_998 = arith.addi %mul3A_2, %add3A_997 : i32
    %dma_start3A_999 = arith.constant 8 : i32
    %dma_start3A_1000 = arith.constant 8 : i32
    %dma_start3A_1001 = arith.constant 0 : i32
    %dma_start3A_1002 = arith.constant 0 : i32
    %dma_start3A_1003 = tpu.memref_slice %arg6[%dma_start3A_999, %dma_start3A_1001, %dma_start3A_1002] : memref<10x64x128xf32, #tpu.memory_space<vmem>> -> memref<1x64x128xf32, #tpu.memory_space<vmem>>
    %dma_start3A_1004 = tpu.memref_squeeze %dma_start3A_1003 : memref<1x64x128xf32, #tpu.memory_space<vmem>> -> memref<64x128xf32, #tpu.memory_space<vmem>>
    %dma_start3A_1005 = arith.constant 0 : i32
    %dma_start3A_1006 = tpu.memref_slice %arg4[%add3A_998, %dma_start3A_1005] : memref<204800x128xf32, #tpu.memory_space<hbm>> -> memref<64x128xf32, #tpu.memory_space<hbm>>
    %dma_start3A_1007 = tpu.memref_slice %arg8[%dma_start3A_1000] : memref<10x!tpu.dma_semaphore, #tpu.memory_space<semaphore_mem>> -> memref<1x!tpu.dma_semaphore, #tpu.memory_space<semaphore_mem>>
    %dma_start3A_1008 = tpu.memref_squeeze %dma_start3A_1007 : memref<1x!tpu.dma_semaphore, #tpu.memory_space<semaphore_mem>> -> memref<!tpu.dma_semaphore, #tpu.memory_space<semaphore_mem>>
    %dma_start3A_1009 = arith.constant 0 : i32
    %dma_start3A_1010 = tpu.memref_slice %arg4[%add3A_998, %dma_start3A_1009] : memref<204800x128xf32, #tpu.memory_space<hbm>> -> memref<64x128xf32, #tpu.memory_space<hbm>>
    %dma_start3A_1011 = arith.constant 0 : i32
    %dma_start3A_1012 = arith.constant 0 : i32
    %dma_start3A_1013 = tpu.memref_slice %arg6[%dma_start3A_999, %dma_start3A_1011, %dma_start3A_1012] : memref<10x64x128xf32, #tpu.memory_space<vmem>> -> memref<1x64x128xf32, #tpu.memory_space<vmem>>
    %dma_start3A_1014 = tpu.memref_squeeze %dma_start3A_1013 : memref<1x64x128xf32, #tpu.memory_space<vmem>> -> memref<64x128xf32, #tpu.memory_space<vmem>>
    tpu.enqueue_dma source(%dma_start3A_1014 : memref<64x128xf32, #tpu.memory_space<vmem>>) target(%dma_start3A_1010 : memref<64x128xf32, #tpu.memory_space<hbm>>) target_semaphore(%dma_start3A_1008 : memref<!tpu.dma_semaphore, #tpu.memory_space<semaphore_mem>>)
    %dma_wait3A_1015 = arith.constant 9 : i32
    %dma_wait3A_1016 = arith.constant 9 : i32
    %dma_wait3A_1017 = arith.constant 0 : i32
    %dma_wait3A_1018 = arith.constant 0 : i32
    %dma_wait3A_1019 = tpu.memref_slice %arg6[%dma_wait3A_1015, %dma_wait3A_1017, %dma_wait3A_1018] : memref<10x64x128xf32, #tpu.memory_space<vmem>> -> memref<1x64x128xf32, #tpu.memory_space<vmem>>
    %dma_wait3A_1020 = tpu.memref_squeeze %dma_wait3A_1019 : memref<1x64x128xf32, #tpu.memory_space<vmem>> -> memref<64x128xf32, #tpu.memory_space<vmem>>
    %dma_wait3A_1021 = arith.constant 6336 : i32
    %dma_wait3A_1022 = tpu.memref_slice %arg5[%dma_wait3A_1021] : memref<6400xi32, #tpu.memory_space<vmem>> -> memref<64xi32, #tpu.memory_space<vmem>>
    %dma_wait3A_1023 = arith.constant 0 : i32
    %dma_wait3A_1024 = arith.constant 0 : i32
    %dma_wait3A_1025 = tpu.memref_slice %arg3[%dma_wait3A_1023, %dma_wait3A_1024] : memref<100000x128xf32, #tpu.memory_space<hbm>> -> memref<100000x128xf32, #tpu.memory_space<hbm>>
    %dma_wait3A_1026 = tpu.memref_slice %arg7[%dma_wait3A_1016] : memref<10x!tpu.dma_semaphore, #tpu.memory_space<semaphore_mem>> -> memref<1x!tpu.dma_semaphore, #tpu.memory_space<semaphore_mem>>
    %dma_wait3A_1027 = tpu.memref_squeeze %dma_wait3A_1026 : memref<1x!tpu.dma_semaphore, #tpu.memory_space<semaphore_mem>> -> memref<!tpu.dma_semaphore, #tpu.memory_space<semaphore_mem>>
    tpu.wait_indirect_dma semaphore(%dma_wait3A_1027 : memref<!tpu.dma_semaphore, #tpu.memory_space<semaphore_mem>>) src(%dma_wait3A_1025 : memref<100000x128xf32, #tpu.memory_space<hbm>>) dst(%dma_wait3A_1020 : memref<64x128xf32, #tpu.memory_space<vmem>>)
    %add3A_1028 = arith.constant 6336 : i32
    %add3A_1029 = arith.addi %mul3A_2, %add3A_1028 : i32
    %dma_start3A_1030 = arith.constant 9 : i32
    %dma_start3A_1031 = arith.constant 9 : i32
    %dma_start3A_1032 = arith.constant 0 : i32
    %dma_start3A_1033 = arith.constant 0 : i32
    %dma_start3A_1034 = tpu.memref_slice %arg6[%dma_start3A_1030, %dma_start3A_1032, %dma_start3A_1033] : memref<10x64x128xf32, #tpu.memory_space<vmem>> -> memref<1x64x128xf32, #tpu.memory_space<vmem>>
    %dma_start3A_1035 = tpu.memref_squeeze %dma_start3A_1034 : memref<1x64x128xf32, #tpu.memory_space<vmem>> -> memref<64x128xf32, #tpu.memory_space<vmem>>
    %dma_start3A_1036 = arith.constant 0 : i32
    %dma_start3A_1037 = tpu.memref_slice %arg4[%add3A_1029, %dma_start3A_1036] : memref<204800x128xf32, #tpu.memory_space<hbm>> -> memref<64x128xf32, #tpu.memory_space<hbm>>
    %dma_start3A_1038 = tpu.memref_slice %arg8[%dma_start3A_1031] : memref<10x!tpu.dma_semaphore, #tpu.memory_space<semaphore_mem>> -> memref<1x!tpu.dma_semaphore, #tpu.memory_space<semaphore_mem>>
    %dma_start3A_1039 = tpu.memref_squeeze %dma_start3A_1038 : memref<1x!tpu.dma_semaphore, #tpu.memory_space<semaphore_mem>> -> memref<!tpu.dma_semaphore, #tpu.memory_space<semaphore_mem>>
    %dma_start3A_1040 = arith.constant 0 : i32
    %dma_start3A_1041 = tpu.memref_slice %arg4[%add3A_1029, %dma_start3A_1040] : memref<204800x128xf32, #tpu.memory_space<hbm>> -> memref<64x128xf32, #tpu.memory_space<hbm>>
    %dma_start3A_1042 = arith.constant 0 : i32
    %dma_start3A_1043 = arith.constant 0 : i32
    %dma_start3A_1044 = tpu.memref_slice %arg6[%dma_start3A_1030, %dma_start3A_1042, %dma_start3A_1043] : memref<10x64x128xf32, #tpu.memory_space<vmem>> -> memref<1x64x128xf32, #tpu.memory_space<vmem>>
    %dma_start3A_1045 = tpu.memref_squeeze %dma_start3A_1044 : memref<1x64x128xf32, #tpu.memory_space<vmem>> -> memref<64x128xf32, #tpu.memory_space<vmem>>
    tpu.enqueue_dma source(%dma_start3A_1045 : memref<64x128xf32, #tpu.memory_space<vmem>>) target(%dma_start3A_1041 : memref<64x128xf32, #tpu.memory_space<hbm>>) target_semaphore(%dma_start3A_1039 : memref<!tpu.dma_semaphore, #tpu.memory_space<semaphore_mem>>)
    %dma_wait3A_1046 = arith.constant 0 : i32
    %dma_wait3A_1047 = arith.constant 0 : i32
    %dma_wait3A_1048 = arith.constant 0 : i32
    %dma_wait3A_1049 = arith.constant 0 : i32
    %dma_wait3A_1050 = tpu.memref_slice %arg6[%dma_wait3A_1046, %dma_wait3A_1048, %dma_wait3A_1049] : memref<10x64x128xf32, #tpu.memory_space<vmem>> -> memref<1x64x128xf32, #tpu.memory_space<vmem>>
    %dma_wait3A_1051 = tpu.memref_squeeze %dma_wait3A_1050 : memref<1x64x128xf32, #tpu.memory_space<vmem>> -> memref<64x128xf32, #tpu.memory_space<vmem>>
    %dma_wait3A_1052 = arith.constant 0 : i32
    %dma_wait3A_1053 = tpu.memref_slice %arg4[%mul3A_2, %dma_wait3A_1052] : memref<204800x128xf32, #tpu.memory_space<hbm>> -> memref<64x128xf32, #tpu.memory_space<hbm>>
    %dma_wait3A_1054 = tpu.memref_slice %arg8[%dma_wait3A_1047] : memref<10x!tpu.dma_semaphore, #tpu.memory_space<semaphore_mem>> -> memref<1x!tpu.dma_semaphore, #tpu.memory_space<semaphore_mem>>
    %dma_wait3A_1055 = tpu.memref_squeeze %dma_wait3A_1054 : memref<1x!tpu.dma_semaphore, #tpu.memory_space<semaphore_mem>> -> memref<!tpu.dma_semaphore, #tpu.memory_space<semaphore_mem>>
    %dma_wait3A_1056 = arith.constant 0 : i32
    %dma_wait3A_1057 = tpu.memref_slice %arg4[%mul3A_2, %dma_wait3A_1056] : memref<204800x128xf32, #tpu.memory_space<hbm>> -> memref<64x128xf32, #tpu.memory_space<hbm>>
    %dma_wait3A_1058 = arith.constant 0 : i32
    %dma_wait3A_1059 = arith.constant 0 : i32
    %dma_wait3A_1060 = tpu.memref_slice %arg6[%dma_wait3A_1046, %dma_wait3A_1058, %dma_wait3A_1059] : memref<10x64x128xf32, #tpu.memory_space<vmem>> -> memref<1x64x128xf32, #tpu.memory_space<vmem>>
    %dma_wait3A_1061 = tpu.memref_squeeze %dma_wait3A_1060 : memref<1x64x128xf32, #tpu.memory_space<vmem>> -> memref<64x128xf32, #tpu.memory_space<vmem>>
    tpu.wait_dma2 semaphore(%dma_wait3A_1055 : memref<!tpu.dma_semaphore, #tpu.memory_space<semaphore_mem>>) src(%dma_wait3A_1061 : memref<64x128xf32, #tpu.memory_space<vmem>>) dst(%dma_wait3A_1057 : memref<64x128xf32, #tpu.memory_space<hbm>>)
    %dma_wait3A_1062 = arith.constant 1 : i32
    %dma_wait3A_1063 = arith.constant 1 : i32
    %dma_wait3A_1064 = arith.constant 0 : i32
    %dma_wait3A_1065 = arith.constant 0 : i32
    %dma_wait3A_1066 = tpu.memref_slice %arg6[%dma_wait3A_1062, %dma_wait3A_1064, %dma_wait3A_1065] : memref<10x64x128xf32, #tpu.memory_space<vmem>> -> memref<1x64x128xf32, #tpu.memory_space<vmem>>
    %dma_wait3A_1067 = tpu.memref_squeeze %dma_wait3A_1066 : memref<1x64x128xf32, #tpu.memory_space<vmem>> -> memref<64x128xf32, #tpu.memory_space<vmem>>
    %dma_wait3A_1068 = arith.constant 0 : i32
    %dma_wait3A_1069 = tpu.memref_slice %arg4[%mul3A_2, %dma_wait3A_1068] : memref<204800x128xf32, #tpu.memory_space<hbm>> -> memref<64x128xf32, #tpu.memory_space<hbm>>
    %dma_wait3A_1070 = tpu.memref_slice %arg8[%dma_wait3A_1063] : memref<10x!tpu.dma_semaphore, #tpu.memory_space<semaphore_mem>> -> memref<1x!tpu.dma_semaphore, #tpu.memory_space<semaphore_mem>>
    %dma_wait3A_1071 = tpu.memref_squeeze %dma_wait3A_1070 : memref<1x!tpu.dma_semaphore, #tpu.memory_space<semaphore_mem>> -> memref<!tpu.dma_semaphore, #tpu.memory_space<semaphore_mem>>
    %dma_wait3A_1072 = arith.constant 0 : i32
    %dma_wait3A_1073 = tpu.memref_slice %arg4[%mul3A_2, %dma_wait3A_1072] : memref<204800x128xf32, #tpu.memory_space<hbm>> -> memref<64x128xf32, #tpu.memory_space<hbm>>
    %dma_wait3A_1074 = arith.constant 0 : i32
    %dma_wait3A_1075 = arith.constant 0 : i32
    %dma_wait3A_1076 = tpu.memref_slice %arg6[%dma_wait3A_1062, %dma_wait3A_1074, %dma_wait3A_1075] : memref<10x64x128xf32, #tpu.memory_space<vmem>> -> memref<1x64x128xf32, #tpu.memory_space<vmem>>
    %dma_wait3A_1077 = tpu.memref_squeeze %dma_wait3A_1076 : memref<1x64x128xf32, #tpu.memory_space<vmem>> -> memref<64x128xf32, #tpu.memory_space<vmem>>
    tpu.wait_dma2 semaphore(%dma_wait3A_1071 : memref<!tpu.dma_semaphore, #tpu.memory_space<semaphore_mem>>) src(%dma_wait3A_1077 : memref<64x128xf32, #tpu.memory_space<vmem>>) dst(%dma_wait3A_1073 : memref<64x128xf32, #tpu.memory_space<hbm>>)
    %dma_wait3A_1078 = arith.constant 2 : i32
    %dma_wait3A_1079 = arith.constant 2 : i32
    %dma_wait3A_1080 = arith.constant 0 : i32
    %dma_wait3A_1081 = arith.constant 0 : i32
    %dma_wait3A_1082 = tpu.memref_slice %arg6[%dma_wait3A_1078, %dma_wait3A_1080, %dma_wait3A_1081] : memref<10x64x128xf32, #tpu.memory_space<vmem>> -> memref<1x64x128xf32, #tpu.memory_space<vmem>>
    %dma_wait3A_1083 = tpu.memref_squeeze %dma_wait3A_1082 : memref<1x64x128xf32, #tpu.memory_space<vmem>> -> memref<64x128xf32, #tpu.memory_space<vmem>>
    %dma_wait3A_1084 = arith.constant 0 : i32
    %dma_wait3A_1085 = tpu.memref_slice %arg4[%mul3A_2, %dma_wait3A_1084] : memref<204800x128xf32, #tpu.memory_space<hbm>> -> memref<64x128xf32, #tpu.memory_space<hbm>>
    %dma_wait3A_1086 = tpu.memref_slice %arg8[%dma_wait3A_1079] : memref<10x!tpu.dma_semaphore, #tpu.memory_space<semaphore_mem>> -> memref<1x!tpu.dma_semaphore, #tpu.memory_space<semaphore_mem>>
    %dma_wait3A_1087 = tpu.memref_squeeze %dma_wait3A_1086 : memref<1x!tpu.dma_semaphore, #tpu.memory_space<semaphore_mem>> -> memref<!tpu.dma_semaphore, #tpu.memory_space<semaphore_mem>>
    %dma_wait3A_1088 = arith.constant 0 : i32
    %dma_wait3A_1089 = tpu.memref_slice %arg4[%mul3A_2, %dma_wait3A_1088] : memref<204800x128xf32, #tpu.memory_space<hbm>> -> memref<64x128xf32, #tpu.memory_space<hbm>>
    %dma_wait3A_1090 = arith.constant 0 : i32
    %dma_wait3A_1091 = arith.constant 0 : i32
    %dma_wait3A_1092 = tpu.memref_slice %arg6[%dma_wait3A_1078, %dma_wait3A_1090, %dma_wait3A_1091] : memref<10x64x128xf32, #tpu.memory_space<vmem>> -> memref<1x64x128xf32, #tpu.memory_space<vmem>>
    %dma_wait3A_1093 = tpu.memref_squeeze %dma_wait3A_1092 : memref<1x64x128xf32, #tpu.memory_space<vmem>> -> memref<64x128xf32, #tpu.memory_space<vmem>>
    tpu.wait_dma2 semaphore(%dma_wait3A_1087 : memref<!tpu.dma_semaphore, #tpu.memory_space<semaphore_mem>>) src(%dma_wait3A_1093 : memref<64x128xf32, #tpu.memory_space<vmem>>) dst(%dma_wait3A_1089 : memref<64x128xf32, #tpu.memory_space<hbm>>)
    %dma_wait3A_1094 = arith.constant 3 : i32
    %dma_wait3A_1095 = arith.constant 3 : i32
    %dma_wait3A_1096 = arith.constant 0 : i32
    %dma_wait3A_1097 = arith.constant 0 : i32
    %dma_wait3A_1098 = tpu.memref_slice %arg6[%dma_wait3A_1094, %dma_wait3A_1096, %dma_wait3A_1097] : memref<10x64x128xf32, #tpu.memory_space<vmem>> -> memref<1x64x128xf32, #tpu.memory_space<vmem>>
    %dma_wait3A_1099 = tpu.memref_squeeze %dma_wait3A_1098 : memref<1x64x128xf32, #tpu.memory_space<vmem>> -> memref<64x128xf32, #tpu.memory_space<vmem>>
    %dma_wait3A_1100 = arith.constant 0 : i32
    %dma_wait3A_1101 = tpu.memref_slice %arg4[%mul3A_2, %dma_wait3A_1100] : memref<204800x128xf32, #tpu.memory_space<hbm>> -> memref<64x128xf32, #tpu.memory_space<hbm>>
    %dma_wait3A_1102 = tpu.memref_slice %arg8[%dma_wait3A_1095] : memref<10x!tpu.dma_semaphore, #tpu.memory_space<semaphore_mem>> -> memref<1x!tpu.dma_semaphore, #tpu.memory_space<semaphore_mem>>
    %dma_wait3A_1103 = tpu.memref_squeeze %dma_wait3A_1102 : memref<1x!tpu.dma_semaphore, #tpu.memory_space<semaphore_mem>> -> memref<!tpu.dma_semaphore, #tpu.memory_space<semaphore_mem>>
    %dma_wait3A_1104 = arith.constant 0 : i32
    %dma_wait3A_1105 = tpu.memref_slice %arg4[%mul3A_2, %dma_wait3A_1104] : memref<204800x128xf32, #tpu.memory_space<hbm>> -> memref<64x128xf32, #tpu.memory_space<hbm>>
    %dma_wait3A_1106 = arith.constant 0 : i32
    %dma_wait3A_1107 = arith.constant 0 : i32
    %dma_wait3A_1108 = tpu.memref_slice %arg6[%dma_wait3A_1094, %dma_wait3A_1106, %dma_wait3A_1107] : memref<10x64x128xf32, #tpu.memory_space<vmem>> -> memref<1x64x128xf32, #tpu.memory_space<vmem>>
    %dma_wait3A_1109 = tpu.memref_squeeze %dma_wait3A_1108 : memref<1x64x128xf32, #tpu.memory_space<vmem>> -> memref<64x128xf32, #tpu.memory_space<vmem>>
    tpu.wait_dma2 semaphore(%dma_wait3A_1103 : memref<!tpu.dma_semaphore, #tpu.memory_space<semaphore_mem>>) src(%dma_wait3A_1109 : memref<64x128xf32, #tpu.memory_space<vmem>>) dst(%dma_wait3A_1105 : memref<64x128xf32, #tpu.memory_space<hbm>>)
    %dma_wait3A_1110 = arith.constant 4 : i32
    %dma_wait3A_1111 = arith.constant 4 : i32
    %dma_wait3A_1112 = arith.constant 0 : i32
    %dma_wait3A_1113 = arith.constant 0 : i32
    %dma_wait3A_1114 = tpu.memref_slice %arg6[%dma_wait3A_1110, %dma_wait3A_1112, %dma_wait3A_1113] : memref<10x64x128xf32, #tpu.memory_space<vmem>> -> memref<1x64x128xf32, #tpu.memory_space<vmem>>
    %dma_wait3A_1115 = tpu.memref_squeeze %dma_wait3A_1114 : memref<1x64x128xf32, #tpu.memory_space<vmem>> -> memref<64x128xf32, #tpu.memory_space<vmem>>
    %dma_wait3A_1116 = arith.constant 0 : i32
    %dma_wait3A_1117 = tpu.memref_slice %arg4[%mul3A_2, %dma_wait3A_1116] : memref<204800x128xf32, #tpu.memory_space<hbm>> -> memref<64x128xf32, #tpu.memory_space<hbm>>
    %dma_wait3A_1118 = tpu.memref_slice %arg8[%dma_wait3A_1111] : memref<10x!tpu.dma_semaphore, #tpu.memory_space<semaphore_mem>> -> memref<1x!tpu.dma_semaphore, #tpu.memory_space<semaphore_mem>>
    %dma_wait3A_1119 = tpu.memref_squeeze %dma_wait3A_1118 : memref<1x!tpu.dma_semaphore, #tpu.memory_space<semaphore_mem>> -> memref<!tpu.dma_semaphore, #tpu.memory_space<semaphore_mem>>
    %dma_wait3A_1120 = arith.constant 0 : i32
    %dma_wait3A_1121 = tpu.memref_slice %arg4[%mul3A_2, %dma_wait3A_1120] : memref<204800x128xf32, #tpu.memory_space<hbm>> -> memref<64x128xf32, #tpu.memory_space<hbm>>
    %dma_wait3A_1122 = arith.constant 0 : i32
    %dma_wait3A_1123 = arith.constant 0 : i32
    %dma_wait3A_1124 = tpu.memref_slice %arg6[%dma_wait3A_1110, %dma_wait3A_1122, %dma_wait3A_1123] : memref<10x64x128xf32, #tpu.memory_space<vmem>> -> memref<1x64x128xf32, #tpu.memory_space<vmem>>
    %dma_wait3A_1125 = tpu.memref_squeeze %dma_wait3A_1124 : memref<1x64x128xf32, #tpu.memory_space<vmem>> -> memref<64x128xf32, #tpu.memory_space<vmem>>
    tpu.wait_dma2 semaphore(%dma_wait3A_1119 : memref<!tpu.dma_semaphore, #tpu.memory_space<semaphore_mem>>) src(%dma_wait3A_1125 : memref<64x128xf32, #tpu.memory_space<vmem>>) dst(%dma_wait3A_1121 : memref<64x128xf32, #tpu.memory_space<hbm>>)
    %dma_wait3A_1126 = arith.constant 5 : i32
    %dma_wait3A_1127 = arith.constant 5 : i32
    %dma_wait3A_1128 = arith.constant 0 : i32
    %dma_wait3A_1129 = arith.constant 0 : i32
    %dma_wait3A_1130 = tpu.memref_slice %arg6[%dma_wait3A_1126, %dma_wait3A_1128, %dma_wait3A_1129] : memref<10x64x128xf32, #tpu.memory_space<vmem>> -> memref<1x64x128xf32, #tpu.memory_space<vmem>>
    %dma_wait3A_1131 = tpu.memref_squeeze %dma_wait3A_1130 : memref<1x64x128xf32, #tpu.memory_space<vmem>> -> memref<64x128xf32, #tpu.memory_space<vmem>>
    %dma_wait3A_1132 = arith.constant 0 : i32
    %dma_wait3A_1133 = tpu.memref_slice %arg4[%mul3A_2, %dma_wait3A_1132] : memref<204800x128xf32, #tpu.memory_space<hbm>> -> memref<64x128xf32, #tpu.memory_space<hbm>>
    %dma_wait3A_1134 = tpu.memref_slice %arg8[%dma_wait3A_1127] : memref<10x!tpu.dma_semaphore, #tpu.memory_space<semaphore_mem>> -> memref<1x!tpu.dma_semaphore, #tpu.memory_space<semaphore_mem>>
    %dma_wait3A_1135 = tpu.memref_squeeze %dma_wait3A_1134 : memref<1x!tpu.dma_semaphore, #tpu.memory_space<semaphore_mem>> -> memref<!tpu.dma_semaphore, #tpu.memory_space<semaphore_mem>>
    %dma_wait3A_1136 = arith.constant 0 : i32
    %dma_wait3A_1137 = tpu.memref_slice %arg4[%mul3A_2, %dma_wait3A_1136] : memref<204800x128xf32, #tpu.memory_space<hbm>> -> memref<64x128xf32, #tpu.memory_space<hbm>>
    %dma_wait3A_1138 = arith.constant 0 : i32
    %dma_wait3A_1139 = arith.constant 0 : i32
    %dma_wait3A_1140 = tpu.memref_slice %arg6[%dma_wait3A_1126, %dma_wait3A_1138, %dma_wait3A_1139] : memref<10x64x128xf32, #tpu.memory_space<vmem>> -> memref<1x64x128xf32, #tpu.memory_space<vmem>>
    %dma_wait3A_1141 = tpu.memref_squeeze %dma_wait3A_1140 : memref<1x64x128xf32, #tpu.memory_space<vmem>> -> memref<64x128xf32, #tpu.memory_space<vmem>>
    tpu.wait_dma2 semaphore(%dma_wait3A_1135 : memref<!tpu.dma_semaphore, #tpu.memory_space<semaphore_mem>>) src(%dma_wait3A_1141 : memref<64x128xf32, #tpu.memory_space<vmem>>) dst(%dma_wait3A_1137 : memref<64x128xf32, #tpu.memory_space<hbm>>)
    %dma_wait3A_1142 = arith.constant 6 : i32
    %dma_wait3A_1143 = arith.constant 6 : i32
    %dma_wait3A_1144 = arith.constant 0 : i32
    %dma_wait3A_1145 = arith.constant 0 : i32
    %dma_wait3A_1146 = tpu.memref_slice %arg6[%dma_wait3A_1142, %dma_wait3A_1144, %dma_wait3A_1145] : memref<10x64x128xf32, #tpu.memory_space<vmem>> -> memref<1x64x128xf32, #tpu.memory_space<vmem>>
    %dma_wait3A_1147 = tpu.memref_squeeze %dma_wait3A_1146 : memref<1x64x128xf32, #tpu.memory_space<vmem>> -> memref<64x128xf32, #tpu.memory_space<vmem>>
    %dma_wait3A_1148 = arith.constant 0 : i32
    %dma_wait3A_1149 = tpu.memref_slice %arg4[%mul3A_2, %dma_wait3A_1148] : memref<204800x128xf32, #tpu.memory_space<hbm>> -> memref<64x128xf32, #tpu.memory_space<hbm>>
    %dma_wait3A_1150 = tpu.memref_slice %arg8[%dma_wait3A_1143] : memref<10x!tpu.dma_semaphore, #tpu.memory_space<semaphore_mem>> -> memref<1x!tpu.dma_semaphore, #tpu.memory_space<semaphore_mem>>
    %dma_wait3A_1151 = tpu.memref_squeeze %dma_wait3A_1150 : memref<1x!tpu.dma_semaphore, #tpu.memory_space<semaphore_mem>> -> memref<!tpu.dma_semaphore, #tpu.memory_space<semaphore_mem>>
    %dma_wait3A_1152 = arith.constant 0 : i32
    %dma_wait3A_1153 = tpu.memref_slice %arg4[%mul3A_2, %dma_wait3A_1152] : memref<204800x128xf32, #tpu.memory_space<hbm>> -> memref<64x128xf32, #tpu.memory_space<hbm>>
    %dma_wait3A_1154 = arith.constant 0 : i32
    %dma_wait3A_1155 = arith.constant 0 : i32
    %dma_wait3A_1156 = tpu.memref_slice %arg6[%dma_wait3A_1142, %dma_wait3A_1154, %dma_wait3A_1155] : memref<10x64x128xf32, #tpu.memory_space<vmem>> -> memref<1x64x128xf32, #tpu.memory_space<vmem>>
    %dma_wait3A_1157 = tpu.memref_squeeze %dma_wait3A_1156 : memref<1x64x128xf32, #tpu.memory_space<vmem>> -> memref<64x128xf32, #tpu.memory_space<vmem>>
    tpu.wait_dma2 semaphore(%dma_wait3A_1151 : memref<!tpu.dma_semaphore, #tpu.memory_space<semaphore_mem>>) src(%dma_wait3A_1157 : memref<64x128xf32, #tpu.memory_space<vmem>>) dst(%dma_wait3A_1153 : memref<64x128xf32, #tpu.memory_space<hbm>>)
    %dma_wait3A_1158 = arith.constant 7 : i32
    %dma_wait3A_1159 = arith.constant 7 : i32
    %dma_wait3A_1160 = arith.constant 0 : i32
    %dma_wait3A_1161 = arith.constant 0 : i32
    %dma_wait3A_1162 = tpu.memref_slice %arg6[%dma_wait3A_1158, %dma_wait3A_1160, %dma_wait3A_1161] : memref<10x64x128xf32, #tpu.memory_space<vmem>> -> memref<1x64x128xf32, #tpu.memory_space<vmem>>
    %dma_wait3A_1163 = tpu.memref_squeeze %dma_wait3A_1162 : memref<1x64x128xf32, #tpu.memory_space<vmem>> -> memref<64x128xf32, #tpu.memory_space<vmem>>
    %dma_wait3A_1164 = arith.constant 0 : i32
    %dma_wait3A_1165 = tpu.memref_slice %arg4[%mul3A_2, %dma_wait3A_1164] : memref<204800x128xf32, #tpu.memory_space<hbm>> -> memref<64x128xf32, #tpu.memory_space<hbm>>
    %dma_wait3A_1166 = tpu.memref_slice %arg8[%dma_wait3A_1159] : memref<10x!tpu.dma_semaphore, #tpu.memory_space<semaphore_mem>> -> memref<1x!tpu.dma_semaphore, #tpu.memory_space<semaphore_mem>>
    %dma_wait3A_1167 = tpu.memref_squeeze %dma_wait3A_1166 : memref<1x!tpu.dma_semaphore, #tpu.memory_space<semaphore_mem>> -> memref<!tpu.dma_semaphore, #tpu.memory_space<semaphore_mem>>
    %dma_wait3A_1168 = arith.constant 0 : i32
    %dma_wait3A_1169 = tpu.memref_slice %arg4[%mul3A_2, %dma_wait3A_1168] : memref<204800x128xf32, #tpu.memory_space<hbm>> -> memref<64x128xf32, #tpu.memory_space<hbm>>
    %dma_wait3A_1170 = arith.constant 0 : i32
    %dma_wait3A_1171 = arith.constant 0 : i32
    %dma_wait3A_1172 = tpu.memref_slice %arg6[%dma_wait3A_1158, %dma_wait3A_1170, %dma_wait3A_1171] : memref<10x64x128xf32, #tpu.memory_space<vmem>> -> memref<1x64x128xf32, #tpu.memory_space<vmem>>
    %dma_wait3A_1173 = tpu.memref_squeeze %dma_wait3A_1172 : memref<1x64x128xf32, #tpu.memory_space<vmem>> -> memref<64x128xf32, #tpu.memory_space<vmem>>
    tpu.wait_dma2 semaphore(%dma_wait3A_1167 : memref<!tpu.dma_semaphore, #tpu.memory_space<semaphore_mem>>) src(%dma_wait3A_1173 : memref<64x128xf32, #tpu.memory_space<vmem>>) dst(%dma_wait3A_1169 : memref<64x128xf32, #tpu.memory_space<hbm>>)
    %dma_wait3A_1174 = arith.constant 8 : i32
    %dma_wait3A_1175 = arith.constant 8 : i32
    %dma_wait3A_1176 = arith.constant 0 : i32
    %dma_wait3A_1177 = arith.constant 0 : i32
    %dma_wait3A_1178 = tpu.memref_slice %arg6[%dma_wait3A_1174, %dma_wait3A_1176, %dma_wait3A_1177] : memref<10x64x128xf32, #tpu.memory_space<vmem>> -> memref<1x64x128xf32, #tpu.memory_space<vmem>>
    %dma_wait3A_1179 = tpu.memref_squeeze %dma_wait3A_1178 : memref<1x64x128xf32, #tpu.memory_space<vmem>> -> memref<64x128xf32, #tpu.memory_space<vmem>>
    %dma_wait3A_1180 = arith.constant 0 : i32
    %dma_wait3A_1181 = tpu.memref_slice %arg4[%mul3A_2, %dma_wait3A_1180] : memref<204800x128xf32, #tpu.memory_space<hbm>> -> memref<64x128xf32, #tpu.memory_space<hbm>>
    %dma_wait3A_1182 = tpu.memref_slice %arg8[%dma_wait3A_1175] : memref<10x!tpu.dma_semaphore, #tpu.memory_space<semaphore_mem>> -> memref<1x!tpu.dma_semaphore, #tpu.memory_space<semaphore_mem>>
    %dma_wait3A_1183 = tpu.memref_squeeze %dma_wait3A_1182 : memref<1x!tpu.dma_semaphore, #tpu.memory_space<semaphore_mem>> -> memref<!tpu.dma_semaphore, #tpu.memory_space<semaphore_mem>>
    %dma_wait3A_1184 = arith.constant 0 : i32
    %dma_wait3A_1185 = tpu.memref_slice %arg4[%mul3A_2, %dma_wait3A_1184] : memref<204800x128xf32, #tpu.memory_space<hbm>> -> memref<64x128xf32, #tpu.memory_space<hbm>>
    %dma_wait3A_1186 = arith.constant 0 : i32
    %dma_wait3A_1187 = arith.constant 0 : i32
    %dma_wait3A_1188 = tpu.memref_slice %arg6[%dma_wait3A_1174, %dma_wait3A_1186, %dma_wait3A_1187] : memref<10x64x128xf32, #tpu.memory_space<vmem>> -> memref<1x64x128xf32, #tpu.memory_space<vmem>>
    %dma_wait3A_1189 = tpu.memref_squeeze %dma_wait3A_1188 : memref<1x64x128xf32, #tpu.memory_space<vmem>> -> memref<64x128xf32, #tpu.memory_space<vmem>>
    tpu.wait_dma2 semaphore(%dma_wait3A_1183 : memref<!tpu.dma_semaphore, #tpu.memory_space<semaphore_mem>>) src(%dma_wait3A_1189 : memref<64x128xf32, #tpu.memory_space<vmem>>) dst(%dma_wait3A_1185 : memref<64x128xf32, #tpu.memory_space<hbm>>)
    %dma_wait3A_1190 = arith.constant 9 : i32
    %dma_wait3A_1191 = arith.constant 9 : i32
    %dma_wait3A_1192 = arith.constant 0 : i32
    %dma_wait3A_1193 = arith.constant 0 : i32
    %dma_wait3A_1194 = tpu.memref_slice %arg6[%dma_wait3A_1190, %dma_wait3A_1192, %dma_wait3A_1193] : memref<10x64x128xf32, #tpu.memory_space<vmem>> -> memref<1x64x128xf32, #tpu.memory_space<vmem>>
    %dma_wait3A_1195 = tpu.memref_squeeze %dma_wait3A_1194 : memref<1x64x128xf32, #tpu.memory_space<vmem>> -> memref<64x128xf32, #tpu.memory_space<vmem>>
    %dma_wait3A_1196 = arith.constant 0 : i32
    %dma_wait3A_1197 = tpu.memref_slice %arg4[%mul3A_2, %dma_wait3A_1196] : memref<204800x128xf32, #tpu.memory_space<hbm>> -> memref<64x128xf32, #tpu.memory_space<hbm>>
    %dma_wait3A_1198 = tpu.memref_slice %arg8[%dma_wait3A_1191] : memref<10x!tpu.dma_semaphore, #tpu.memory_space<semaphore_mem>> -> memref<1x!tpu.dma_semaphore, #tpu.memory_space<semaphore_mem>>
    %dma_wait3A_1199 = tpu.memref_squeeze %dma_wait3A_1198 : memref<1x!tpu.dma_semaphore, #tpu.memory_space<semaphore_mem>> -> memref<!tpu.dma_semaphore, #tpu.memory_space<semaphore_mem>>
    %dma_wait3A_1200 = arith.constant 0 : i32
    %dma_wait3A_1201 = tpu.memref_slice %arg4[%mul3A_2, %dma_wait3A_1200] : memref<204800x128xf32, #tpu.memory_space<hbm>> -> memref<64x128xf32, #tpu.memory_space<hbm>>
    %dma_wait3A_1202 = arith.constant 0 : i32
    %dma_wait3A_1203 = arith.constant 0 : i32
    %dma_wait3A_1204 = tpu.memref_slice %arg6[%dma_wait3A_1190, %dma_wait3A_1202, %dma_wait3A_1203] : memref<10x64x128xf32, #tpu.memory_space<vmem>> -> memref<1x64x128xf32, #tpu.memory_space<vmem>>
    %dma_wait3A_1205 = tpu.memref_squeeze %dma_wait3A_1204 : memref<1x64x128xf32, #tpu.memory_space<vmem>> -> memref<64x128xf32, #tpu.memory_space<vmem>>
    tpu.wait_dma2 semaphore(%dma_wait3A_1199 : memref<!tpu.dma_semaphore, #tpu.memory_space<semaphore_mem>>) src(%dma_wait3A_1205 : memref<64x128xf32, #tpu.memory_space<vmem>>) dst(%dma_wait3A_1201 : memref<64x128xf32, #tpu.memory_space<hbm>>)
    return
  }
}

</mosaic_0001>

<sc_bundles>
// kernel: kernel.3.cloned.1.call-start
scs
__scs_entry_jumppad:
0x0: {  	(pc) =	sbr.rel $0x88, $3  }
0x1: {  	(tag) =	ssettag $0x0;
	lr =	simm.s32 $0x1  }
0x2: {  	[smem:$0x3F9F] =	sst lr;
	_ =	strace $0xD0000000  }
0x3: {  	_ = 	snop  }
0x4: {  	_ = 	snop  }
0x5: {  	_ = 	snop  }
0x6: {  	_ = 	snop  }
0x7: {  	_ = 	snop  }
__scs_overlays_trampoline_lowered:
0x8: {  	[smem:$0x3FAE] =	sst s0  }
0x9: {  	[smem:$0x3FAF] =	sst s1  }
0xa: {  	[smem:$0x3FB0] =	sst s2  }
0xb: {  	[smem:$0x3FB1] =	sst s3  }
0xc: {  	[smem:$0x3FB2] =	sst s4  }
0xd: {  	[smem:$0x3FB3] =	sst s5  }
0xe: {  	[smem:$0x3FB4] =	sst s6  }
0xf: {  	[smem:$0x3FB5] =	sst s7  }
0x10: {  	[smem:$0x3FB6] =	sst s8  }
0x11: {  	[smem:$0x3FB7] =	sst s9;
	s0 =	simm.s32 @!p0 $0x0  }
0x12: {  	s1 =	sld [smem:$0x3F9D];
	s0 =	simm.s32 @p0 $0x1  }
0x13: {  	[smem:$0x3FB8] =	sst s0;
	s0 =	simm.s32 @!p1 $0x0  }
0x14: {  	s2 =	sld [smem:$0x3F9C];
	s0 =	simm.s32 @p1 $0x1  }
0x15: {  	[smem:$0x3FB9] =	sst s0;
	s0 =	simm.s32 @!p2 $0x0  }
0x16: {  	s3 =	sld [smem:$0x3FDB];
	s0 =	simm.s32 @p2 $0x1  }
0x17: {  	s4 =	simm.s32 $0x1BF5;
	[smem:$0x3FBB] =	sst s0  }
0x18: {  	s0 =	sld [smem:$0x3F9E];
	_ =	swait.ge [sflag:s4], $0x0  }
0x19: {  	s7 =	sld [smem:$0x3F9F]  }
0x1a: {  	s8 =	sadd.s32 $0xFFFFE003, lr  }
0x1b: {  	s9 =	sadd.s32 $0xFFFFFEF7, lr;
	s5 =	simm.s32 $0xFFFFFFFF;
	p2 =	slt.u32 s8, $0xFFFFF086  }
0x1c: {  	p1 =	slt.u32 s9, $0xF7A;
	s5 =	simm.s32 @!p2 $0x0  }
0x1d: {  	s5 =	simm.s32 @p1 $0x1;
	p0 =	seq.s32 s7, s2  }
0x1e: {  	s7 =	smul.u32 @!p0 $0xF7A, s2;
	p2 =	seq.s32 @!p0 s5, $0x0  }
0x1f: {  	s9 =	smul.u32 $0xF7A, s1;
	s8 =	simm.s32 @!p0 $0x1BF5;
	p2 =	por !p2, p0  }
0x20: {  	[sflag:s8] =	ssyncset.s32 @!p0 $0xFFFFF086;
	s6 =	sadd.s32 @!p0 s3, s7;
	s7 =	simm.s32 @!p0 $0x108  }
0x21: {  	s3 =	sadd.s32 s3, s9;
	s6 =	sadd.s32 @!p0 $0x88, s6;
	s7 =	simm.s32 @p2 $0x1082  }
0x22: {  	[simem:s7], [sflag:s8] =	dma.local @!p0 [hbm:s6], $0xF7A  }
0x23: {  	s9 =	sor.u32 $0xD0000000, s2;
	s6 =	simm.s32 $0x108;
	_ =	swait.ge @!p0 [sflag:s8], $0x0  }
0x24: {  	s3 =	sadd.s32 $0x88, s3;
	s6 =	simm.s32 @!p1 $0x1082;
	[sflag:s4] =	ssyncset.s32 $0xFFFFF086  }
0x25: {  	[simem:s6], [sflag:s4] =	dma.local [hbm:s3], $0xF7A  }
0x26: {  	[smem:$0x3F9F] =	sst s1;
	(tag) =	ssettag s2;
	_ =	strace s9  }
0x27: {  	s1 =	sld [smem:$0x3FAF]  }
0x28: {  	s2 =	sld [smem:$0x3FB0]  }
0x29: {  	s4 =	sld [smem:$0x3FB2]  }
0x2a: {  	p0 =	seq.s32 s5, $0x0;
	s5 =	sld [smem:$0x3FB3]  }
0x2b: {  	s6 =	sld [smem:$0x3FB4]  }
0x2c: {  	s7 =	sld [smem:$0x3FB5]  }
0x2d: {  	s3 =	simm.s32 $0x108;
	s8 =	sld [smem:$0x3FB6]  }
0x2e: {  	s3 =	simm.s32 @!p0 $0x1082;
	s9 =	sld [smem:$0x3FB7]  }
0x2f: {  	lr =	sadd.s32 s0, s3;
	s0 =	sld [smem:$0x3FAE]  }
0x30: {  	s3 =	sld [smem:$0x3FB1]  }
0x31: {  	[smem:$0x3FBA] =	sst s10  }
0x32: {  	s10 =	sld [smem:$0x3FB8];
	_ =	sdelay $0x3  }
0x33: {  	p0 =	seq.s32 s10, $0x1;
	s10 =	sld [smem:$0x3FBA];
	_ =	sdelay $0x3  }
0x34: {  	[smem:$0x3FBA] =	sst s10  }
0x35: {  	s10 =	sld [smem:$0x3FB9];
	_ =	sdelay $0x3  }
0x36: {  	p1 =	seq.s32 s10, $0x1;
	s10 =	sld [smem:$0x3FBA];
	_ =	sdelay $0x3  }
0x37: {  	[smem:$0x3FBA] =	sst s10  }
0x38: {  	s10 =	sld [smem:$0x3FBB]  }
0x39: {  	_ = 	snop;
	(pc) =	sbr.ind lr, $3  }
0x3a: {  	_ = 	snop  }
0x3b: {  	_ = 	snop  }
0x3c: {  	p2 =	seq.s32 s10, $0x1;
	s10 =	sld [smem:$0x3FBA]  }
0x3d: {  	_ =	shalt  }
0x3e: {  	_ =	shalt  }
0x3f: {  	_ =	shalt  }
0x40: {  	_ =	shalt  }
0x41: {  	_ =	shalt  }
0x42: {  	_ =	shalt  }
0x43: {  	_ =	shalt  }
0x44: {  	_ =	shalt  }
0x45: {  	_ =	shalt  }
0x46: {  	_ =	shalt  }
0x47: {  	_ =	shalt  }
0x48: {  	_ =	shalt  }
0x49: {  	_ =	shalt  }
0x4a: {  	_ =	shalt  }
0x4b: {  	_ =	shalt  }
0x4c: {  	_ =	shalt  }
0x4d: {  	_ =	shalt  }
0x4e: {  	_ =	shalt  }
0x4f: {  	_ =	shalt  }
0x50: {  	_ =	shalt  }
0x51: {  	_ =	shalt  }
0x52: {  	_ =	shalt  }
0x53: {  	_ =	shalt  }
0x54: {  	_ =	shalt  }
0x55: {  	_ =	shalt  }
0x56: {  	_ =	shalt  }
0x57: {  	_ =	shalt  }
0x58: {  	_ =	shalt  }
0x59: {  	_ =	shalt  }
0x5a: {  	_ =	shalt  }
0x5b: {  	_ =	shalt  }
0x5c: {  	_ =	shalt  }
0x5d: {  	_ =	shalt  }
0x5e: {  	_ =	shalt  }
0x5f: {  	_ =	shalt  }
0x60: {  	_ =	shalt  }
0x61: {  	_ =	shalt  }
0x62: {  	_ =	shalt  }
0x63: {  	_ =	shalt  }
0x64: {  	_ =	shalt  }
0x65: {  	_ =	shalt  }
0x66: {  	_ =	shalt  }
0x67: {  	_ =	shalt  }
0x68: {  	_ =	shalt  }
0x69: {  	_ =	shalt  }
0x6a: {  	_ =	shalt  }
0x6b: {  	_ =	shalt  }
0x6c: {  	_ =	shalt  }
0x6d: {  	_ =	shalt  }
0x6e: {  	_ =	shalt  }
0x6f: {  	_ =	shalt  }
0x70: {  	_ =	shalt  }
0x71: {  	_ =	shalt  }
0x72: {  	_ =	shalt  }
0x73: {  	_ =	shalt  }
0x74: {  	_ =	shalt  }
0x75: {  	_ =	shalt  }
0x76: {  	_ =	shalt  }
0x77: {  	_ =	shalt  }
0x78: {  	_ =	shalt  }
0x79: {  	_ =	shalt  }
0x7a: {  	_ =	shalt  }
0x7b: {  	_ =	shalt  }
0x7c: {  	_ =	shalt  }
0x7d: {  	_ =	shalt  }
0x7e: {  	_ =	shalt  }
0x7f: {  	_ =	shalt  }
0x80: {  	_ =	shalt  }
0x81: {  	_ =	shalt  }
0x82: {  	_ =	shalt  }
0x83: {  	_ =	shalt  }
0x84: {  	_ =	shalt  }
0x85: {  	_ =	shalt  }
0x86: {  	_ =	shalt  }
0x87: {  	_ =	shalt  }
.Lfunc_end0:
.L_simem_size_0:
called_computation_lowered:
.L_overlay_start_0:
0x88: {  	s2 =	sld [smem:$0x3FD9]  }
0x89: {  	s3 =	sld [smem:$0x3FFE];
	_ =	sdelay $0x1  }
0x8a: {  	s1 =	srdreg.scid  }
0x8b: {  	s0 =	sand.u32 $0x1, s1  }
0x8c: {  	s17 =	sshll.u32 s0, $0xA;
	s2 =	sadd.s32 s3, s2  }
0x8d: {  	s2 =	sadd.s32 s2, s17  }
0x8e: {  	[smem:$0x3FC6] =	sst s2  }
0x8f: {  	_ = 	snop  }
0x90: {  	s2 =	sld [smem:$0x3FC8]  }
0x91: {  	s18 =	sld [smem:$0x3FD0];
	(tm) =	ssettm $0x1  }
0x92: {  	s4 =	sld [smem:$0x3FFB];
	_ =	sdelay $0x3  }
0x93: {  	_ =	strace s4  }
0x94: {  	s4 =	sld [smem:$0x3FFC];
	_ =	sdelay $0x3  }
0x95: {  	_ =	strace s4  }
0x96: {  	s4 =	sld [smem:$0x3FFD];
	_ =	sdelay $0x3  }
0x97: {  	_ =	strace s4  }
0x98: {  	_ =	strace $0x8FFFFFFF  }
0x99: {  	s19 =	sld [smem:$0x3FDB];
	_ =	sdelay $0x1  }
0x9a: {  	s5 =	simm.s32 $_scs_section_size  }
0x9b: {  	s6 =	simm.s32 $_size__tile_overlayer_lowered;
	s7 =	simm.s32 $_tile_overlayer_lowered  }
0x9c: {  	s22 =	simm.s32 $0x1BFF;
	s21 =	sshll.u32 s7, $0x1;
	s4 =	sadd.s32 s5, s19  }
0x9d: {  	s8 =	simm.s32 $0x0;
	s20 =	sshll.u32 s6, $0x1;
	s6 =	sadd.s32 s21, s4  }
0x9e: {  	[timem:s8], [sflag:s22] =	dma.local [hbm:s6], s20  }
0x9f: {  	_ =	swait.ge [sflag:s22], s20  }
0xa0: {  	s5 =	ssub.s32 $0x0, s20;
	[sflag:s22] =	ssyncset.done $0x0  }
0xa1: {  	[sflag:s22] =	ssyncadd.s32 s5;
	_ =	sdelay $0x1  }
0xa2: {  	s23 =	simm.s32 $0x1B8B  }
0xa3: {  	_ =	swait.ge [sflag:s23], $0x1  }
0xa4: {  	[sflag:s23] =	ssyncset.done $0x0  }
0xa5: {  	s25 =	simm.s32 $0x1B8E;
	s24 =	sld [smem:$0x3FFE];
	[sflag:s23] =	ssyncadd.s32 $0xFFFFFFFF  }
0xa6: {  	s26 =	simm.s32 $execute0_lowered;
	[smem:$0x3FD2] =	sst s25  }
0xa7: {  	s6 =	sshll.u32 s26, $0x1;
	_ =	strace $0x80000046;
	[dreg:$0x1] =	wrdreg $0xFFFFFFFF  }
0xa8: {  	s28 =	simm.s32 $_size_execute0_lowered;
	s4 =	sadd.s32 s4, s6;
	[dreg:$0x0] =	wrdreg $0x0  }
0xa9: {  	s6 =	sshll.u32 s28, $0x1;
	[dreg:$0x2] =	wrdreg s4  }
0xaa: {  	[dreg:$0x3] =	wrdreg s6  }
0xab: {  	[dreg:$0x4] =	wrdreg $0xC0  }
0xac: {  	_ =	task [dreg:s8], $0x5FFFF  }
0xad: {  	[dreg:$0x1] =	wrdreg $0xFFFFFFFF  }
0xae: {  	[dreg:$0x0] =	wrdreg $0x60  }
0xaf: {  	[dreg:$0x2] =	wrdreg s24  }
0xb0: {  	[dreg:$0x3] =	wrdreg s2  }
0xb1: {  	[dreg:$0x4] =	wrdreg s18  }
0xb2: {  	[dreg:$0x5] =	wrdreg $0x9  }
0xb3: {  	_ =	task.clear_ibuf [dreg:s8], $0x6FFFF;
	_ =	strace $0x90000046  }
0xb4: {  	s29 =	simm.s32 $0x9;
	_ =	strace $0x80000048  }
0xb5: {  	_ =	swait.ge [sflag:s29], $0x1  }
0xb6: {  	[sflag:s29] =	ssyncadd.s32 $0xFFFFFFFF  }
0xb7: {  	_ =	strace $0x90000048  }
0xb8: {  	_ =	sfence  }
0xb9: {  	s30 =	sld [smem:$0x0];
	_ =	sdelay $0x2  }
0xba: {  	s31 =	sshll.u32 s1, $0xD;
	s1 =	sshrl.u32 s1, $0x2  }
0xbb: {  	s3 =	sand.u32 $0x4000, s31;
	s1 =	sadd.s32 s1, s30  }
0xbc: {  	s0 =	sor.u32 s3, s0;
	s1 =	sshll.u32 s1, $0x11  }
0xbd: {  	s0 =	sor.u32 s1, s0  }
0xbe: {  	s0 =	sadd.s32 $0x8F2B, s0  }
0xbf: {  	[sflag:s0] =	ssyncadd.remote.s32 $0x1  }
0xc0: {  	_ =	sfence.sel $0xFFFF  }
0xc1: {  	[dreg:$0x0] =	wrdreg $0xFFFFFFFF;
	(pc) =	sbr.abs _section_cstart, $3  }
0xc2: {  	[dreg:$0x1] =	wrdreg $0xFFFFFFFF  }
0xc3: {  	_ =	task.clear_ibuf [dreg:s8], $0x2FFFF;
	_ =	strace $0x9FFFFFFF  }
0xc4: {  	(tm) =	ssettm $0x7FFFFFFF  }
0xc5: {  	_ =	shalt  }
tec
execute0_lowered:
.L_overlay_start_1:
0x0: {  	(tag) =	ssettag $0x1  }
0x1: {  	s1 =	srdreg.scid;
	s9 =	stileid.u32  }
0x2: {  	s1 =	sand.u32 $0x1, s1;
	s3 =	sshll.u32 s9, $0x1  }
0x3: {  	s0 =	rddreg [dreg:$0x0];
	s5 =	sor.u32 s1, s3  }
0x4: {  	s2 =	rddreg [dreg:$0x1];
	s6 =	smul.u32 $0x1900, s5  }
0x5: {  	s4 =	rddreg [dreg:$0x2];
	s3 =	simm.s32 $0x0;
	s7 =	smul.u32 $0x19000, s5  }
0x6: {  	s8 =	ssub.s32 $0x2, s1;
	[smem:$0x7FF] =	sst s3;
	s5 =	smul.u32 $0xC8000, s5  }
0x7: {  	_ =	strace $0x80000047;
	s6 =	sshrl.u32 s6, $0x3;
	s7 =	sadd.s32 s4, s7  }
0x8: {  	s5 =	sshrl.u32 s5, $0x3;
	s23 =	sadd.s32 $0x400, s7;
	[dreg:$0x4] =	wrdreg s7  }
0x9: {  	s0 =	sadd.s32 s6, s0;
	s25 =	sadd.s32 $0x800, s7;
	[dreg:$0x6] =	wrdreg s23  }
0xa: {  	s24 =	sadd.s32 s4, s5;
	s0 =	sadd.s32 $0x400, s0;
	[dreg:$0x7] =	wrdreg s25  }
0xb: {  	s22 =	sshrl.u32 s8, $0x1;
	s26 =	sadd.s32 $0x1000, s24;
	[dreg:$0x5] =	wrdreg s0  }
0xc: {  	s6 =	ssub.s32 s8, s22;
	s8 =	sadd.s32 $0x1400, s24;
	[dreg:$0x8] =	wrdreg s26  }
0xd: {  	s10 =	sadd.s32 $0x1800, s24;
	[dreg:$0x9] =	wrdreg s8  }
0xe: {  	s11 =	sadd.s32 $0x1C00, s24;
	[dreg:$0xa] =	wrdreg s10  }
0xf: {  	s12 =	sadd.s32 $0x2000, s24;
	[dreg:$0xb] =	wrdreg s11  }
0x10: {  	s29 =	simm.s32 $0x40;
	s13 =	sadd.s32 $0x2400, s24;
	[dreg:$0xc] =	wrdreg s12  }
0x11: {  	s28 =	simm.s32 $0x12;
	s14 =	sadd.s32 $0x16800, s24;
	[dreg:$0xd] =	wrdreg s13  }
0x12: {  	s30 =	simm.s32 $0x13;
	s15 =	sadd.s32 $0x16C00, s24;
	[dreg:$0xe] =	wrdreg s14  }
0x13: {  	s31 =	simm.s32 $0x14;
	s16 =	sadd.s32 $0x17000, s24;
	[dreg:$0xf] =	wrdreg s15  }
0x14: {  	s18 =	smul.u32 $0x32000, s9;
	s17 =	sadd.s32 $0x17400, s24;
	[dreg:$0x10] =	wrdreg s16  }
0x15: {  	s1 =	smul.u32 $0x19000, s1;
	s19 =	sadd.s32 $0x17800, s24;
	[dreg:$0x11] =	wrdreg s17  }
0x16: {  	s4 =	sadd.s32 s18, s4;
	s20 =	sadd.s32 $0x17C00, s24;
	[dreg:$0x12] =	wrdreg s19  }
0x17: {  	s18 =	simm.s32 $0x5;
	s21 =	sadd.s32 $0x18000, s24;
	[dreg:$0x13] =	wrdreg s20  }
0x18: {  	s22 =	sadd.s32 $0x18400, s24;
	s1 =	sadd.s32 s1, s4;
	[dreg:$0x14] =	wrdreg s21  }
0x19: {  	s23 =	sadd.s32 $0x18800, s24;
	s4 =	simm.s32 $0x9;
	[dreg:$0x15] =	wrdreg s22  }
0x1a: {  	[dreg:$0x16] =	wrdreg s23;
	s0 =	sadd.s32 $0x18C00, s24;
	s24 =	smax.u32 s6, $0x1  }
0x1b: {  	s25 =	sadd.s32 $0x4C00, s1;
	s26 =	sadd.s32 $0xC00, s7;
	[dreg:$0x17] =	wrdreg s0  }
0x1c: {  	s19 =	simm.s32 $0xE;
	s20 =	simm.s32 $0x6;
	[dreg:$0x18] =	wrdreg s24  }
0x1d: {  	s21 =	simm.s32 $0xF;
	s22 =	simm.s32 $0x7;
	[dreg:$0x19] =	wrdreg s25  }
0x1e: {  	s23 =	simm.s32 $0x10;
	s1 =	simm.s32 $0x0;
	[dreg:$0x1a] =	wrdreg s26  }
0x1f: {  	s24 =	simm.s32 $0x8;
	s26 =	simm.s32 $0x11;
	s25 =	simm.s32 $0xA  }
.LBB2_1:
0x20: {  	[dreg:$0x1b] =	wrdreg s1  }
0x21: {  	s0 =	rddreg [dreg:$0x5];
	s16 =	simm.s32 $0x15  }
0x22: {  	[tilespmem:s3], [sflag:$0x15] =	stream.linear.gather [hbm4b:s0+s3], $0x1900, $0x38;
	[tilespmem:$0x15900] =	vst v63  }
0x23: {  	_ =	swait.ge [sflag:s16], $0x1900  }
0x24: {  	[sflag:s16] =	ssyncset.done $0x0  }
0x25: {  	s8 =	simm.s32 $0x1900;
	[sflag:s16] =	ssyncadd.s32 $0xFFFFE700  }
0x26: {  	[tilespmem:s8], [sflag:$0x1] =	stream.indirect.gather [hbm4b:s2+s29], $0x80, s3, s29, $0xb8;
	[tilespmem:$0x15900] =	vst v63  }
0x27: {  	s9 =	simm.s32 $0x3900  }
0x28: {  	[tilespmem:s9], [sflag:$0x2] =	stream.indirect.gather [hbm4b:s2+s29], $0x80, s29, s29, $0xb8;
	[tilespmem:$0x15900] =	vst v63  }
0x29: {  	s17 =	simm.s32 $0x80;
	s11 =	simm.s32 $0x5900  }
0x2a: {  	[tilespmem:s11], [sflag:$0x3] =	stream.indirect.gather [hbm4b:s2+s29], $0x80, s17, s29, $0xb8;
	[tilespmem:$0x15900] =	vst v63  }
0x2b: {  	s1 =	simm.s32 $0xC0;
	s14 =	simm.s32 $0x7900  }
0x2c: {  	[tilespmem:s14], [sflag:$0x4] =	stream.indirect.gather [hbm4b:s2+s29], $0x80, s1, s29, $0xb8;
	[tilespmem:$0x15900] =	vst v63  }
0x2d: {  	s5 =	simm.s32 $0x100;
	s6 =	simm.s32 $0x9900  }
0x2e: {  	[tilespmem:s6], [sflag:$0x5] =	stream.indirect.gather [hbm4b:s2+s29], $0x80, s5, s29, $0xb8;
	[tilespmem:$0x15900] =	vst v63  }
0x2f: {  	s7 =	simm.s32 $0x140;
	s12 =	simm.s32 $0xB900  }
0x30: {  	[tilespmem:s12], [sflag:$0x6] =	stream.indirect.gather [hbm4b:s2+s29], $0x80, s7, s29, $0xb8;
	[tilespmem:$0x15900] =	vst v63  }
0x31: {  	s13 =	simm.s32 $0x180;
	s15 =	simm.s32 $0xD900  }
0x32: {  	[tilespmem:s15], [sflag:$0x7] =	stream.indirect.gather [hbm4b:s2+s29], $0x80, s13, s29, $0xb8;
	[tilespmem:$0x15900] =	vst v63  }
0x33: {  	s16 =	simm.s32 $0x1C0;
	s17 =	simm.s32 $0xF900  }
0x34: {  	[tilespmem:s17], [sflag:$0x8] =	stream.indirect.gather [hbm4b:s2+s29], $0x80, s16, s29, $0xb8;
	[tilespmem:$0x15900] =	vst v63  }
0x35: {  	s1 =	simm.s32 $0x200;
	s5 =	simm.s32 $0x11900  }
0x36: {  	[tilespmem:s5], [sflag:$0x9] =	stream.indirect.gather [hbm4b:s2+s29], $0x80, s1, s29, $0xb8;
	[tilespmem:$0x15900] =	vst v63  }
0x37: {  	s5 =	simm.s32 $0x1  }
0x38: {  	_ =	swait.ge [sflag:s5], $0x2000  }
0x39: {  	[sflag:s5] =	ssyncset.done $0x0  }
0x3a: {  	s6 =	rddreg [dreg:$0x4];
	[sflag:s5] =	ssyncadd.s32 $0xFFFFE000  }
0x3b: {  	[hbm4b:s6+s3] =	stream.linear.scatter [tilespmem:s8], [sflag:$0xB], $0x2000, $0x38;
	[tilespmem:$0x15900] =	vst v63  }
0x3c: {  	s7 =	simm.s32 $0x240;
	s15 =	simm.s32 $0x13900  }
0x3d: {  	[tilespmem:s15], [sflag:$0xA] =	stream.indirect.gather [hbm4b:s2+s29], $0x80, s7, s29, $0xb8;
	[tilespmem:$0x15900] =	vst v63  }
0x3e: {  	s15 =	simm.s32 $0x2  }
0x3f: {  	_ =	swait.ge [sflag:s15], $0x2000  }
0x40: {  	[sflag:s15] =	ssyncset.done $0x0  }
0x41: {  	s16 =	rddreg [dreg:$0x6];
	[sflag:s15] =	ssyncadd.s32 $0xFFFFE000  }
0x42: {  	[hbm4b:s16+s3] =	stream.linear.scatter [tilespmem:s9], [sflag:$0xC], $0x2000, $0x38;
	[tilespmem:$0x15900] =	vst v63  }
0x43: {  	s16 =	simm.s32 $0xB  }
0x44: {  	_ =	swait.ge [sflag:s16], $0x2000  }
0x45: {  	[sflag:s16] =	ssyncset.done $0x0  }
0x46: {  	s17 =	simm.s32 $0x280;
	[sflag:s16] =	ssyncadd.s32 $0xFFFFE000  }
0x47: {  	[tilespmem:s8], [sflag:$0x1] =	stream.indirect.gather [hbm4b:s2+s29], $0x80, s17, s29, $0xb8;
	[tilespmem:$0x15900] =	vst v63  }
0x48: {  	s17 =	simm.s32 $0x3  }
0x49: {  	_ =	swait.ge [sflag:s17], $0x2000  }
0x4a: {  	[sflag:s17] =	ssyncset.done $0x0  }
0x4b: {  	s1 =	rddreg [dreg:$0x7];
	[sflag:s17] =	ssyncadd.s32 $0xFFFFE000  }
0x4c: {  	[hbm4b:s1+s3] =	stream.linear.scatter [tilespmem:s11], [sflag:$0xD], $0x2000, $0x38;
	[tilespmem:$0x15900] =	vst v63  }
0x4d: {  	s1 =	simm.s32 $0xC  }
0x4e: {  	_ =	swait.ge [sflag:s1], $0x2000  }
0x4f: {  	[sflag:s1] =	ssyncset.done $0x0  }
0x50: {  	s6 =	simm.s32 $0x2C0;
	[sflag:s1] =	ssyncadd.s32 $0xFFFFE000  }
0x51: {  	[tilespmem:s9], [sflag:$0x2] =	stream.indirect.gather [hbm4b:s2+s29], $0x80, s6, s29, $0xb8;
	[tilespmem:$0x15900] =	vst v63  }
0x52: {  	s6 =	simm.s32 $0x4  }
0x53: {  	_ =	swait.ge [sflag:s6], $0x2000  }
0x54: {  	[sflag:s6] =	ssyncset.done $0x0  }
0x55: {  	s7 =	rddreg [dreg:$0x1a];
	[sflag:s6] =	ssyncadd.s32 $0xFFFFE000  }
0x56: {  	[hbm4b:s7+s3] =	stream.linear.scatter [tilespmem:s14], [sflag:$0xE], $0x2000, $0x38;
	[tilespmem:$0x15900] =	vst v63  }
0x57: {  	s7 =	simm.s32 $0xD  }
0x58: {  	_ =	swait.ge [sflag:s7], $0x2000  }
0x59: {  	[sflag:s7] =	ssyncset.done $0x0  }
0x5a: {  	s0 =	simm.s32 $0x300;
	[sflag:s7] =	ssyncadd.s32 $0xFFFFE000  }
0x5b: {  	[tilespmem:s11], [sflag:$0x3] =	stream.indirect.gather [hbm4b:s2+s29], $0x80, s0, s29, $0xb8;
	[tilespmem:$0x15900] =	vst v63  }
0x5c: {  	_ =	swait.ge [sflag:s18], $0x2000  }
0x5d: {  	[sflag:s18] =	ssyncset.done $0x0  }
0x5e: {  	s10 =	simm.s32 $0x9900;
	s0 =	rddreg [dreg:$0x8];
	[sflag:s18] =	ssyncadd.s32 $0xFFFFE000  }
0x5f: {  	[hbm4b:s0+s3] =	stream.linear.scatter [tilespmem:s10], [sflag:$0xF], $0x2000, $0x38;
	[tilespmem:$0x15900] =	vst v63  }
0x60: {  	_ =	swait.ge [sflag:s19], $0x2000  }
0x61: {  	[sflag:s19] =	ssyncset.done $0x0  }
0x62: {  	s0 =	simm.s32 $0x340;
	[sflag:s19] =	ssyncadd.s32 $0xFFFFE000  }
0x63: {  	[tilespmem:s14], [sflag:$0x4] =	stream.indirect.gather [hbm4b:s2+s29], $0x80, s0, s29, $0xb8;
	[tilespmem:$0x15900] =	vst v63  }
0x64: {  	_ =	swait.ge [sflag:s20], $0x2000  }
0x65: {  	[sflag:s20] =	ssyncset.done $0x0  }
0x66: {  	s12 =	simm.s32 $0xB900;
	s0 =	rddreg [dreg:$0x9];
	[sflag:s20] =	ssyncadd.s32 $0xFFFFE000  }
0x67: {  	[hbm4b:s0+s3] =	stream.linear.scatter [tilespmem:s12], [sflag:$0x10], $0x2000, $0x38;
	[tilespmem:$0x15900] =	vst v63  }
0x68: {  	_ =	swait.ge [sflag:s21], $0x2000  }
0x69: {  	[sflag:s21] =	ssyncset.done $0x0  }
0x6a: {  	s0 =	simm.s32 $0x380;
	[sflag:s21] =	ssyncadd.s32 $0xFFFFE000  }
0x6b: {  	[tilespmem:s10], [sflag:$0x5] =	stream.indirect.gather [hbm4b:s2+s29], $0x80, s0, s29, $0xb8;
	[tilespmem:$0x15900] =	vst v63  }
0x6c: {  	_ =	swait.ge [sflag:s22], $0x2000  }
0x6d: {  	[sflag:s22] =	ssyncset.done $0x0  }
0x6e: {  	s13 =	simm.s32 $0xD900;
	s10 =	rddreg [dreg:$0xa];
	[sflag:s22] =	ssyncadd.s32 $0xFFFFE000  }
0x6f: {  	[hbm4b:s10+s3] =	stream.linear.scatter [tilespmem:s13], [sflag:$0x11], $0x2000, $0x38;
	[tilespmem:$0x15900] =	vst v63  }
0x70: {  	_ =	swait.ge [sflag:s23], $0x2000  }
0x71: {  	[sflag:s23] =	ssyncset.done $0x0  }
0x72: {  	s10 =	simm.s32 $0x3C0;
	[sflag:s23] =	ssyncadd.s32 $0xFFFFE000  }
0x73: {  	[tilespmem:s12], [sflag:$0x6] =	stream.indirect.gather [hbm4b:s2+s29], $0x80, s10, s29, $0xb8;
	[tilespmem:$0x15900] =	vst v63  }
0x74: {  	_ =	swait.ge [sflag:s24], $0x2000  }
0x75: {  	[sflag:s24] =	ssyncset.done $0x0  }
0x76: {  	s10 =	simm.s32 $0xF900;
	s12 =	rddreg [dreg:$0xb];
	[sflag:s24] =	ssyncadd.s32 $0xFFFFE000  }
0x77: {  	[hbm4b:s12+s3] =	stream.linear.scatter [tilespmem:s10], [sflag:$0x12], $0x2000, $0x38;
	[tilespmem:$0x15900] =	vst v63  }
0x78: {  	_ =	swait.ge [sflag:s26], $0x2000  }
0x79: {  	[sflag:s26] =	ssyncset.done $0x0  }
0x7a: {  	s12 =	simm.s32 $0x400;
	[sflag:s26] =	ssyncadd.s32 $0xFFFFE000  }
0x7b: {  	[tilespmem:s13], [sflag:$0x7] =	stream.indirect.gather [hbm4b:s2+s29], $0x80, s12, s29, $0xb8;
	[tilespmem:$0x15900] =	vst v63  }
0x7c: {  	_ =	swait.ge [sflag:s4], $0x2000  }
0x7d: {  	[sflag:s4] =	ssyncset.done $0x0  }
0x7e: {  	s12 =	simm.s32 $0x11900;
	s13 =	rddreg [dreg:$0xc];
	[sflag:s4] =	ssyncadd.s32 $0xFFFFE000  }
0x7f: {  	[hbm4b:s13+s3] =	stream.linear.scatter [tilespmem:s12], [sflag:$0x13], $0x2000, $0x38;
	[tilespmem:$0x15900] =	vst v63  }
0x80: {  	_ =	swait.ge [sflag:s28], $0x2000  }
0x81: {  	[sflag:s28] =	ssyncset.done $0x0  }
0x82: {  	s13 =	simm.s32 $0x440;
	[sflag:s28] =	ssyncadd.s32 $0xFFFFE000  }
0x83: {  	[tilespmem:s10], [sflag:$0x8] =	stream.indirect.gather [hbm4b:s2+s29], $0x80, s13, s29, $0xb8;
	[tilespmem:$0x15900] =	vst v63  }
0x84: {  	_ =	swait.ge [sflag:s25], $0x2000  }
0x85: {  	[sflag:s25] =	ssyncset.done $0x0  }
0x86: {  	s13 =	simm.s32 $0x13900;
	s12 =	rddreg [dreg:$0xd];
	[sflag:s25] =	ssyncadd.s32 $0xFFFFE000  }
0x87: {  	[hbm4b:s12+s3] =	stream.linear.scatter [tilespmem:s13], [sflag:$0x14], $0x2000, $0x38;
	[tilespmem:$0x15900] =	vst v63  }
0x88: {  	_ =	swait.ge [sflag:s30], $0x2000  }
0x89: {  	[sflag:s30] =	ssyncset.done $0x0  }
0x8a: {  	s0 =	simm.s32 $0x480;
	s13 =	simm.s32 $0x11900;
	[sflag:s30] =	ssyncadd.s32 $0xFFFFE000  }
0x8b: {  	[tilespmem:s13], [sflag:$0x9] =	stream.indirect.gather [hbm4b:s2+s29], $0x80, s0, s29, $0xb8;
	[tilespmem:$0x15900] =	vst v63  }
0x8c: {  	_ =	swait.ge [sflag:s5], $0x2000  }
0x8d: {  	[sflag:s5] =	ssyncset.done $0x0  }
0x8e: {  	[sflag:s5] =	ssyncadd.s32 $0xFFFFE000;
	s5 =	rddreg [dreg:$0x19]  }
0x8f: {  	s0 =	sadd.s32 $0xFFFFDC00, s5  }
0x90: {  	[hbm4b:s0+s3] =	stream.linear.scatter [tilespmem:s8], [sflag:$0xB], $0x2000, $0x38;
	[tilespmem:$0x15900] =	vst v63  }
0x91: {  	_ =	swait.ge [sflag:s31], $0x2000  }
0x92: {  	[sflag:s31] =	ssyncset.done $0x0  }
0x93: {  	s12 =	simm.s32 $0x13900;
	s0 =	simm.s32 $0x4C0;
	[sflag:s31] =	ssyncadd.s32 $0xFFFFE000  }
0x94: {  	[tilespmem:s12], [sflag:$0xA] =	stream.indirect.gather [hbm4b:s2+s29], $0x80, s0, s29, $0xb8;
	[tilespmem:$0x15900] =	vst v63  }
0x95: {  	_ =	swait.ge [sflag:s15], $0x2000  }
0x96: {  	[sflag:s15] =	ssyncset.done $0x0  }
0x97: {  	[sflag:s15] =	ssyncadd.s32 $0xFFFFE000;
	s15 =	sadd.s32 $0xFFFFE000, s5  }
0x98: {  	[hbm4b:s15+s3] =	stream.linear.scatter [tilespmem:s9], [sflag:$0xC], $0x2000, $0x38;
	[tilespmem:$0x15900] =	vst v63  }
0x99: {  	_ =	swait.ge [sflag:s16], $0x2000  }
0x9a: {  	[sflag:s16] =	ssyncset.done $0x0  }
0x9b: {  	[sflag:s16] =	ssyncadd.s32 $0xFFFFE000;
	s16 =	simm.s32 $0x500  }
0x9c: {  	[tilespmem:s8], [sflag:$0x1] =	stream.indirect.gather [hbm4b:s2+s29], $0x80, s16, s29, $0xb8;
	[tilespmem:$0x15900] =	vst v63  }
0x9d: {  	_ =	swait.ge [sflag:s17], $0x2000  }
0x9e: {  	[sflag:s17] =	ssyncset.done $0x0  }
0x9f: {  	[sflag:s17] =	ssyncadd.s32 $0xFFFFE000;
	s17 =	sadd.s32 $0xFFFFE400, s5  }
0xa0: {  	[hbm4b:s17+s3] =	stream.linear.scatter [tilespmem:s11], [sflag:$0xD], $0x2000, $0x38;
	[tilespmem:$0x15900] =	vst v63  }
0xa1: {  	_ =	swait.ge [sflag:s1], $0x2000  }
0xa2: {  	[sflag:s1] =	ssyncset.done $0x0  }
0xa3: {  	s8 =	simm.s32 $0x540;
	[sflag:s1] =	ssyncadd.s32 $0xFFFFE000  }
0xa4: {  	[tilespmem:s9], [sflag:$0x2] =	stream.indirect.gather [hbm4b:s2+s29], $0x80, s8, s29, $0xb8;
	[tilespmem:$0x15900] =	vst v63  }
0xa5: {  	_ =	swait.ge [sflag:s6], $0x2000  }
0xa6: {  	[sflag:s6] =	ssyncset.done $0x0  }
0xa7: {  	s9 =	sadd.s32 $0xFFFFE800, s5;
	[sflag:s6] =	ssyncadd.s32 $0xFFFFE000  }
0xa8: {  	[hbm4b:s9+s3] =	stream.linear.scatter [tilespmem:s14], [sflag:$0xE], $0x2000, $0x38;
	[tilespmem:$0x15900] =	vst v63  }
0xa9: {  	_ =	swait.ge [sflag:s7], $0x2000  }
0xaa: {  	[sflag:s7] =	ssyncset.done $0x0  }
0xab: {  	s12 =	simm.s32 $0x580;
	[sflag:s7] =	ssyncadd.s32 $0xFFFFE000  }
0xac: {  	[tilespmem:s11], [sflag:$0x3] =	stream.indirect.gather [hbm4b:s2+s29], $0x80, s12, s29, $0xb8;
	[tilespmem:$0x15900] =	vst v63  }
0xad: {  	_ =	swait.ge [sflag:s18], $0x2000  }
0xae: {  	[sflag:s18] =	ssyncset.done $0x0  }
0xaf: {  	s15 =	sadd.s32 $0xFFFFEC00, s5;
	s16 =	simm.s32 $0x9900;
	[sflag:s18] =	ssyncadd.s32 $0xFFFFE000  }
0xb0: {  	[hbm4b:s15+s3] =	stream.linear.scatter [tilespmem:s16], [sflag:$0xF], $0x2000, $0x38;
	[tilespmem:$0x15900] =	vst v63  }
0xb1: {  	_ =	swait.ge [sflag:s19], $0x2000  }
0xb2: {  	[sflag:s19] =	ssyncset.done $0x0  }
0xb3: {  	s17 =	simm.s32 $0x5C0;
	[sflag:s19] =	ssyncadd.s32 $0xFFFFE000  }
0xb4: {  	[tilespmem:s14], [sflag:$0x4] =	stream.indirect.gather [hbm4b:s2+s29], $0x80, s17, s29, $0xb8;
	[tilespmem:$0x15900] =	vst v63  }
0xb5: {  	_ =	swait.ge [sflag:s20], $0x2000  }
0xb6: {  	[sflag:s20] =	ssyncset.done $0x0  }
0xb7: {  	s6 =	sadd.s32 $0xFFFFF000, s5;
	s7 =	simm.s32 $0xB900;
	[sflag:s20] =	ssyncadd.s32 $0xFFFFE000  }
0xb8: {  	[hbm4b:s6+s3] =	stream.linear.scatter [tilespmem:s7], [sflag:$0x10], $0x2000, $0x38;
	[tilespmem:$0x15900] =	vst v63  }
0xb9: {  	_ =	swait.ge [sflag:s21], $0x2000  }
0xba: {  	[sflag:s21] =	ssyncset.done $0x0  }
0xbb: {  	s8 =	simm.s32 $0x600;
	[sflag:s21] =	ssyncadd.s32 $0xFFFFE000  }
0xbc: {  	[tilespmem:s16], [sflag:$0x5] =	stream.indirect.gather [hbm4b:s2+s29], $0x80, s8, s29, $0xb8;
	[tilespmem:$0x15900] =	vst v63  }
0xbd: {  	_ =	swait.ge [sflag:s22], $0x2000  }
0xbe: {  	[sflag:s22] =	ssyncset.done $0x0  }
0xbf: {  	s9 =	sadd.s32 $0xFFFFF400, s5;
	s11 =	simm.s32 $0xD900;
	[sflag:s22] =	ssyncadd.s32 $0xFFFFE000  }
0xc0: {  	[hbm4b:s9+s3] =	stream.linear.scatter [tilespmem:s11], [sflag:$0x11], $0x2000, $0x38;
	[tilespmem:$0x15900] =	vst v63  }
0xc1: {  	_ =	swait.ge [sflag:s23], $0x2000  }
0xc2: {  	[sflag:s23] =	ssyncset.done $0x0  }
0xc3: {  	s12 =	simm.s32 $0x640;
	[sflag:s23] =	ssyncadd.s32 $0xFFFFE000  }
0xc4: {  	[tilespmem:s7], [sflag:$0x6] =	stream.indirect.gather [hbm4b:s2+s29], $0x80, s12, s29, $0xb8;
	[tilespmem:$0x15900] =	vst v63  }
0xc5: {  	_ =	swait.ge [sflag:s24], $0x2000  }
0xc6: {  	[sflag:s24] =	ssyncset.done $0x0  }
0xc7: {  	s10 =	simm.s32 $0xF900;
	s14 =	sadd.s32 $0xFFFFF800, s5;
	[sflag:s24] =	ssyncadd.s32 $0xFFFFE000  }
0xc8: {  	[hbm4b:s14+s3] =	stream.linear.scatter [tilespmem:s10], [sflag:$0x12], $0x2000, $0x38;
	[tilespmem:$0x15900] =	vst v63  }
0xc9: {  	_ =	swait.ge [sflag:s26], $0x2000  }
0xca: {  	[sflag:s26] =	ssyncset.done $0x0  }
0xcb: {  	s15 =	simm.s32 $0x680;
	[sflag:s26] =	ssyncadd.s32 $0xFFFFE000  }
0xcc: {  	[tilespmem:s11], [sflag:$0x7] =	stream.indirect.gather [hbm4b:s2+s29], $0x80, s15, s29, $0xb8;
	[tilespmem:$0x15900] =	vst v63  }
0xcd: {  	_ =	swait.ge [sflag:s4], $0x2000  }
0xce: {  	[sflag:s4] =	ssyncset.done $0x0  }
0xcf: {  	s13 =	simm.s32 $0x11900;
	s16 =	sadd.s32 $0xFFFFFC00, s5;
	[sflag:s4] =	ssyncadd.s32 $0xFFFFE000  }
0xd0: {  	[hbm4b:s16+s3] =	stream.linear.scatter [tilespmem:s13], [sflag:$0x13], $0x2000, $0x38;
	[tilespmem:$0x15900] =	vst v63  }
0xd1: {  	_ =	swait.ge [sflag:s28], $0x2000  }
0xd2: {  	[sflag:s28] =	ssyncset.done $0x0  }
0xd3: {  	s17 =	simm.s32 $0x6C0;
	[sflag:s28] =	ssyncadd.s32 $0xFFFFE000  }
0xd4: {  	[tilespmem:s10], [sflag:$0x8] =	stream.indirect.gather [hbm4b:s2+s29], $0x80, s17, s29, $0xb8;
	[tilespmem:$0x15900] =	vst v63  }
0xd5: {  	_ =	swait.ge [sflag:s25], $0x2000  }
0xd6: {  	[sflag:s25] =	ssyncset.done $0x0  }
0xd7: {  	s0 =	simm.s32 $0xA00;
	s1 =	sadd.s32 $0x2800, s5;
	[sflag:s25] =	ssyncadd.s32 $0xFFFFE000  }
.LBB2_2:
0xd8: {  	s8 =	simm.s32 $0x13900  }
0xd9: {  	[hbm4b:s5+s3] =	stream.linear.scatter [tilespmem:s8], [sflag:$0x14], $0x2000, $0x38;
	[tilespmem:$0x15900] =	vst v63  }
0xda: {  	s6 =	smov.u32 s0;
	s5 =	smov.u32 s1  }
0xdb: {  	p0 =	sne.s32 s0, $0x4600;
	s0 =	sadd.s32 $0xA00, s0;
	_ =	swait.ge [sflag:s30], $0x2000  }
0xdc: {  	s6 =	sshra.s32 s6, $0x2;
	[sflag:s30] =	ssyncset.done $0x0  }
0xdd: {  	s17 =	simm.s32 $0x11900;
	s7 =	sadd.s32 $0x480, s6;
	[sflag:s30] =	ssyncadd.s32 $0xFFFFE000  }
0xde: {  	[tilespmem:s17], [sflag:$0x9] =	stream.indirect.gather [hbm4b:s2+s29], $0x80, s7, s29, $0xb8;
	[tilespmem:$0x15900] =	vst v63  }
0xdf: {  	s7 =	simm.s32 $0x1  }
0xe0: {  	_ =	swait.ge [sflag:s7], $0x2000  }
0xe1: {  	[sflag:s7] =	ssyncset.done $0x0  }
0xe2: {  	s9 =	simm.s32 $0x1900;
	[sflag:s7] =	ssyncadd.s32 $0xFFFFE000;
	s7 =	sadd.s32 $0xFFFFDC00, s1  }
0xe3: {  	[hbm4b:s7+s3] =	stream.linear.scatter [tilespmem:s9], [sflag:$0xB], $0x2000, $0x38;
	[tilespmem:$0x15900] =	vst v63  }
0xe4: {  	_ =	swait.ge [sflag:s31], $0x2000  }
0xe5: {  	[sflag:s31] =	ssyncset.done $0x0  }
0xe6: {  	s7 =	sadd.s32 $0x4C0, s6;
	[sflag:s31] =	ssyncadd.s32 $0xFFFFE000  }
0xe7: {  	[tilespmem:s8], [sflag:$0xA] =	stream.indirect.gather [hbm4b:s2+s29], $0x80, s7, s29, $0xb8;
	[tilespmem:$0x15900] =	vst v63  }
0xe8: {  	s7 =	simm.s32 $0x2  }
0xe9: {  	_ =	swait.ge [sflag:s7], $0x2000  }
0xea: {  	[sflag:s7] =	ssyncset.done $0x0  }
0xeb: {  	s11 =	simm.s32 $0x3900;
	[sflag:s7] =	ssyncadd.s32 $0xFFFFE000;
	s7 =	sadd.s32 $0xFFFFE000, s1  }
0xec: {  	[hbm4b:s7+s3] =	stream.linear.scatter [tilespmem:s11], [sflag:$0xC], $0x2000, $0x38;
	[tilespmem:$0x15900] =	vst v63  }
0xed: {  	s7 =	simm.s32 $0xB  }
0xee: {  	_ =	swait.ge [sflag:s7], $0x2000  }
0xef: {  	[sflag:s7] =	ssyncset.done $0x0  }
0xf0: {  	[sflag:s7] =	ssyncadd.s32 $0xFFFFE000;
	s7 =	sadd.s32 $0x500, s6  }
0xf1: {  	[tilespmem:s9], [sflag:$0x1] =	stream.indirect.gather [hbm4b:s2+s29], $0x80, s7, s29, $0xb8;
	[tilespmem:$0x15900] =	vst v63  }
0xf2: {  	s8 =	simm.s32 $0x1900;
	s7 =	simm.s32 $0x3  }
0xf3: {  	_ =	swait.ge [sflag:s7], $0x2000  }
0xf4: {  	[sflag:s7] =	ssyncset.done $0x0  }
0xf5: {  	s10 =	simm.s32 $0x5900;
	[sflag:s7] =	ssyncadd.s32 $0xFFFFE000;
	s7 =	sadd.s32 $0xFFFFE400, s1  }
0xf6: {  	[hbm4b:s7+s3] =	stream.linear.scatter [tilespmem:s10], [sflag:$0xD], $0x2000, $0x38;
	[tilespmem:$0x15900] =	vst v63  }
0xf7: {  	s7 =	simm.s32 $0xC  }
0xf8: {  	_ =	swait.ge [sflag:s7], $0x2000  }
0xf9: {  	[sflag:s7] =	ssyncset.done $0x0  }
0xfa: {  	[sflag:s7] =	ssyncadd.s32 $0xFFFFE000;
	s7 =	sadd.s32 $0x540, s6  }
0xfb: {  	[tilespmem:s11], [sflag:$0x2] =	stream.indirect.gather [hbm4b:s2+s29], $0x80, s7, s29, $0xb8;
	[tilespmem:$0x15900] =	vst v63  }
0xfc: {  	s9 =	simm.s32 $0x3900;
	s7 =	simm.s32 $0x4  }
0xfd: {  	_ =	swait.ge [sflag:s7], $0x2000  }
0xfe: {  	[sflag:s7] =	ssyncset.done $0x0  }
0xff: {  	s12 =	simm.s32 $0x7900;
	[sflag:s7] =	ssyncadd.s32 $0xFFFFE000;
	s7 =	sadd.s32 $0xFFFFE800, s1  }
0x100: {  	[hbm4b:s7+s3] =	stream.linear.scatter [tilespmem:s12], [sflag:$0xE], $0x2000, $0x38;
	[tilespmem:$0x15900] =	vst v63  }
0x101: {  	s7 =	simm.s32 $0xD  }
0x102: {  	_ =	swait.ge [sflag:s7], $0x2000  }
0x103: {  	[sflag:s7] =	ssyncset.done $0x0  }
0x104: {  	s11 =	simm.s32 $0x5900;
	[sflag:s7] =	ssyncadd.s32 $0xFFFFE000;
	s7 =	sadd.s32 $0x580, s6  }
0x105: {  	[tilespmem:s10], [sflag:$0x3] =	stream.indirect.gather [hbm4b:s2+s29], $0x80, s7, s29, $0xb8;
	[tilespmem:$0x15900] =	vst v63  }
0x106: {  	_ =	swait.ge [sflag:s18], $0x2000  }
0x107: {  	[sflag:s18] =	ssyncset.done $0x0  }
0x108: {  	s13 =	simm.s32 $0x9900;
	s7 =	sadd.s32 $0xFFFFEC00, s1;
	[sflag:s18] =	ssyncadd.s32 $0xFFFFE000  }
0x109: {  	[hbm4b:s7+s3] =	stream.linear.scatter [tilespmem:s13], [sflag:$0xF], $0x2000, $0x38;
	[tilespmem:$0x15900] =	vst v63  }
0x10a: {  	_ =	swait.ge [sflag:s19], $0x2000  }
0x10b: {  	[sflag:s19] =	ssyncset.done $0x0  }
0x10c: {  	s10 =	simm.s32 $0x7900;
	s7 =	sadd.s32 $0x5C0, s6;
	[sflag:s19] =	ssyncadd.s32 $0xFFFFE000  }
0x10d: {  	[tilespmem:s12], [sflag:$0x4] =	stream.indirect.gather [hbm4b:s2+s29], $0x80, s7, s29, $0xb8;
	[tilespmem:$0x15900] =	vst v63  }
0x10e: {  	_ =	swait.ge [sflag:s20], $0x2000  }
0x10f: {  	[sflag:s20] =	ssyncset.done $0x0  }
0x110: {  	s14 =	simm.s32 $0xB900;
	s7 =	sadd.s32 $0xFFFFF000, s1;
	[sflag:s20] =	ssyncadd.s32 $0xFFFFE000  }
0x111: {  	[hbm4b:s7+s3] =	stream.linear.scatter [tilespmem:s14], [sflag:$0x10], $0x2000, $0x38;
	[tilespmem:$0x15900] =	vst v63  }
0x112: {  	_ =	swait.ge [sflag:s21], $0x2000  }
0x113: {  	[sflag:s21] =	ssyncset.done $0x0  }
0x114: {  	s12 =	simm.s32 $0x9900;
	s7 =	sadd.s32 $0x600, s6;
	[sflag:s21] =	ssyncadd.s32 $0xFFFFE000  }
0x115: {  	[tilespmem:s13], [sflag:$0x5] =	stream.indirect.gather [hbm4b:s2+s29], $0x80, s7, s29, $0xb8;
	[tilespmem:$0x15900] =	vst v63  }
0x116: {  	_ =	swait.ge [sflag:s22], $0x2000  }
0x117: {  	[sflag:s22] =	ssyncset.done $0x0  }
0x118: {  	s15 =	simm.s32 $0xD900;
	s7 =	sadd.s32 $0xFFFFF400, s1;
	[sflag:s22] =	ssyncadd.s32 $0xFFFFE000  }
0x119: {  	[hbm4b:s7+s3] =	stream.linear.scatter [tilespmem:s15], [sflag:$0x11], $0x2000, $0x38;
	[tilespmem:$0x15900] =	vst v63  }
0x11a: {  	_ =	swait.ge [sflag:s23], $0x2000  }
0x11b: {  	[sflag:s23] =	ssyncset.done $0x0  }
0x11c: {  	s13 =	simm.s32 $0xB900;
	s7 =	sadd.s32 $0x640, s6;
	[sflag:s23] =	ssyncadd.s32 $0xFFFFE000  }
0x11d: {  	[tilespmem:s14], [sflag:$0x6] =	stream.indirect.gather [hbm4b:s2+s29], $0x80, s7, s29, $0xb8;
	[tilespmem:$0x15900] =	vst v63  }
0x11e: {  	_ =	swait.ge [sflag:s24], $0x2000  }
0x11f: {  	[sflag:s24] =	ssyncset.done $0x0  }
0x120: {  	s16 =	simm.s32 $0xF900;
	s7 =	sadd.s32 $0xFFFFF800, s1;
	[sflag:s24] =	ssyncadd.s32 $0xFFFFE000  }
0x121: {  	[hbm4b:s7+s3] =	stream.linear.scatter [tilespmem:s16], [sflag:$0x12], $0x2000, $0x38;
	[tilespmem:$0x15900] =	vst v63  }
0x122: {  	_ =	swait.ge [sflag:s26], $0x2000  }
0x123: {  	[sflag:s26] =	ssyncset.done $0x0  }
0x124: {  	s14 =	simm.s32 $0xD900;
	s7 =	sadd.s32 $0x680, s6;
	[sflag:s26] =	ssyncadd.s32 $0xFFFFE000  }
0x125: {  	[tilespmem:s15], [sflag:$0x7] =	stream.indirect.gather [hbm4b:s2+s29], $0x80, s7, s29, $0xb8;
	[tilespmem:$0x15900] =	vst v63  }
0x126: {  	_ =	swait.ge [sflag:s4], $0x2000  }
0x127: {  	[sflag:s4] =	ssyncset.done $0x0  }
0x128: {  	s7 =	sadd.s32 $0xFFFFFC00, s1;
	[sflag:s4] =	ssyncadd.s32 $0xFFFFE000  }
0x129: {  	[hbm4b:s7+s3] =	stream.linear.scatter [tilespmem:s17], [sflag:$0x13], $0x2000, $0x38;
	[tilespmem:$0x15900] =	vst v63  }
0x12a: {  	_ =	swait.ge [sflag:s28], $0x2000  }
0x12b: {  	s6 =	sadd.s32 $0x6C0, s6;
	[sflag:s28] =	ssyncset.done $0x0  }
.Ltmp0:
0x12c: {  	s7 =	simm.s32 $0xF900;
	[sflag:s28] =	ssyncadd.s32 $0xFFFFE000;
	(pc) =	sbr.rel @p0 .LBB2_2-.Ltmp0, $4  }
0x12d: {  	[tilespmem:s16], [sflag:$0x8] =	stream.indirect.gather [hbm4b:s2+s29], $0x80, s6, s29, $0xb8;
	[tilespmem:$0x15900] =	vst v63  }
0x12e: {  	_ =	swait.ge [sflag:s25], $0x2000  }
0x12f: {  	[sflag:s25] =	ssyncset.done $0x0  }
0x130: {  	s1 =	sadd.s32 $0x2800, s1;
	[sflag:s25] =	ssyncadd.s32 $0xFFFFE000  }
0x131: {  	s6 =	simm.s32 $0x13900  }
0x132: {  	[hbm4b:s5+s3] =	stream.linear.scatter [tilespmem:s6], [sflag:$0x14], $0x2000, $0x38;
	[tilespmem:$0x15900] =	vst v63  }
0x133: {  	_ =	swait.ge [sflag:s30], $0x2000  }
0x134: {  	s1 =	simm.s32 $0x11900;
	[sflag:s30] =	ssyncset.done $0x0  }
0x135: {  	s0 =	simm.s32 $0x1880;
	s15 =	simm.s32 $0x1;
	[sflag:s30] =	ssyncadd.s32 $0xFFFFE000  }
0x136: {  	[tilespmem:s1], [sflag:$0x9] =	stream.indirect.gather [hbm4b:s2+s29], $0x80, s0, s29, $0xb8;
	[tilespmem:$0x15900] =	vst v63  }
0x137: {  	_ =	swait.ge [sflag:s15], $0x2000  }
0x138: {  	[sflag:s15] =	ssyncset.done $0x0  }
0x139: {  	s16 =	rddreg [dreg:$0xe];
	[sflag:s15] =	ssyncadd.s32 $0xFFFFE000  }
0x13a: {  	[hbm4b:s16+s3] =	stream.linear.scatter [tilespmem:s8], [sflag:$0xB], $0x2000, $0x38;
	[tilespmem:$0x15900] =	vst v63  }
0x13b: {  	_ =	swait.ge [sflag:s31], $0x2000  }
0x13c: {  	[sflag:s31] =	ssyncset.done $0x0  }
0x13d: {  	s17 =	simm.s32 $0x18C0;
	s5 =	simm.s32 $0x2;
	[sflag:s31] =	ssyncadd.s32 $0xFFFFE000  }
0x13e: {  	[tilespmem:s6], [sflag:$0xA] =	stream.indirect.gather [hbm4b:s2+s29], $0x80, s17, s29, $0xb8;
	[tilespmem:$0x15900] =	vst v63  }
0x13f: {  	_ =	swait.ge [sflag:s5], $0x2000  }
0x140: {  	[sflag:s5] =	ssyncset.done $0x0  }
0x141: {  	s8 =	rddreg [dreg:$0xf];
	[sflag:s5] =	ssyncadd.s32 $0xFFFFE000  }
0x142: {  	[hbm4b:s8+s3] =	stream.linear.scatter [tilespmem:s9], [sflag:$0xC], $0x2000, $0x38;
	[tilespmem:$0x15900] =	vst v63  }
0x143: {  	s9 =	simm.s32 $0x3  }
0x144: {  	_ =	swait.ge [sflag:s9], $0x2000  }
0x145: {  	[sflag:s9] =	ssyncset.done $0x0  }
0x146: {  	s16 =	simm.s32 $0x4;
	s15 =	rddreg [dreg:$0x10];
	[sflag:s9] =	ssyncadd.s32 $0xFFFFE000  }
0x147: {  	[hbm4b:s15+s3] =	stream.linear.scatter [tilespmem:s11], [sflag:$0xD], $0x2000, $0x38;
	[tilespmem:$0x15900] =	vst v63  }
0x148: {  	_ =	swait.ge [sflag:s16], $0x2000  }
0x149: {  	[sflag:s16] =	ssyncset.done $0x0  }
0x14a: {  	s17 =	rddreg [dreg:$0x11];
	[sflag:s16] =	ssyncadd.s32 $0xFFFFE000  }
0x14b: {  	[hbm4b:s17+s3] =	stream.linear.scatter [tilespmem:s10], [sflag:$0xE], $0x2000, $0x38;
	[tilespmem:$0x15900] =	vst v63  }
0x14c: {  	_ =	swait.ge [sflag:s18], $0x2000  }
0x14d: {  	[sflag:s18] =	ssyncset.done $0x0  }
0x14e: {  	s5 =	rddreg [dreg:$0x12];
	[sflag:s18] =	ssyncadd.s32 $0xFFFFE000  }
0x14f: {  	[hbm4b:s5+s3] =	stream.linear.scatter [tilespmem:s12], [sflag:$0xF], $0x2000, $0x38;
	[tilespmem:$0x15900] =	vst v63  }
0x150: {  	_ =	swait.ge [sflag:s20], $0x2000  }
0x151: {  	[sflag:s20] =	ssyncset.done $0x0  }
0x152: {  	s8 =	rddreg [dreg:$0x13];
	[sflag:s20] =	ssyncadd.s32 $0xFFFFE000  }
0x153: {  	[hbm4b:s8+s3] =	stream.linear.scatter [tilespmem:s13], [sflag:$0x10], $0x2000, $0x38;
	[tilespmem:$0x15900] =	vst v63  }
0x154: {  	_ =	swait.ge [sflag:s22], $0x2000  }
0x155: {  	[sflag:s22] =	ssyncset.done $0x0  }
0x156: {  	s9 =	rddreg [dreg:$0x14];
	[sflag:s22] =	ssyncadd.s32 $0xFFFFE000  }
0x157: {  	[hbm4b:s9+s3] =	stream.linear.scatter [tilespmem:s14], [sflag:$0x11], $0x2000, $0x38;
	[tilespmem:$0x15900] =	vst v63  }
0x158: {  	_ =	swait.ge [sflag:s24], $0x2000  }
0x159: {  	[sflag:s24] =	ssyncset.done $0x0  }
0x15a: {  	s10 =	rddreg [dreg:$0x15];
	[sflag:s24] =	ssyncadd.s32 $0xFFFFE000  }
0x15b: {  	[hbm4b:s10+s3] =	stream.linear.scatter [tilespmem:s7], [sflag:$0x12], $0x2000, $0x38;
	[tilespmem:$0x15900] =	vst v63  }
0x15c: {  	_ =	swait.ge [sflag:s4], $0x2000  }
0x15d: {  	[sflag:s4] =	ssyncset.done $0x0  }
0x15e: {  	s11 =	rddreg [dreg:$0x16];
	[sflag:s4] =	ssyncadd.s32 $0xFFFFE000  }
0x15f: {  	[hbm4b:s11+s3] =	stream.linear.scatter [tilespmem:s1], [sflag:$0x13], $0x2000, $0x38;
	[tilespmem:$0x15900] =	vst v63  }
0x160: {  	_ =	swait.ge [sflag:s25], $0x2000  }
0x161: {  	[sflag:s25] =	ssyncset.done $0x0  }
0x162: {  	s13 =	simm.s32 $0xB;
	s12 =	rddreg [dreg:$0x17];
	[sflag:s25] =	ssyncadd.s32 $0xFFFFE000  }
0x163: {  	[hbm4b:s12+s3] =	stream.linear.scatter [tilespmem:s6], [sflag:$0x14], $0x2000, $0x38;
	[tilespmem:$0x15900] =	vst v63  }
0x164: {  	_ =	swait.ge [sflag:s13], $0x2000  }
0x165: {  	[sflag:s13] =	ssyncset.done $0x0  }
0x166: {  	s14 =	simm.s32 $0xC;
	[sflag:s13] =	ssyncadd.s32 $0xFFFFE000  }
0x167: {  	_ =	swait.ge [sflag:s14], $0x2000  }
0x168: {  	[sflag:s14] =	ssyncset.done $0x0  }
0x169: {  	s15 =	simm.s32 $0xD;
	[sflag:s14] =	ssyncadd.s32 $0xFFFFE000  }
0x16a: {  	_ =	swait.ge [sflag:s15], $0x2000  }
0x16b: {  	[sflag:s15] =	ssyncset.done $0x0  }
0x16c: {  	[sflag:s15] =	ssyncadd.s32 $0xFFFFE000  }
0x16d: {  	_ =	swait.ge [sflag:s19], $0x2000  }
0x16e: {  	[sflag:s19] =	ssyncset.done $0x0  }
0x16f: {  	[sflag:s19] =	ssyncadd.s32 $0xFFFFE000  }
0x170: {  	_ =	swait.ge [sflag:s21], $0x2000  }
0x171: {  	[sflag:s21] =	ssyncset.done $0x0  }
0x172: {  	[sflag:s21] =	ssyncadd.s32 $0xFFFFE000  }
0x173: {  	_ =	swait.ge [sflag:s23], $0x2000  }
0x174: {  	[sflag:s23] =	ssyncset.done $0x0  }
0x175: {  	[sflag:s23] =	ssyncadd.s32 $0xFFFFE000  }
0x176: {  	_ =	swait.ge [sflag:s26], $0x2000  }
0x177: {  	[sflag:s26] =	ssyncset.done $0x0  }
0x178: {  	[sflag:s26] =	ssyncadd.s32 $0xFFFFE000  }
0x179: {  	_ =	swait.ge [sflag:s28], $0x2000  }
0x17a: {  	[sflag:s28] =	ssyncset.done $0x0  }
0x17b: {  	[sflag:s28] =	ssyncadd.s32 $0xFFFFE000  }
0x17c: {  	_ =	swait.ge [sflag:s30], $0x2000  }
0x17d: {  	[sflag:s30] =	ssyncset.done $0x0  }
0x17e: {  	[sflag:s30] =	ssyncadd.s32 $0xFFFFE000  }
0x17f: {  	_ =	swait.ge [sflag:s31], $0x2000  }
0x180: {  	s16 =	rddreg [dreg:$0x1b]  }
0x181: {  	s17 =	rddreg [dreg:$0x18];
	s1 =	sadd.s32 $0x1, s16  }
0x182: {  	p0 =	sne.s32 s1, s17  }
.Ltmp1:
0x183: {  	_ = 	snop;
	(pc) =	sbr.rel @p0 .LBB2_1-.Ltmp1, $3  }
0x184: {  	_ =	sdelay $0x1  }
0x185: {  	[sflag:s31] =	ssyncset.done $0x0  }
0x186: {  	[sflag:s31] =	ssyncadd.s32 $0xFFFFE000  }
0x187: {  	_ =	sfence.sel $0x180000  }
0x188: {  	[bflag:$0x0] =	sbarrier.arrive $0xFFFF  }
0x189: {  	_ =	strace $0x90000047  }
0x18a: {  	s0 =	stileid.u32;
	[bflag:$0x2] =	sbarrier.arrive $0xFFFF  }
0x18b: {  	p0 =	sne.s32 s0, $0x0;
	s0 =	rddreg [dreg:$0x3]  }
0x18c: {  	s0 =	sadd.s32 @!p0 $0x100000, s0  }
0x18d: {  	[sflag:s0] =	ssyncadd.tile.s32 @!p0 $0x1;
	_ =	shalt  }
.Lfunc_end2:
_tile_overlayer_lowered:
.L_overlay_start_2:
0x18e: {  	(tag) =	ssettag $0x2  }
0x18f: {  	s0 =	rddreg [dreg:$0x0];
	s2 =	stileid.u32  }
0x190: {  	s1 =	rddreg [dreg:$0x1];
	p0 =	sne.s32 s2, $0x0  }
0x191: {  	s3 =	rddreg [dreg:$0x2];
	[bflag:$0x3] =	sbarrier.arrive $0xFFFF;
	s2 =	simm.s32 @!p0 $0x1C15  }
0x192: {  	[timem:s3], [sflag:s2] =	dma.local @!p0 [hbm:s0], s1  }
0x193: {  	s0 =	simm.s32 @!p0 $0x15  }
0x194: {  	_ =	swait.ge @!p0 [sflag:s0], s1  }
0x195: {  	s1 =	ssub.s32 @!p0 $0x0, s1;
	[sflag:s0] =	ssyncset.done @!p0 $0x0  }
0x196: {  	[sflag:s0] =	ssyncadd.s32 @!p0 s1  }
0x197: {  	[bflag:$0x3] =	sbarrier.arrive $0xFFFF  }
0x198: {  	_ =	shalt  }

</sc_bundles>
